<compile_context>
chip_gen: v7x
topology: tpu7x:2x2x1
jax: 0.10.2.dev20260603
libtpu: 0.0.44.dev20260713+nightly
codegen_flags: <defaults>
</compile_context>

<pallas_src>
import functools

import jax
import jax.numpy as jnp
from jax import lax
from jax.experimental import pallas as pl
from jax.experimental.pallas import tpu as pltpu
from jax.experimental.pallas import tpu_sc as plsc

_N = 100000
_E = 1600000
_NP = 100352
_EP = 1605632
_NB = _EP // 128
_BT32 = _NB // 32
_BT16 = _NB // 16
_K = 8
_KP = 4
_NPT = _NP // 16
_ZRP = 196
_BN = 2048

_mesh = plsc.VectorSubcoreMesh(core_axis_name="c", subcore_axis_name="s")


def _elu(x):
    return jnp.where(x > 0.0, x, jnp.exp(jnp.minimum(x, 0.0)) - 1.0)


def _zero_acc(zbuf, acc, s, sem):
    descs = [
        pltpu.async_copy(zbuf, acc.at[pl.ds(s * _NPT + z * _ZRP, _ZRP)], sem)
        for z in range(_NPT // _ZRP)
    ]
    for d in descs:
        d.wait()


def _writeout(acc, wbuf, out, p, s, sem):
    del wbuf
    descs = [
        pltpu.async_copy(acc.at[pl.ds(s * _NPT + z * _ZRP, _ZRP)],
                         out.at[p, pl.ds(s * _NPT + z * _ZRP, _ZRP), :], sem)
        for z in range(_NPT // _ZRP)
    ]
    for d in descs:
        d.wait()


@functools.partial(
    pl.kernel,
    out_type=jax.ShapeDtypeStruct((2, _NP, 16), jnp.float32),
    mesh=_mesh,
    compiler_params=pltpu.CompilerParams(use_tc_tiling_on_sc=False),
    scratch_types=[
        pltpu.VMEM((_K, 2, 128), jnp.int32),
        pltpu.VMEM((128, 16), jnp.float32),
        pltpu.VMEM((_ZRP, 16), jnp.float32),
        pltpu.VMEM((_ZRP, 16), jnp.float32),
        pltpu.VMEM_SHARED((_NP, 16), jnp.float32),
        pltpu.SemaphoreType.DMA,
    ],
)
def _deg_kernel(rc, ones_hbm, zeros_hbm, out, sidx, ones_v, zbuf, wbuf,
                acc, sem):
    c = lax.axis_index("c")
    s = lax.axis_index("s")
    w = c * 16 + s
    pltpu.sync_copy(ones_hbm, ones_v)
    pltpu.sync_copy(zeros_hbm, zbuf)
    _zero_acc(zbuf, acc, s, sem)
    plsc.subcore_barrier()

    def body(i, carry):
        base = w * _BT32 + i * _K
        pltpu.sync_copy(rc.at[pl.ds(base, _K)], sidx)
        descs = [
            pltpu.async_copy(ones_v, acc.at[sidx.at[j, 1]], sem, add=True)
            for j in range(_K)
        ]
        for d in descs:
            d.wait()
        return carry

    lax.fori_loop(0, _BT32 // _K, body, 0)
    plsc.subcore_barrier()
    _writeout(acc, wbuf, out, c, s, sem)


@functools.partial(
    pl.kernel,
    out_type=jax.ShapeDtypeStruct((2, _NP, 16), jnp.float32),
    mesh=_mesh,
    compiler_params=pltpu.CompilerParams(use_tc_tiling_on_sc=False),
    scratch_types=[
        pltpu.VMEM((_KP, 2, 128), jnp.int32),
        pltpu.VMEM((_KP, 2, 128), jnp.int32),
        pltpu.VMEM((_KP * 128, 16), jnp.float32),
        pltpu.VMEM((_KP * 128, 16), jnp.float32),
        pltpu.VMEM((_ZRP, 16), jnp.float32),
        pltpu.VMEM((_ZRP, 16), jnp.float32),
        pltpu.VMEM_SHARED((_NP, 16), jnp.float32),
        pltpu.SemaphoreType.DMA,
        pltpu.SemaphoreType.DMA,
        pltpu.SemaphoreType.DMA,
    ],
)
def _prop16_kernel(tbl, rc, zeros_hbm, out,
                   rcA, rcB, rowsA, rowsB, zbuf, wbuf, acc,
                   semg, sems, semsb):
    c = lax.axis_index("c")
    s = lax.axis_index("s")
    w = c * 16 + s
    pltpu.sync_copy(zeros_hbm, zbuf)
    _zero_acc(zbuf, acc, s, semg)
    plsc.subcore_barrier()

    def _fire_gathers(rcb, rows, base):
        pltpu.sync_copy(rc.at[pl.ds(base, _KP)], rcb)
        return [
            pltpu.async_copy(tbl.at[rcb.at[j, 0]],
                             rows.at[pl.ds(j * 128, 128)], semg)
            for j in range(_KP)
        ]

    def _drain_b():
        for j in range(_KP):
            pltpu.make_async_copy(rowsB.at[pl.ds(j * 128, 128)],
                                  acc.at[rcB.at[j, 1]], semsb).wait()

    def body(i, carry):
        base = w * _BT32 + i * (2 * _KP)
        gA = _fire_gathers(rcA, rowsA, base)

        @pl.when(i > 0)
        def _():
            _drain_b()

        gB = _fire_gathers(rcB, rowsB, base + _KP)
        sds = []
        for j in range(_KP):
            gA[j].wait()
            sds.append(pltpu.async_copy(
                rowsA.at[pl.ds(j * 128, 128)],
                acc.at[rcA.at[j, 1]], sems, add=True))
        for j in range(_KP):
            gB[j].wait()
            pltpu.async_copy(rowsB.at[pl.ds(j * 128, 128)],
                             acc.at[rcB.at[j, 1]], semsb, add=True)
        for d in sds:
            d.wait()
        return carry

    lax.fori_loop(0, _BT32 // (2 * _KP), body, 0)
    _drain_b()
    plsc.subcore_barrier()
    _writeout(acc, wbuf, out, c, s, semg)


@functools.partial(
    pl.kernel,
    out_type=jax.ShapeDtypeStruct((8, _NP, 16), jnp.float32),
    mesh=_mesh,
    compiler_params=pltpu.CompilerParams(use_tc_tiling_on_sc=False),
    scratch_types=[
        pltpu.VMEM((_KP, 2, 128), jnp.int32),
        pltpu.VMEM((_KP, 2, 128), jnp.int32),
        pltpu.VMEM((_KP * 128, 16), jnp.float32),
        pltpu.VMEM((_KP * 128, 16), jnp.float32),
        pltpu.VMEM((_ZRP, 16), jnp.float32),
        pltpu.VMEM((_ZRP, 16), jnp.float32),
        pltpu.VMEM_SHARED((_NP, 16), jnp.float32),
        pltpu.SemaphoreType.DMA,
        pltpu.SemaphoreType.DMA,
        pltpu.SemaphoreType.DMA,
    ],
)
def _prop128_kernel(tbl, rc, zeros_hbm, out,
                    rcA, rcB, rowsA, rowsB, zbuf, wbuf, acc,
                    semg, sems, semsb):
    c = lax.axis_index("c")
    s = lax.axis_index("s")
    pltpu.sync_copy(zeros_hbm, zbuf)
    for pstep in range(4):
        p = pstep * 2 + c
        _zero_acc(zbuf, acc, s, semg)
        plsc.subcore_barrier()

        def _fire_gathers(rcb, rows, base):
            pltpu.sync_copy(rc.at[pl.ds(base, _KP)], rcb)
            for j in range(_KP):
                for l in range(8):
                    v = rcb[j, 0, pl.ds(l * 16, 16)]
                    rcb[j, 0, pl.ds(l * 16, 16)] = v * 8 + p
            return [
                pltpu.async_copy(tbl.at[rcb.at[j, 0]],
                                 rows.at[pl.ds(j * 128, 128)], semg)
                for j in range(_KP)
            ]

        def _drain_b():
            for j in range(_KP):
                pltpu.make_async_copy(rowsB.at[pl.ds(j * 128, 128)],
                                      acc.at[rcB.at[j, 1]], semsb).wait()

        def body(i, carry):
            base = s * _BT16 + i * (2 * _KP)
            gA = _fire_gathers(rcA, rowsA, base)

            @pl.when(i > 0)
            def _():
                _drain_b()

            gB = _fire_gathers(rcB, rowsB, base + _KP)
            sds = []
            for j in range(_KP):
                gA[j].wait()
                sds.append(pltpu.async_copy(
                    rowsA.at[pl.ds(j * 128, 128)],
                    acc.at[rcA.at[j, 1]], sems, add=True))
            for j in range(_KP):
                gB[j].wait()
                pltpu.async_copy(rowsB.at[pl.ds(j * 128, 128)],
                                 acc.at[rcB.at[j, 1]], semsb, add=True)
            for d in sds:
                d.wait()
            return carry

        lax.fori_loop(0, _BT16 // (2 * _KP), body, 0)
        _drain_b()
        plsc.subcore_barrier()
        _writeout(acc, wbuf, out, p, s, semg)
        plsc.subcore_barrier()


def _tca_body(deg_ref, x_ref, dis_ref, xs_ref):
    deg = deg_ref[0, :, 0:1] + deg_ref[1, :, 0:1]
    dis = jnp.where(deg > 0.0, lax.rsqrt(jnp.maximum(deg, 1e-12)), 0.0)
    dis_ref[...] = dis
    xs = dis * x_ref[...]
    xs_ref[...] = jnp.concatenate(
        [xs, jnp.zeros((xs.shape[0], 12), jnp.float32)], axis=1)


_tca = pl.pallas_call(
    _tca_body,
    grid=(_NP // _BN,),
    in_specs=[
        pl.BlockSpec((2, _BN, 16), lambda i: (0, i, 0)),
        pl.BlockSpec((_BN, 4), lambda i: (i, 0)),
    ],
    out_specs=[
        pl.BlockSpec((_BN, 1), lambda i: (i, 0)),
        pl.BlockSpec((_BN, 16), lambda i: (i, 0)),
    ],
    out_shape=[
        jax.ShapeDtypeStruct((_NP, 1), jnp.float32),
        jax.ShapeDtypeStruct((_NP, 16), jnp.float32),
    ],
)


def _tcb_body(x_ref, a0_ref, dis_ref, h00k_ref, h01k_ref, ys_ref):
    dis = dis_ref[...]
    p0 = dis * (a0_ref[0, :, 0:4] + a0_ref[1, :, 0:4])
    x = x_ref[...]
    y1 = _elu(jnp.dot(x, h00k_ref[...], preferred_element_type=jnp.float32)
              + jnp.dot(p0, h01k_ref[...], preferred_element_type=jnp.float32))
    ys_ref[...] = dis * y1


_tcb = pl.pallas_call(
    _tcb_body,
    grid=(_NP // _BN,),
    in_specs=[
        pl.BlockSpec((_BN, 4), lambda i: (i, 0)),
        pl.BlockSpec((2, _BN, 16), lambda i: (0, i, 0)),
        pl.BlockSpec((_BN, 1), lambda i: (i, 0)),
        pl.BlockSpec((4, 128), lambda i: (0, 0)),
        pl.BlockSpec((4, 128), lambda i: (0, 0)),
    ],
    out_specs=pl.BlockSpec((_BN, 128), lambda i: (i, 0)),
    out_shape=jax.ShapeDtypeStruct((_NP, 128), jnp.float32),
)


def _tcc_body(x_ref, a0_ref, dis_ref, a1_ref,
              h00k_ref, h01k_ref, h10k_ref, h11k_ref, h20k_ref, h21k_ref,
              w_ref, zs_ref):
    dis = dis_ref[...]
    p0 = dis * (a0_ref[0, :, 0:4] + a0_ref[1, :, 0:4])
    x = x_ref[...]
    a1 = a1_ref[...]
    y1 = _elu(jnp.dot(x, h00k_ref[...], preferred_element_type=jnp.float32)
              + jnp.dot(p0, h01k_ref[...], preferred_element_type=jnp.float32))
    p1 = dis * jnp.concatenate([a1[q] for q in range(8)], axis=1)
    y2 = _elu(
        jnp.dot(y1, h10k_ref[...], preferred_element_type=jnp.float32)
        + jnp.dot(p1, h11k_ref[...], preferred_element_type=jnp.float32))
    w_ref[...] = jnp.dot(y2, h20k_ref[...],
                         preferred_element_type=jnp.float32)
    zs = dis * jnp.dot(y2, h21k_ref[...], preferred_element_type=jnp.float32)
    zs_ref[...] = jnp.concatenate(
        [zs, jnp.zeros((zs.shape[0], 12), jnp.float32)], axis=1)


_tcc = pl.pallas_call(
    _tcc_body,
    grid=(_NP // _BN,),
    compiler_params=pltpu.CompilerParams(vmem_limit_bytes=100 * 1024 * 1024),
    in_specs=[
        pl.BlockSpec((_BN, 4), lambda i: (i, 0)),
        pl.BlockSpec((2, _BN, 16), lambda i: (0, i, 0)),
        pl.BlockSpec((_BN, 1), lambda i: (i, 0)),
        pl.BlockSpec((8, _BN, 16), lambda i: (0, i, 0)),
        pl.BlockSpec((4, 128), lambda i: (0, 0)),
        pl.BlockSpec((4, 128), lambda i: (0, 0)),
        pl.BlockSpec((128, 128), lambda i: (0, 0)),
        pl.BlockSpec((128, 128), lambda i: (0, 0)),
        pl.BlockSpec((128, 4), lambda i: (0, 0)),
        pl.BlockSpec((128, 4), lambda i: (0, 0)),
    ],
    out_specs=[
        pl.BlockSpec((_BN, 4), lambda i: (i, 0)),
        pl.BlockSpec((_BN, 16), lambda i: (i, 0)),
    ],
    out_shape=[
        jax.ShapeDtypeStruct((_NP, 4), jnp.float32),
        jax.ShapeDtypeStruct((_NP, 16), jnp.float32),
    ],
)


def _tcd_body(w_ref, dis_ref, a2_ref, o_ref):
    o_ref[...] = w_ref[...] + dis_ref[...] * (
        a2_ref[0, :, 0:4] + a2_ref[1, :, 0:4])


_tcd = pl.pallas_call(
    _tcd_body,
    grid=(_NP // _BN,),
    in_specs=[
        pl.BlockSpec((_BN, 4), lambda i: (i, 0)),
        pl.BlockSpec((_BN, 1), lambda i: (i, 0)),
        pl.BlockSpec((2, _BN, 16), lambda i: (0, i, 0)),
    ],
    out_specs=pl.BlockSpec((_BN, 4), lambda i: (i, 0)),
    out_shape=jax.ShapeDtypeStruct((_NP, 4), jnp.float32),
)




@jax.jit
def _stage1(X, edge_index):
    row = edge_index[0].astype(jnp.int32)
    col = edge_index[1].astype(jnp.int32)
    rowp = jnp.concatenate(
        [row, jnp.zeros((_EP - _E,), jnp.int32)]).reshape(_NB, 128)
    colp = jnp.concatenate(
        [col, jnp.full((_EP - _E,), _N, jnp.int32)]).reshape(_NB, 128)
    rc = jnp.stack([rowp, colp], axis=1)
    Xp = jnp.pad(X, ((0, _NP - _N), (0, 0)))
    deg2 = _deg_kernel(rc, jnp.ones((128, 16), jnp.float32),
                       jnp.zeros((_ZRP, 16), jnp.float32))
    dis, xs = _tca(deg2, Xp)
    return rc, Xp, dis, xs


def _kron4(h):
    return jnp.kron(jnp.eye(4, dtype=jnp.float32), h)


@jax.jit
def _stage2(rc, Xp, dis, xs, H0_0, H0_1):
    acc0 = _prop16_kernel(xs, rc, jnp.zeros((_ZRP, 16), jnp.float32))
    ys1 = _tcb(Xp, acc0, dis, _kron4(H0_0), _kron4(H0_1))
    return acc0, ys1


@jax.jit
def _stage3(rc, Xp, dis, acc0, ys1,
            H0_0, H0_1, H1_0, H1_1, H2_0, H2_1):
    acc1 = _prop128_kernel(ys1.reshape(_NP * 8, 16), rc,
                           jnp.zeros((_ZRP, 16), jnp.float32))
    w4, zs = _tcc(Xp, acc0, dis, acc1, _kron4(H0_0), _kron4(H0_1),
                  _kron4(H1_0), _kron4(H1_1), _kron4(H2_0), _kron4(H2_1))
    return w4, zs


@jax.jit
def _stage4(rc, dis, w4, zs):
    acc2 = _prop16_kernel(zs, rc, jnp.zeros((_ZRP, 16), jnp.float32))
    out = _tcd(w4, dis, acc2)
    return out[:_N]


def kernel(X, edge_index, H0_0, H0_1, H1_0, H1_1, H2_0, H2_1):
    rc, Xp, dis, xs = _stage1(X, edge_index)
    acc0, ys1 = _stage2(rc, Xp, dis, xs, H0_0, H0_1)
    w4, zs = _stage3(rc, Xp, dis, acc0, ys1,
                     H0_0, H0_1, H1_0, H1_1, H2_0, H2_1)
    return _stage4(rc, dis, w4, zs)

# --- scband reference (transcript-rebuilt; emitter-appended) ---
"""Pipeline reference for scband-node-gnn-15401752723891 (READ-ONLY COPY).

The authoritative reference and input builder live on the scoring server;
editing this copy changes nothing except your own understanding.
"""

import jax, jax.numpy as jnp
import numpy as np

N_NODES = 100000
N_EDGES = 1600000
D_F = [32, 32]
SIG = 4


def _conv(X, H0, H1, row, col, n):
    X1 = jnp.matmul(X, H0)
    X2 = jnp.matmul(X, H1)
    deg = jnp.zeros((n,), dtype=X.dtype).at[col].add(1.0)
    deg_inv_sqrt = jnp.where(deg > 0, 1.0 / jnp.sqrt(jnp.maximum(deg, 1e-12)), 0.0)
    norm = deg_inv_sqrt[row] * deg_inv_sqrt[col]
    msg = norm[:, None] * X2[row]
    agg = jnp.zeros_like(X1).at[col].add(msg)
    return X1 + agg


def setup_inputs(seed: int = 0) -> dict:
    key = jax.random.key(seed)
    ks = jax.random.split(key, 9)
    X = jax.random.normal(ks[0], (N_NODES, SIG), dtype=jnp.float32)
    edge_index = jax.random.randint(ks[1], (2, N_EDGES), 0, N_NODES, dtype=jnp.int64)
    # conv dims: (1, 32), (32, 32), (32, 1); each conv has 2 params (torch.rand -> uniform[0,1))
    dims = [(1, D_F[0]), (D_F[0], D_F[1]), (D_F[1], 1)]
    inp = {"X": X, "edge_index": edge_index}
    kidx = 2
    for li, (di, do) in enumerate(dims):
        for ti in range(2):
            inp[f"H{li}_{ti}"] = jax.random.uniform(ks[kidx], (di, do), dtype=jnp.float32)
            kidx += 1
    return inp


def reference(X, edge_index, H0_0, H0_1, H1_0, H1_1, H2_0, H2_1):
    row = edge_index[0]
    col = edge_index[1]
    n = X.shape[0]
    Hs = [(H0_0, H0_1), (H1_0, H1_1), (H2_0, H2_1)]
    cols_out = []
    for i in range(X.shape[1]):
        Xi = X[:, i:i + 1]
        for (a, b) in Hs[:-1]:
            Xi = _conv(Xi, a, b, row, col, n)
            Xi = jax.nn.elu(Xi)
        Xi = _conv(Xi, Hs[-1][0], Hs[-1][1], row, col, n)
        cols_out.append(Xi[:, 0])
    return jnp.stack(cols_out, axis=1)

if __name__ == "__main__":
    import jax
    _d = setup_inputs()
    print(jax.jit(kernel)(*tuple(_d.values())))

</pallas_src>

<mosaic_0001>
#map = affine_map<(d0, d1) -> (0, 0, 0)>
#map1 = affine_map<(d0, d1) -> (0, 0)>
module attributes {stable_mosaic.version = 14 : i64} {
  func.func @_deg_kernel(%arg0: i32, %arg1: i32, %arg2: memref<12544x2x128xi32, #tpu.memory_space<hbm>>, %arg3: memref<128x16xf32, #tpu.memory_space<hbm>>, %arg4: memref<196x16xf32, #tpu.memory_space<hbm>>, %arg5: memref<2x100352x16xf32, #tpu.memory_space<hbm>>, %arg6: memref<8x2x128xi32, #tpu.memory_space<vmem>>, %arg7: memref<128x16xf32, #tpu.memory_space<vmem>>, %arg8: memref<196x16xf32, #tpu.memory_space<vmem>>, %arg9: memref<196x16xf32, #tpu.memory_space<vmem>>, %arg10: memref<100352x16xf32, #tpu.memory_space<vmem_shared>>, %arg11: memref<!tpu.dma_semaphore, #tpu.memory_space<semaphore_mem>>) attributes {dimension_semantics = [#tpu.dimension_semantics<core_parallel>, #tpu.dimension_semantics<subcore_parallel>], iteration_bounds = array<i64: 2, 16>, scalar_prefetch = 0 : i64, scratch_operands = 6 : i64, tpu.core_type = #tpu.core_type<sc_vector_subcore>, window_params = [{transform_indices = #map}, {transform_indices = #map1}, {transform_indices = #map1}, {transform_indices = #map}]} {
    %mul3A = arith.constant 16 : i32
    %mul3A_0 = arith.muli %arg0, %mul3A : i32
    %add3A = arith.addi %mul3A_0, %arg1 : i32
    "tpu.region"() ({
      %run_scoped3A = tpu.sem_alloc : memref<!tpu.dma_semaphore, #tpu.memory_space<semaphore_mem>>
      tpu.enqueue_dma source(%arg3 : memref<128x16xf32, #tpu.memory_space<hbm>>) target(%arg7 : memref<128x16xf32, #tpu.memory_space<vmem>>) target_semaphore(%run_scoped3A : memref<!tpu.dma_semaphore, #tpu.memory_space<semaphore_mem>>)
      tpu.wait_dma2 semaphore(%run_scoped3A : memref<!tpu.dma_semaphore, #tpu.memory_space<semaphore_mem>>) src(%arg3 : memref<128x16xf32, #tpu.memory_space<hbm>>) dst(%arg7 : memref<128x16xf32, #tpu.memory_space<vmem>>)
      tpu.yield
    }) : () -> ()
    "tpu.region"() ({
      %run_scoped3A = tpu.sem_alloc : memref<!tpu.dma_semaphore, #tpu.memory_space<semaphore_mem>>
      tpu.enqueue_dma source(%arg4 : memref<196x16xf32, #tpu.memory_space<hbm>>) target(%arg8 : memref<196x16xf32, #tpu.memory_space<vmem>>) target_semaphore(%run_scoped3A : memref<!tpu.dma_semaphore, #tpu.memory_space<semaphore_mem>>)
      tpu.wait_dma2 semaphore(%run_scoped3A : memref<!tpu.dma_semaphore, #tpu.memory_space<semaphore_mem>>) src(%arg4 : memref<196x16xf32, #tpu.memory_space<hbm>>) dst(%arg8 : memref<196x16xf32, #tpu.memory_space<vmem>>)
      tpu.yield
    }) : () -> ()
    %mul3A_1 = arith.constant 6272 : i32
    %mul3A_2 = arith.muli %arg1, %mul3A_1 : i32
    %add3A_3 = arith.constant 0 : i32
    %add3A_4 = arith.addi %mul3A_2, %add3A_3 : i32
    %dma_start3A = arith.constant 0 : i32
    %dma_start3A_5 = tpu.memref_slice %arg10[%add3A_4, %dma_start3A] : memref<100352x16xf32, #tpu.memory_space<vmem_shared>> -> memref<196x16xf32, #tpu.memory_space<vmem_shared>>
    %dma_start3A_6 = arith.constant 0 : i32
    %dma_start3A_7 = tpu.memref_slice %arg10[%add3A_4, %dma_start3A_6] : memref<100352x16xf32, #tpu.memory_space<vmem_shared>> -> memref<196x16xf32, #tpu.memory_space<vmem_shared>>
    tpu.enqueue_dma source(%arg8 : memref<196x16xf32, #tpu.memory_space<vmem>>) target(%dma_start3A_7 : memref<196x16xf32, #tpu.memory_space<vmem_shared>>) target_semaphore(%arg11 : memref<!tpu.dma_semaphore, #tpu.memory_space<semaphore_mem>>)
    %mul3A_8 = arith.constant 6272 : i32
    %mul3A_9 = arith.muli %arg1, %mul3A_8 : i32
    %add3A_10 = arith.constant 196 : i32
    %add3A_11 = arith.addi %mul3A_9, %add3A_10 : i32
    %dma_start3A_12 = arith.constant 0 : i32
    %dma_start3A_13 = tpu.memref_slice %arg10[%add3A_11, %dma_start3A_12] : memref<100352x16xf32, #tpu.memory_space<vmem_shared>> -> memref<196x16xf32, #tpu.memory_space<vmem_shared>>
    %dma_start3A_14 = arith.constant 0 : i32
    %dma_start3A_15 = tpu.memref_slice %arg10[%add3A_11, %dma_start3A_14] : memref<100352x16xf32, #tpu.memory_space<vmem_shared>> -> memref<196x16xf32, #tpu.memory_space<vmem_shared>>
    tpu.enqueue_dma source(%arg8 : memref<196x16xf32, #tpu.memory_space<vmem>>) target(%dma_start3A_15 : memref<196x16xf32, #tpu.memory_space<vmem_shared>>) target_semaphore(%arg11 : memref<!tpu.dma_semaphore, #tpu.memory_space<semaphore_mem>>)
    %mul3A_16 = arith.constant 6272 : i32
    %mul3A_17 = arith.muli %arg1, %mul3A_16 : i32
    %add3A_18 = arith.constant 392 : i32
    %add3A_19 = arith.addi %mul3A_17, %add3A_18 : i32
    %dma_start3A_20 = arith.constant 0 : i32
    %dma_start3A_21 = tpu.memref_slice %arg10[%add3A_19, %dma_start3A_20] : memref<100352x16xf32, #tpu.memory_space<vmem_shared>> -> memref<196x16xf32, #tpu.memory_space<vmem_shared>>
    %dma_start3A_22 = arith.constant 0 : i32
    %dma_start3A_23 = tpu.memref_slice %arg10[%add3A_19, %dma_start3A_22] : memref<100352x16xf32, #tpu.memory_space<vmem_shared>> -> memref<196x16xf32, #tpu.memory_space<vmem_shared>>
    tpu.enqueue_dma source(%arg8 : memref<196x16xf32, #tpu.memory_space<vmem>>) target(%dma_start3A_23 : memref<196x16xf32, #tpu.memory_space<vmem_shared>>) target_semaphore(%arg11 : memref<!tpu.dma_semaphore, #tpu.memory_space<semaphore_mem>>)
    %mul3A_24 = arith.constant 6272 : i32
    %mul3A_25 = arith.muli %arg1, %mul3A_24 : i32
    %add3A_26 = arith.constant 588 : i32
    %add3A_27 = arith.addi %mul3A_25, %add3A_26 : i32
    %dma_start3A_28 = arith.constant 0 : i32
    %dma_start3A_29 = tpu.memref_slice %arg10[%add3A_27, %dma_start3A_28] : memref<100352x16xf32, #tpu.memory_space<vmem_shared>> -> memref<196x16xf32, #tpu.memory_space<vmem_shared>>
    %dma_start3A_30 = arith.constant 0 : i32
    %dma_start3A_31 = tpu.memref_slice %arg10[%add3A_27, %dma_start3A_30] : memref<100352x16xf32, #tpu.memory_space<vmem_shared>> -> memref<196x16xf32, #tpu.memory_space<vmem_shared>>
    tpu.enqueue_dma source(%arg8 : memref<196x16xf32, #tpu.memory_space<vmem>>) target(%dma_start3A_31 : memref<196x16xf32, #tpu.memory_space<vmem_shared>>) target_semaphore(%arg11 : memref<!tpu.dma_semaphore, #tpu.memory_space<semaphore_mem>>)
    %mul3A_32 = arith.constant 6272 : i32
    %mul3A_33 = arith.muli %arg1, %mul3A_32 : i32
    %add3A_34 = arith.constant 784 : i32
    %add3A_35 = arith.addi %mul3A_33, %add3A_34 : i32
    %dma_start3A_36 = arith.constant 0 : i32
    %dma_start3A_37 = tpu.memref_slice %arg10[%add3A_35, %dma_start3A_36] : memref<100352x16xf32, #tpu.memory_space<vmem_shared>> -> memref<196x16xf32, #tpu.memory_space<vmem_shared>>
    %dma_start3A_38 = arith.constant 0 : i32
    %dma_start3A_39 = tpu.memref_slice %arg10[%add3A_35, %dma_start3A_38] : memref<100352x16xf32, #tpu.memory_space<vmem_shared>> -> memref<196x16xf32, #tpu.memory_space<vmem_shared>>
    tpu.enqueue_dma source(%arg8 : memref<196x16xf32, #tpu.memory_space<vmem>>) target(%dma_start3A_39 : memref<196x16xf32, #tpu.memory_space<vmem_shared>>) target_semaphore(%arg11 : memref<!tpu.dma_semaphore, #tpu.memory_space<semaphore_mem>>)
    %mul3A_40 = arith.constant 6272 : i32
    %mul3A_41 = arith.muli %arg1, %mul3A_40 : i32
    %add3A_42 = arith.constant 980 : i32
    %add3A_43 = arith.addi %mul3A_41, %add3A_42 : i32
    %dma_start3A_44 = arith.constant 0 : i32
    %dma_start3A_45 = tpu.memref_slice %arg10[%add3A_43, %dma_start3A_44] : memref<100352x16xf32, #tpu.memory_space<vmem_shared>> -> memref<196x16xf32, #tpu.memory_space<vmem_shared>>
    %dma_start3A_46 = arith.constant 0 : i32
    %dma_start3A_47 = tpu.memref_slice %arg10[%add3A_43, %dma_start3A_46] : memref<100352x16xf32, #tpu.memory_space<vmem_shared>> -> memref<196x16xf32, #tpu.memory_space<vmem_shared>>
    tpu.enqueue_dma source(%arg8 : memref<196x16xf32, #tpu.memory_space<vmem>>) target(%dma_start3A_47 : memref<196x16xf32, #tpu.memory_space<vmem_shared>>) target_semaphore(%arg11 : memref<!tpu.dma_semaphore, #tpu.memory_space<semaphore_mem>>)
    %mul3A_48 = arith.constant 6272 : i32
    %mul3A_49 = arith.muli %arg1, %mul3A_48 : i32
    %add3A_50 = arith.constant 1176 : i32
    %add3A_51 = arith.addi %mul3A_49, %add3A_50 : i32
    %dma_start3A_52 = arith.constant 0 : i32
    %dma_start3A_53 = tpu.memref_slice %arg10[%add3A_51, %dma_start3A_52] : memref<100352x16xf32, #tpu.memory_space<vmem_shared>> -> memref<196x16xf32, #tpu.memory_space<vmem_shared>>
    %dma_start3A_54 = arith.constant 0 : i32
    %dma_start3A_55 = tpu.memref_slice %arg10[%add3A_51, %dma_start3A_54] : memref<100352x16xf32, #tpu.memory_space<vmem_shared>> -> memref<196x16xf32, #tpu.memory_space<vmem_shared>>
    tpu.enqueue_dma source(%arg8 : memref<196x16xf32, #tpu.memory_space<vmem>>) target(%dma_start3A_55 : memref<196x16xf32, #tpu.memory_space<vmem_shared>>) target_semaphore(%arg11 : memref<!tpu.dma_semaphore, #tpu.memory_space<semaphore_mem>>)
    %mul3A_56 = arith.constant 6272 : i32
    %mul3A_57 = arith.muli %arg1, %mul3A_56 : i32
    %add3A_58 = arith.constant 1372 : i32
    %add3A_59 = arith.addi %mul3A_57, %add3A_58 : i32
    %dma_start3A_60 = arith.constant 0 : i32
    %dma_start3A_61 = tpu.memref_slice %arg10[%add3A_59, %dma_start3A_60] : memref<100352x16xf32, #tpu.memory_space<vmem_shared>> -> memref<196x16xf32, #tpu.memory_space<vmem_shared>>
    %dma_start3A_62 = arith.constant 0 : i32
    %dma_start3A_63 = tpu.memref_slice %arg10[%add3A_59, %dma_start3A_62] : memref<100352x16xf32, #tpu.memory_space<vmem_shared>> -> memref<196x16xf32, #tpu.memory_space<vmem_shared>>
    tpu.enqueue_dma source(%arg8 : memref<196x16xf32, #tpu.memory_space<vmem>>) target(%dma_start3A_63 : memref<196x16xf32, #tpu.memory_space<vmem_shared>>) target_semaphore(%arg11 : memref<!tpu.dma_semaphore, #tpu.memory_space<semaphore_mem>>)
    %mul3A_64 = arith.constant 6272 : i32
    %mul3A_65 = arith.muli %arg1, %mul3A_64 : i32
    %add3A_66 = arith.constant 1568 : i32
    %add3A_67 = arith.addi %mul3A_65, %add3A_66 : i32
    %dma_start3A_68 = arith.constant 0 : i32
    %dma_start3A_69 = tpu.memref_slice %arg10[%add3A_67, %dma_start3A_68] : memref<100352x16xf32, #tpu.memory_space<vmem_shared>> -> memref<196x16xf32, #tpu.memory_space<vmem_shared>>
    %dma_start3A_70 = arith.constant 0 : i32
    %dma_start3A_71 = tpu.memref_slice %arg10[%add3A_67, %dma_start3A_70] : memref<100352x16xf32, #tpu.memory_space<vmem_shared>> -> memref<196x16xf32, #tpu.memory_space<vmem_shared>>
    tpu.enqueue_dma source(%arg8 : memref<196x16xf32, #tpu.memory_space<vmem>>) target(%dma_start3A_71 : memref<196x16xf32, #tpu.memory_space<vmem_shared>>) target_semaphore(%arg11 : memref<!tpu.dma_semaphore, #tpu.memory_space<semaphore_mem>>)
    %mul3A_72 = arith.constant 6272 : i32
    %mul3A_73 = arith.muli %arg1, %mul3A_72 : i32
    %add3A_74 = arith.constant 1764 : i32
    %add3A_75 = arith.addi %mul3A_73, %add3A_74 : i32
    %dma_start3A_76 = arith.constant 0 : i32
    %dma_start3A_77 = tpu.memref_slice %arg10[%add3A_75, %dma_start3A_76] : memref<100352x16xf32, #tpu.memory_space<vmem_shared>> -> memref<196x16xf32, #tpu.memory_space<vmem_shared>>
    %dma_start3A_78 = arith.constant 0 : i32
    %dma_start3A_79 = tpu.memref_slice %arg10[%add3A_75, %dma_start3A_78] : memref<100352x16xf32, #tpu.memory_space<vmem_shared>> -> memref<196x16xf32, #tpu.memory_space<vmem_shared>>
    tpu.enqueue_dma source(%arg8 : memref<196x16xf32, #tpu.memory_space<vmem>>) target(%dma_start3A_79 : memref<196x16xf32, #tpu.memory_space<vmem_shared>>) target_semaphore(%arg11 : memref<!tpu.dma_semaphore, #tpu.memory_space<semaphore_mem>>)
    %mul3A_80 = arith.constant 6272 : i32
    %mul3A_81 = arith.muli %arg1, %mul3A_80 : i32
    %add3A_82 = arith.constant 1960 : i32
    %add3A_83 = arith.addi %mul3A_81, %add3A_82 : i32
    %dma_start3A_84 = arith.constant 0 : i32
    %dma_start3A_85 = tpu.memref_slice %arg10[%add3A_83, %dma_start3A_84] : memref<100352x16xf32, #tpu.memory_space<vmem_shared>> -> memref<196x16xf32, #tpu.memory_space<vmem_shared>>
    %dma_start3A_86 = arith.constant 0 : i32
    %dma_start3A_87 = tpu.memref_slice %arg10[%add3A_83, %dma_start3A_86] : memref<100352x16xf32, #tpu.memory_space<vmem_shared>> -> memref<196x16xf32, #tpu.memory_space<vmem_shared>>
    tpu.enqueue_dma source(%arg8 : memref<196x16xf32, #tpu.memory_space<vmem>>) target(%dma_start3A_87 : memref<196x16xf32, #tpu.memory_space<vmem_shared>>) target_semaphore(%arg11 : memref<!tpu.dma_semaphore, #tpu.memory_space<semaphore_mem>>)
    %mul3A_88 = arith.constant 6272 : i32
    %mul3A_89 = arith.muli %arg1, %mul3A_88 : i32
    %add3A_90 = arith.constant 2156 : i32
    %add3A_91 = arith.addi %mul3A_89, %add3A_90 : i32
    %dma_start3A_92 = arith.constant 0 : i32
    %dma_start3A_93 = tpu.memref_slice %arg10[%add3A_91, %dma_start3A_92] : memref<100352x16xf32, #tpu.memory_space<vmem_shared>> -> memref<196x16xf32, #tpu.memory_space<vmem_shared>>
    %dma_start3A_94 = arith.constant 0 : i32
    %dma_start3A_95 = tpu.memref_slice %arg10[%add3A_91, %dma_start3A_94] : memref<100352x16xf32, #tpu.memory_space<vmem_shared>> -> memref<196x16xf32, #tpu.memory_space<vmem_shared>>
    tpu.enqueue_dma source(%arg8 : memref<196x16xf32, #tpu.memory_space<vmem>>) target(%dma_start3A_95 : memref<196x16xf32, #tpu.memory_space<vmem_shared>>) target_semaphore(%arg11 : memref<!tpu.dma_semaphore, #tpu.memory_space<semaphore_mem>>)
    %mul3A_96 = arith.constant 6272 : i32
    %mul3A_97 = arith.muli %arg1, %mul3A_96 : i32
    %add3A_98 = arith.constant 2352 : i32
    %add3A_99 = arith.addi %mul3A_97, %add3A_98 : i32
    %dma_start3A_100 = arith.constant 0 : i32
    %dma_start3A_101 = tpu.memref_slice %arg10[%add3A_99, %dma_start3A_100] : memref<100352x16xf32, #tpu.memory_space<vmem_shared>> -> memref<196x16xf32, #tpu.memory_space<vmem_shared>>
    %dma_start3A_102 = arith.constant 0 : i32
    %dma_start3A_103 = tpu.memref_slice %arg10[%add3A_99, %dma_start3A_102] : memref<100352x16xf32, #tpu.memory_space<vmem_shared>> -> memref<196x16xf32, #tpu.memory_space<vmem_shared>>
    tpu.enqueue_dma source(%arg8 : memref<196x16xf32, #tpu.memory_space<vmem>>) target(%dma_start3A_103 : memref<196x16xf32, #tpu.memory_space<vmem_shared>>) target_semaphore(%arg11 : memref<!tpu.dma_semaphore, #tpu.memory_space<semaphore_mem>>)
    %mul3A_104 = arith.constant 6272 : i32
    %mul3A_105 = arith.muli %arg1, %mul3A_104 : i32
    %add3A_106 = arith.constant 2548 : i32
    %add3A_107 = arith.addi %mul3A_105, %add3A_106 : i32
    %dma_start3A_108 = arith.constant 0 : i32
    %dma_start3A_109 = tpu.memref_slice %arg10[%add3A_107, %dma_start3A_108] : memref<100352x16xf32, #tpu.memory_space<vmem_shared>> -> memref<196x16xf32, #tpu.memory_space<vmem_shared>>
    %dma_start3A_110 = arith.constant 0 : i32
    %dma_start3A_111 = tpu.memref_slice %arg10[%add3A_107, %dma_start3A_110] : memref<100352x16xf32, #tpu.memory_space<vmem_shared>> -> memref<196x16xf32, #tpu.memory_space<vmem_shared>>
    tpu.enqueue_dma source(%arg8 : memref<196x16xf32, #tpu.memory_space<vmem>>) target(%dma_start3A_111 : memref<196x16xf32, #tpu.memory_space<vmem_shared>>) target_semaphore(%arg11 : memref<!tpu.dma_semaphore, #tpu.memory_space<semaphore_mem>>)
    %mul3A_112 = arith.constant 6272 : i32
    %mul3A_113 = arith.muli %arg1, %mul3A_112 : i32
    %add3A_114 = arith.constant 2744 : i32
    %add3A_115 = arith.addi %mul3A_113, %add3A_114 : i32
    %dma_start3A_116 = arith.constant 0 : i32
    %dma_start3A_117 = tpu.memref_slice %arg10[%add3A_115, %dma_start3A_116] : memref<100352x16xf32, #tpu.memory_space<vmem_shared>> -> memref<196x16xf32, #tpu.memory_space<vmem_shared>>
    %dma_start3A_118 = arith.constant 0 : i32
    %dma_start3A_119 = tpu.memref_slice %arg10[%add3A_115, %dma_start3A_118] : memref<100352x16xf32, #tpu.memory_space<vmem_shared>> -> memref<196x16xf32, #tpu.memory_space<vmem_shared>>
    tpu.enqueue_dma source(%arg8 : memref<196x16xf32, #tpu.memory_space<vmem>>) target(%dma_start3A_119 : memref<196x16xf32, #tpu.memory_space<vmem_shared>>) target_semaphore(%arg11 : memref<!tpu.dma_semaphore, #tpu.memory_space<semaphore_mem>>)
    %mul3A_120 = arith.constant 6272 : i32
    %mul3A_121 = arith.muli %arg1, %mul3A_120 : i32
    %add3A_122 = arith.constant 2940 : i32
    %add3A_123 = arith.addi %mul3A_121, %add3A_122 : i32
    %dma_start3A_124 = arith.constant 0 : i32
    %dma_start3A_125 = tpu.memref_slice %arg10[%add3A_123, %dma_start3A_124] : memref<100352x16xf32, #tpu.memory_space<vmem_shared>> -> memref<196x16xf32, #tpu.memory_space<vmem_shared>>
    %dma_start3A_126 = arith.constant 0 : i32
    %dma_start3A_127 = tpu.memref_slice %arg10[%add3A_123, %dma_start3A_126] : memref<100352x16xf32, #tpu.memory_space<vmem_shared>> -> memref<196x16xf32, #tpu.memory_space<vmem_shared>>
    tpu.enqueue_dma source(%arg8 : memref<196x16xf32, #tpu.memory_space<vmem>>) target(%dma_start3A_127 : memref<196x16xf32, #tpu.memory_space<vmem_shared>>) target_semaphore(%arg11 : memref<!tpu.dma_semaphore, #tpu.memory_space<semaphore_mem>>)
    %mul3A_128 = arith.constant 6272 : i32
    %mul3A_129 = arith.muli %arg1, %mul3A_128 : i32
    %add3A_130 = arith.constant 3136 : i32
    %add3A_131 = arith.addi %mul3A_129, %add3A_130 : i32
    %dma_start3A_132 = arith.constant 0 : i32
    %dma_start3A_133 = tpu.memref_slice %arg10[%add3A_131, %dma_start3A_132] : memref<100352x16xf32, #tpu.memory_space<vmem_shared>> -> memref<196x16xf32, #tpu.memory_space<vmem_shared>>
    %dma_start3A_134 = arith.constant 0 : i32
    %dma_start3A_135 = tpu.memref_slice %arg10[%add3A_131, %dma_start3A_134] : memref<100352x16xf32, #tpu.memory_space<vmem_shared>> -> memref<196x16xf32, #tpu.memory_space<vmem_shared>>
    tpu.enqueue_dma source(%arg8 : memref<196x16xf32, #tpu.memory_space<vmem>>) target(%dma_start3A_135 : memref<196x16xf32, #tpu.memory_space<vmem_shared>>) target_semaphore(%arg11 : memref<!tpu.dma_semaphore, #tpu.memory_space<semaphore_mem>>)
    %mul3A_136 = arith.constant 6272 : i32
    %mul3A_137 = arith.muli %arg1, %mul3A_136 : i32
    %add3A_138 = arith.constant 3332 : i32
    %add3A_139 = arith.addi %mul3A_137, %add3A_138 : i32
    %dma_start3A_140 = arith.constant 0 : i32
    %dma_start3A_141 = tpu.memref_slice %arg10[%add3A_139, %dma_start3A_140] : memref<100352x16xf32, #tpu.memory_space<vmem_shared>> -> memref<196x16xf32, #tpu.memory_space<vmem_shared>>
    %dma_start3A_142 = arith.constant 0 : i32
    %dma_start3A_143 = tpu.memref_slice %arg10[%add3A_139, %dma_start3A_142] : memref<100352x16xf32, #tpu.memory_space<vmem_shared>> -> memref<196x16xf32, #tpu.memory_space<vmem_shared>>
    tpu.enqueue_dma source(%arg8 : memref<196x16xf32, #tpu.memory_space<vmem>>) target(%dma_start3A_143 : memref<196x16xf32, #tpu.memory_space<vmem_shared>>) target_semaphore(%arg11 : memref<!tpu.dma_semaphore, #tpu.memory_space<semaphore_mem>>)
    %mul3A_144 = arith.constant 6272 : i32
    %mul3A_145 = arith.muli %arg1, %mul3A_144 : i32
    %add3A_146 = arith.constant 3528 : i32
    %add3A_147 = arith.addi %mul3A_145, %add3A_146 : i32
    %dma_start3A_148 = arith.constant 0 : i32
    %dma_start3A_149 = tpu.memref_slice %arg10[%add3A_147, %dma_start3A_148] : memref<100352x16xf32, #tpu.memory_space<vmem_shared>> -> memref<196x16xf32, #tpu.memory_space<vmem_shared>>
    %dma_start3A_150 = arith.constant 0 : i32
    %dma_start3A_151 = tpu.memref_slice %arg10[%add3A_147, %dma_start3A_150] : memref<100352x16xf32, #tpu.memory_space<vmem_shared>> -> memref<196x16xf32, #tpu.memory_space<vmem_shared>>
    tpu.enqueue_dma source(%arg8 : memref<196x16xf32, #tpu.memory_space<vmem>>) target(%dma_start3A_151 : memref<196x16xf32, #tpu.memory_space<vmem_shared>>) target_semaphore(%arg11 : memref<!tpu.dma_semaphore, #tpu.memory_space<semaphore_mem>>)
    %mul3A_152 = arith.constant 6272 : i32
    %mul3A_153 = arith.muli %arg1, %mul3A_152 : i32
    %add3A_154 = arith.constant 3724 : i32
    %add3A_155 = arith.addi %mul3A_153, %add3A_154 : i32
    %dma_start3A_156 = arith.constant 0 : i32
    %dma_start3A_157 = tpu.memref_slice %arg10[%add3A_155, %dma_start3A_156] : memref<100352x16xf32, #tpu.memory_space<vmem_shared>> -> memref<196x16xf32, #tpu.memory_space<vmem_shared>>
    %dma_start3A_158 = arith.constant 0 : i32
    %dma_start3A_159 = tpu.memref_slice %arg10[%add3A_155, %dma_start3A_158] : memref<100352x16xf32, #tpu.memory_space<vmem_shared>> -> memref<196x16xf32, #tpu.memory_space<vmem_shared>>
    tpu.enqueue_dma source(%arg8 : memref<196x16xf32, #tpu.memory_space<vmem>>) target(%dma_start3A_159 : memref<196x16xf32, #tpu.memory_space<vmem_shared>>) target_semaphore(%arg11 : memref<!tpu.dma_semaphore, #tpu.memory_space<semaphore_mem>>)
    %mul3A_160 = arith.constant 6272 : i32
    %mul3A_161 = arith.muli %arg1, %mul3A_160 : i32
    %add3A_162 = arith.constant 3920 : i32
    %add3A_163 = arith.addi %mul3A_161, %add3A_162 : i32
    %dma_start3A_164 = arith.constant 0 : i32
    %dma_start3A_165 = tpu.memref_slice %arg10[%add3A_163, %dma_start3A_164] : memref<100352x16xf32, #tpu.memory_space<vmem_shared>> -> memref<196x16xf32, #tpu.memory_space<vmem_shared>>
    %dma_start3A_166 = arith.constant 0 : i32
    %dma_start3A_167 = tpu.memref_slice %arg10[%add3A_163, %dma_start3A_166] : memref<100352x16xf32, #tpu.memory_space<vmem_shared>> -> memref<196x16xf32, #tpu.memory_space<vmem_shared>>
    tpu.enqueue_dma source(%arg8 : memref<196x16xf32, #tpu.memory_space<vmem>>) target(%dma_start3A_167 : memref<196x16xf32, #tpu.memory_space<vmem_shared>>) target_semaphore(%arg11 : memref<!tpu.dma_semaphore, #tpu.memory_space<semaphore_mem>>)
    %mul3A_168 = arith.constant 6272 : i32
    %mul3A_169 = arith.muli %arg1, %mul3A_168 : i32
    %add3A_170 = arith.constant 4116 : i32
    %add3A_171 = arith.addi %mul3A_169, %add3A_170 : i32
    %dma_start3A_172 = arith.constant 0 : i32
    %dma_start3A_173 = tpu.memref_slice %arg10[%add3A_171, %dma_start3A_172] : memref<100352x16xf32, #tpu.memory_space<vmem_shared>> -> memref<196x16xf32, #tpu.memory_space<vmem_shared>>
    %dma_start3A_174 = arith.constant 0 : i32
    %dma_start3A_175 = tpu.memref_slice %arg10[%add3A_171, %dma_start3A_174] : memref<100352x16xf32, #tpu.memory_space<vmem_shared>> -> memref<196x16xf32, #tpu.memory_space<vmem_shared>>
    tpu.enqueue_dma source(%arg8 : memref<196x16xf32, #tpu.memory_space<vmem>>) target(%dma_start3A_175 : memref<196x16xf32, #tpu.memory_space<vmem_shared>>) target_semaphore(%arg11 : memref<!tpu.dma_semaphore, #tpu.memory_space<semaphore_mem>>)
    %mul3A_176 = arith.constant 6272 : i32
    %mul3A_177 = arith.muli %arg1, %mul3A_176 : i32
    %add3A_178 = arith.constant 4312 : i32
    %add3A_179 = arith.addi %mul3A_177, %add3A_178 : i32
    %dma_start3A_180 = arith.constant 0 : i32
    %dma_start3A_181 = tpu.memref_slice %arg10[%add3A_179, %dma_start3A_180] : memref<100352x16xf32, #tpu.memory_space<vmem_shared>> -> memref<196x16xf32, #tpu.memory_space<vmem_shared>>
    %dma_start3A_182 = arith.constant 0 : i32
    %dma_start3A_183 = tpu.memref_slice %arg10[%add3A_179, %dma_start3A_182] : memref<100352x16xf32, #tpu.memory_space<vmem_shared>> -> memref<196x16xf32, #tpu.memory_space<vmem_shared>>
    tpu.enqueue_dma source(%arg8 : memref<196x16xf32, #tpu.memory_space<vmem>>) target(%dma_start3A_183 : memref<196x16xf32, #tpu.memory_space<vmem_shared>>) target_semaphore(%arg11 : memref<!tpu.dma_semaphore, #tpu.memory_space<semaphore_mem>>)
    %mul3A_184 = arith.constant 6272 : i32
    %mul3A_185 = arith.muli %arg1, %mul3A_184 : i32
    %add3A_186 = arith.constant 4508 : i32
    %add3A_187 = arith.addi %mul3A_185, %add3A_186 : i32
    %dma_start3A_188 = arith.constant 0 : i32
    %dma_start3A_189 = tpu.memref_slice %arg10[%add3A_187, %dma_start3A_188] : memref<100352x16xf32, #tpu.memory_space<vmem_shared>> -> memref<196x16xf32, #tpu.memory_space<vmem_shared>>
    %dma_start3A_190 = arith.constant 0 : i32
    %dma_start3A_191 = tpu.memref_slice %arg10[%add3A_187, %dma_start3A_190] : memref<100352x16xf32, #tpu.memory_space<vmem_shared>> -> memref<196x16xf32, #tpu.memory_space<vmem_shared>>
    tpu.enqueue_dma source(%arg8 : memref<196x16xf32, #tpu.memory_space<vmem>>) target(%dma_start3A_191 : memref<196x16xf32, #tpu.memory_space<vmem_shared>>) target_semaphore(%arg11 : memref<!tpu.dma_semaphore, #tpu.memory_space<semaphore_mem>>)
    %mul3A_192 = arith.constant 6272 : i32
    %mul3A_193 = arith.muli %arg1, %mul3A_192 : i32
    %add3A_194 = arith.constant 4704 : i32
    %add3A_195 = arith.addi %mul3A_193, %add3A_194 : i32
    %dma_start3A_196 = arith.constant 0 : i32
    %dma_start3A_197 = tpu.memref_slice %arg10[%add3A_195, %dma_start3A_196] : memref<100352x16xf32, #tpu.memory_space<vmem_shared>> -> memref<196x16xf32, #tpu.memory_space<vmem_shared>>
    %dma_start3A_198 = arith.constant 0 : i32
    %dma_start3A_199 = tpu.memref_slice %arg10[%add3A_195, %dma_start3A_198] : memref<100352x16xf32, #tpu.memory_space<vmem_shared>> -> memref<196x16xf32, #tpu.memory_space<vmem_shared>>
    tpu.enqueue_dma source(%arg8 : memref<196x16xf32, #tpu.memory_space<vmem>>) target(%dma_start3A_199 : memref<196x16xf32, #tpu.memory_space<vmem_shared>>) target_semaphore(%arg11 : memref<!tpu.dma_semaphore, #tpu.memory_space<semaphore_mem>>)
    %mul3A_200 = arith.constant 6272 : i32
    %mul3A_201 = arith.muli %arg1, %mul3A_200 : i32
    %add3A_202 = arith.constant 4900 : i32
    %add3A_203 = arith.addi %mul3A_201, %add3A_202 : i32
    %dma_start3A_204 = arith.constant 0 : i32
    %dma_start3A_205 = tpu.memref_slice %arg10[%add3A_203, %dma_start3A_204] : memref<100352x16xf32, #tpu.memory_space<vmem_shared>> -> memref<196x16xf32, #tpu.memory_space<vmem_shared>>
    %dma_start3A_206 = arith.constant 0 : i32
    %dma_start3A_207 = tpu.memref_slice %arg10[%add3A_203, %dma_start3A_206] : memref<100352x16xf32, #tpu.memory_space<vmem_shared>> -> memref<196x16xf32, #tpu.memory_space<vmem_shared>>
    tpu.enqueue_dma source(%arg8 : memref<196x16xf32, #tpu.memory_space<vmem>>) target(%dma_start3A_207 : memref<196x16xf32, #tpu.memory_space<vmem_shared>>) target_semaphore(%arg11 : memref<!tpu.dma_semaphore, #tpu.memory_space<semaphore_mem>>)
    %mul3A_208 = arith.constant 6272 : i32
    %mul3A_209 = arith.muli %arg1, %mul3A_208 : i32
    %add3A_210 = arith.constant 5096 : i32
    %add3A_211 = arith.addi %mul3A_209, %add3A_210 : i32
    %dma_start3A_212 = arith.constant 0 : i32
    %dma_start3A_213 = tpu.memref_slice %arg10[%add3A_211, %dma_start3A_212] : memref<100352x16xf32, #tpu.memory_space<vmem_shared>> -> memref<196x16xf32, #tpu.memory_space<vmem_shared>>
    %dma_start3A_214 = arith.constant 0 : i32
    %dma_start3A_215 = tpu.memref_slice %arg10[%add3A_211, %dma_start3A_214] : memref<100352x16xf32, #tpu.memory_space<vmem_shared>> -> memref<196x16xf32, #tpu.memory_space<vmem_shared>>
    tpu.enqueue_dma source(%arg8 : memref<196x16xf32, #tpu.memory_space<vmem>>) target(%dma_start3A_215 : memref<196x16xf32, #tpu.memory_space<vmem_shared>>) target_semaphore(%arg11 : memref<!tpu.dma_semaphore, #tpu.memory_space<semaphore_mem>>)
    %mul3A_216 = arith.constant 6272 : i32
    %mul3A_217 = arith.muli %arg1, %mul3A_216 : i32
    %add3A_218 = arith.constant 5292 : i32
    %add3A_219 = arith.addi %mul3A_217, %add3A_218 : i32
    %dma_start3A_220 = arith.constant 0 : i32
    %dma_start3A_221 = tpu.memref_slice %arg10[%add3A_219, %dma_start3A_220] : memref<100352x16xf32, #tpu.memory_space<vmem_shared>> -> memref<196x16xf32, #tpu.memory_space<vmem_shared>>
    %dma_start3A_222 = arith.constant 0 : i32
    %dma_start3A_223 = tpu.memref_slice %arg10[%add3A_219, %dma_start3A_222] : memref<100352x16xf32, #tpu.memory_space<vmem_shared>> -> memref<196x16xf32, #tpu.memory_space<vmem_shared>>
    tpu.enqueue_dma source(%arg8 : memref<196x16xf32, #tpu.memory_space<vmem>>) target(%dma_start3A_223 : memref<196x16xf32, #tpu.memory_space<vmem_shared>>) target_semaphore(%arg11 : memref<!tpu.dma_semaphore, #tpu.memory_space<semaphore_mem>>)
    %mul3A_224 = arith.constant 6272 : i32
    %mul3A_225 = arith.muli %arg1, %mul3A_224 : i32
    %add3A_226 = arith.constant 5488 : i32
    %add3A_227 = arith.addi %mul3A_225, %add3A_226 : i32
    %dma_start3A_228 = arith.constant 0 : i32
    %dma_start3A_229 = tpu.memref_slice %arg10[%add3A_227, %dma_start3A_228] : memref<100352x16xf32, #tpu.memory_space<vmem_shared>> -> memref<196x16xf32, #tpu.memory_space<vmem_shared>>
    %dma_start3A_230 = arith.constant 0 : i32
    %dma_start3A_231 = tpu.memref_slice %arg10[%add3A_227, %dma_start3A_230] : memref<100352x16xf32, #tpu.memory_space<vmem_shared>> -> memref<196x16xf32, #tpu.memory_space<vmem_shared>>
    tpu.enqueue_dma source(%arg8 : memref<196x16xf32, #tpu.memory_space<vmem>>) target(%dma_start3A_231 : memref<196x16xf32, #tpu.memory_space<vmem_shared>>) target_semaphore(%arg11 : memref<!tpu.dma_semaphore, #tpu.memory_space<semaphore_mem>>)
    %mul3A_232 = arith.constant 6272 : i32
    %mul3A_233 = arith.muli %arg1, %mul3A_232 : i32
    %add3A_234 = arith.constant 5684 : i32
    %add3A_235 = arith.addi %mul3A_233, %add3A_234 : i32
    %dma_start3A_236 = arith.constant 0 : i32
    %dma_start3A_237 = tpu.memref_slice %arg10[%add3A_235, %dma_start3A_236] : memref<100352x16xf32, #tpu.memory_space<vmem_shared>> -> memref<196x16xf32, #tpu.memory_space<vmem_shared>>
    %dma_start3A_238 = arith.constant 0 : i32
    %dma_start3A_239 = tpu.memref_slice %arg10[%add3A_235, %dma_start3A_238] : memref<100352x16xf32, #tpu.memory_space<vmem_shared>> -> memref<196x16xf32, #tpu.memory_space<vmem_shared>>
    tpu.enqueue_dma source(%arg8 : memref<196x16xf32, #tpu.memory_space<vmem>>) target(%dma_start3A_239 : memref<196x16xf32, #tpu.memory_space<vmem_shared>>) target_semaphore(%arg11 : memref<!tpu.dma_semaphore, #tpu.memory_space<semaphore_mem>>)
    %mul3A_240 = arith.constant 6272 : i32
    %mul3A_241 = arith.muli %arg1, %mul3A_240 : i32
    %add3A_242 = arith.constant 5880 : i32
    %add3A_243 = arith.addi %mul3A_241, %add3A_242 : i32
    %dma_start3A_244 = arith.constant 0 : i32
    %dma_start3A_245 = tpu.memref_slice %arg10[%add3A_243, %dma_start3A_244] : memref<100352x16xf32, #tpu.memory_space<vmem_shared>> -> memref<196x16xf32, #tpu.memory_space<vmem_shared>>
    %dma_start3A_246 = arith.constant 0 : i32
    %dma_start3A_247 = tpu.memref_slice %arg10[%add3A_243, %dma_start3A_246] : memref<100352x16xf32, #tpu.memory_space<vmem_shared>> -> memref<196x16xf32, #tpu.memory_space<vmem_shared>>
    tpu.enqueue_dma source(%arg8 : memref<196x16xf32, #tpu.memory_space<vmem>>) target(%dma_start3A_247 : memref<196x16xf32, #tpu.memory_space<vmem_shared>>) target_semaphore(%arg11 : memref<!tpu.dma_semaphore, #tpu.memory_space<semaphore_mem>>)
    %mul3A_248 = arith.constant 6272 : i32
    %mul3A_249 = arith.muli %arg1, %mul3A_248 : i32
    %add3A_250 = arith.constant 6076 : i32
    %add3A_251 = arith.addi %mul3A_249, %add3A_250 : i32
    %dma_start3A_252 = arith.constant 0 : i32
    %dma_start3A_253 = tpu.memref_slice %arg10[%add3A_251, %dma_start3A_252] : memref<100352x16xf32, #tpu.memory_space<vmem_shared>> -> memref<196x16xf32, #tpu.memory_space<vmem_shared>>
    %dma_start3A_254 = arith.constant 0 : i32
    %dma_start3A_255 = tpu.memref_slice %arg10[%add3A_251, %dma_start3A_254] : memref<100352x16xf32, #tpu.memory_space<vmem_shared>> -> memref<196x16xf32, #tpu.memory_space<vmem_shared>>
    tpu.enqueue_dma source(%arg8 : memref<196x16xf32, #tpu.memory_space<vmem>>) target(%dma_start3A_255 : memref<196x16xf32, #tpu.memory_space<vmem_shared>>) target_semaphore(%arg11 : memref<!tpu.dma_semaphore, #tpu.memory_space<semaphore_mem>>)
    %dma_wait3A = arith.constant 0 : i32
    %dma_wait3A_256 = tpu.memref_slice %arg10[%add3A_4, %dma_wait3A] : memref<100352x16xf32, #tpu.memory_space<vmem_shared>> -> memref<196x16xf32, #tpu.memory_space<vmem_shared>>
    %dma_wait3A_257 = arith.constant 0 : i32
    %dma_wait3A_258 = tpu.memref_slice %arg10[%add3A_4, %dma_wait3A_257] : memref<100352x16xf32, #tpu.memory_space<vmem_shared>> -> memref<196x16xf32, #tpu.memory_space<vmem_shared>>
    tpu.wait_dma2 semaphore(%arg11 : memref<!tpu.dma_semaphore, #tpu.memory_space<semaphore_mem>>) src(%arg8 : memref<196x16xf32, #tpu.memory_space<vmem>>) dst(%dma_wait3A_258 : memref<196x16xf32, #tpu.memory_space<vmem_shared>>)
    %dma_wait3A_259 = arith.constant 0 : i32
    %dma_wait3A_260 = tpu.memref_slice %arg10[%add3A_11, %dma_wait3A_259] : memref<100352x16xf32, #tpu.memory_space<vmem_shared>> -> memref<196x16xf32, #tpu.memory_space<vmem_shared>>
    %dma_wait3A_261 = arith.constant 0 : i32
    %dma_wait3A_262 = tpu.memref_slice %arg10[%add3A_11, %dma_wait3A_261] : memref<100352x16xf32, #tpu.memory_space<vmem_shared>> -> memref<196x16xf32, #tpu.memory_space<vmem_shared>>
    tpu.wait_dma2 semaphore(%arg11 : memref<!tpu.dma_semaphore, #tpu.memory_space<semaphore_mem>>) src(%arg8 : memref<196x16xf32, #tpu.memory_space<vmem>>) dst(%dma_wait3A_262 : memref<196x16xf32, #tpu.memory_space<vmem_shared>>)
    %dma_wait3A_263 = arith.constant 0 : i32
    %dma_wait3A_264 = tpu.memref_slice %arg10[%add3A_19, %dma_wait3A_263] : memref<100352x16xf32, #tpu.memory_space<vmem_shared>> -> memref<196x16xf32, #tpu.memory_space<vmem_shared>>
    %dma_wait3A_265 = arith.constant 0 : i32
    %dma_wait3A_266 = tpu.memref_slice %arg10[%add3A_19, %dma_wait3A_265] : memref<100352x16xf32, #tpu.memory_space<vmem_shared>> -> memref<196x16xf32, #tpu.memory_space<vmem_shared>>
    tpu.wait_dma2 semaphore(%arg11 : memref<!tpu.dma_semaphore, #tpu.memory_space<semaphore_mem>>) src(%arg8 : memref<196x16xf32, #tpu.memory_space<vmem>>) dst(%dma_wait3A_266 : memref<196x16xf32, #tpu.memory_space<vmem_shared>>)
    %dma_wait3A_267 = arith.constant 0 : i32
    %dma_wait3A_268 = tpu.memref_slice %arg10[%add3A_27, %dma_wait3A_267] : memref<100352x16xf32, #tpu.memory_space<vmem_shared>> -> memref<196x16xf32, #tpu.memory_space<vmem_shared>>
    %dma_wait3A_269 = arith.constant 0 : i32
    %dma_wait3A_270 = tpu.memref_slice %arg10[%add3A_27, %dma_wait3A_269] : memref<100352x16xf32, #tpu.memory_space<vmem_shared>> -> memref<196x16xf32, #tpu.memory_space<vmem_shared>>
    tpu.wait_dma2 semaphore(%arg11 : memref<!tpu.dma_semaphore, #tpu.memory_space<semaphore_mem>>) src(%arg8 : memref<196x16xf32, #tpu.memory_space<vmem>>) dst(%dma_wait3A_270 : memref<196x16xf32, #tpu.memory_space<vmem_shared>>)
    %dma_wait3A_271 = arith.constant 0 : i32
    %dma_wait3A_272 = tpu.memref_slice %arg10[%add3A_35, %dma_wait3A_271] : memref<100352x16xf32, #tpu.memory_space<vmem_shared>> -> memref<196x16xf32, #tpu.memory_space<vmem_shared>>
    %dma_wait3A_273 = arith.constant 0 : i32
    %dma_wait3A_274 = tpu.memref_slice %arg10[%add3A_35, %dma_wait3A_273] : memref<100352x16xf32, #tpu.memory_space<vmem_shared>> -> memref<196x16xf32, #tpu.memory_space<vmem_shared>>
    tpu.wait_dma2 semaphore(%arg11 : memref<!tpu.dma_semaphore, #tpu.memory_space<semaphore_mem>>) src(%arg8 : memref<196x16xf32, #tpu.memory_space<vmem>>) dst(%dma_wait3A_274 : memref<196x16xf32, #tpu.memory_space<vmem_shared>>)
    %dma_wait3A_275 = arith.constant 0 : i32
    %dma_wait3A_276 = tpu.memref_slice %arg10[%add3A_43, %dma_wait3A_275] : memref<100352x16xf32, #tpu.memory_space<vmem_shared>> -> memref<196x16xf32, #tpu.memory_space<vmem_shared>>
    %dma_wait3A_277 = arith.constant 0 : i32
    %dma_wait3A_278 = tpu.memref_slice %arg10[%add3A_43, %dma_wait3A_277] : memref<100352x16xf32, #tpu.memory_space<vmem_shared>> -> memref<196x16xf32, #tpu.memory_space<vmem_shared>>
    tpu.wait_dma2 semaphore(%arg11 : memref<!tpu.dma_semaphore, #tpu.memory_space<semaphore_mem>>) src(%arg8 : memref<196x16xf32, #tpu.memory_space<vmem>>) dst(%dma_wait3A_278 : memref<196x16xf32, #tpu.memory_space<vmem_shared>>)
    %dma_wait3A_279 = arith.constant 0 : i32
    %dma_wait3A_280 = tpu.memref_slice %arg10[%add3A_51, %dma_wait3A_279] : memref<100352x16xf32, #tpu.memory_space<vmem_shared>> -> memref<196x16xf32, #tpu.memory_space<vmem_shared>>
    %dma_wait3A_281 = arith.constant 0 : i32
    %dma_wait3A_282 = tpu.memref_slice %arg10[%add3A_51, %dma_wait3A_281] : memref<100352x16xf32, #tpu.memory_space<vmem_shared>> -> memref<196x16xf32, #tpu.memory_space<vmem_shared>>
    tpu.wait_dma2 semaphore(%arg11 : memref<!tpu.dma_semaphore, #tpu.memory_space<semaphore_mem>>) src(%arg8 : memref<196x16xf32, #tpu.memory_space<vmem>>) dst(%dma_wait3A_282 : memref<196x16xf32, #tpu.memory_space<vmem_shared>>)
    %dma_wait3A_283 = arith.constant 0 : i32
    %dma_wait3A_284 = tpu.memref_slice %arg10[%add3A_59, %dma_wait3A_283] : memref<100352x16xf32, #tpu.memory_space<vmem_shared>> -> memref<196x16xf32, #tpu.memory_space<vmem_shared>>
    %dma_wait3A_285 = arith.constant 0 : i32
    %dma_wait3A_286 = tpu.memref_slice %arg10[%add3A_59, %dma_wait3A_285] : memref<100352x16xf32, #tpu.memory_space<vmem_shared>> -> memref<196x16xf32, #tpu.memory_space<vmem_shared>>
    tpu.wait_dma2 semaphore(%arg11 : memref<!tpu.dma_semaphore, #tpu.memory_space<semaphore_mem>>) src(%arg8 : memref<196x16xf32, #tpu.memory_space<vmem>>) dst(%dma_wait3A_286 : memref<196x16xf32, #tpu.memory_space<vmem_shared>>)
    %dma_wait3A_287 = arith.constant 0 : i32
    %dma_wait3A_288 = tpu.memref_slice %arg10[%add3A_67, %dma_wait3A_287] : memref<100352x16xf32, #tpu.memory_space<vmem_shared>> -> memref<196x16xf32, #tpu.memory_space<vmem_shared>>
    %dma_wait3A_289 = arith.constant 0 : i32
    %dma_wait3A_290 = tpu.memref_slice %arg10[%add3A_67, %dma_wait3A_289] : memref<100352x16xf32, #tpu.memory_space<vmem_shared>> -> memref<196x16xf32, #tpu.memory_space<vmem_shared>>
    tpu.wait_dma2 semaphore(%arg11 : memref<!tpu.dma_semaphore, #tpu.memory_space<semaphore_mem>>) src(%arg8 : memref<196x16xf32, #tpu.memory_space<vmem>>) dst(%dma_wait3A_290 : memref<196x16xf32, #tpu.memory_space<vmem_shared>>)
    %dma_wait3A_291 = arith.constant 0 : i32
    %dma_wait3A_292 = tpu.memref_slice %arg10[%add3A_75, %dma_wait3A_291] : memref<100352x16xf32, #tpu.memory_space<vmem_shared>> -> memref<196x16xf32, #tpu.memory_space<vmem_shared>>
    %dma_wait3A_293 = arith.constant 0 : i32
    %dma_wait3A_294 = tpu.memref_slice %arg10[%add3A_75, %dma_wait3A_293] : memref<100352x16xf32, #tpu.memory_space<vmem_shared>> -> memref<196x16xf32, #tpu.memory_space<vmem_shared>>
    tpu.wait_dma2 semaphore(%arg11 : memref<!tpu.dma_semaphore, #tpu.memory_space<semaphore_mem>>) src(%arg8 : memref<196x16xf32, #tpu.memory_space<vmem>>) dst(%dma_wait3A_294 : memref<196x16xf32, #tpu.memory_space<vmem_shared>>)
    %dma_wait3A_295 = arith.constant 0 : i32
    %dma_wait3A_296 = tpu.memref_slice %arg10[%add3A_83, %dma_wait3A_295] : memref<100352x16xf32, #tpu.memory_space<vmem_shared>> -> memref<196x16xf32, #tpu.memory_space<vmem_shared>>
    %dma_wait3A_297 = arith.constant 0 : i32
    %dma_wait3A_298 = tpu.memref_slice %arg10[%add3A_83, %dma_wait3A_297] : memref<100352x16xf32, #tpu.memory_space<vmem_shared>> -> memref<196x16xf32, #tpu.memory_space<vmem_shared>>
    tpu.wait_dma2 semaphore(%arg11 : memref<!tpu.dma_semaphore, #tpu.memory_space<semaphore_mem>>) src(%arg8 : memref<196x16xf32, #tpu.memory_space<vmem>>) dst(%dma_wait3A_298 : memref<196x16xf32, #tpu.memory_space<vmem_shared>>)
    %dma_wait3A_299 = arith.constant 0 : i32
    %dma_wait3A_300 = tpu.memref_slice %arg10[%add3A_91, %dma_wait3A_299] : memref<100352x16xf32, #tpu.memory_space<vmem_shared>> -> memref<196x16xf32, #tpu.memory_space<vmem_shared>>
    %dma_wait3A_301 = arith.constant 0 : i32
    %dma_wait3A_302 = tpu.memref_slice %arg10[%add3A_91, %dma_wait3A_301] : memref<100352x16xf32, #tpu.memory_space<vmem_shared>> -> memref<196x16xf32, #tpu.memory_space<vmem_shared>>
    tpu.wait_dma2 semaphore(%arg11 : memref<!tpu.dma_semaphore, #tpu.memory_space<semaphore_mem>>) src(%arg8 : memref<196x16xf32, #tpu.memory_space<vmem>>) dst(%dma_wait3A_302 : memref<196x16xf32, #tpu.memory_space<vmem_shared>>)
    %dma_wait3A_303 = arith.constant 0 : i32
    %dma_wait3A_304 = tpu.memref_slice %arg10[%add3A_99, %dma_wait3A_303] : memref<100352x16xf32, #tpu.memory_space<vmem_shared>> -> memref<196x16xf32, #tpu.memory_space<vmem_shared>>
    %dma_wait3A_305 = arith.constant 0 : i32
    %dma_wait3A_306 = tpu.memref_slice %arg10[%add3A_99, %dma_wait3A_305] : memref<100352x16xf32, #tpu.memory_space<vmem_shared>> -> memref<196x16xf32, #tpu.memory_space<vmem_shared>>
    tpu.wait_dma2 semaphore(%arg11 : memref<!tpu.dma_semaphore, #tpu.memory_space<semaphore_mem>>) src(%arg8 : memref<196x16xf32, #tpu.memory_space<vmem>>) dst(%dma_wait3A_306 : memref<196x16xf32, #tpu.memory_space<vmem_shared>>)
    %dma_wait3A_307 = arith.constant 0 : i32
    %dma_wait3A_308 = tpu.memref_slice %arg10[%add3A_107, %dma_wait3A_307] : memref<100352x16xf32, #tpu.memory_space<vmem_shared>> -> memref<196x16xf32, #tpu.memory_space<vmem_shared>>
    %dma_wait3A_309 = arith.constant 0 : i32
    %dma_wait3A_310 = tpu.memref_slice %arg10[%add3A_107, %dma_wait3A_309] : memref<100352x16xf32, #tpu.memory_space<vmem_shared>> -> memref<196x16xf32, #tpu.memory_space<vmem_shared>>
    tpu.wait_dma2 semaphore(%arg11 : memref<!tpu.dma_semaphore, #tpu.memory_space<semaphore_mem>>) src(%arg8 : memref<196x16xf32, #tpu.memory_space<vmem>>) dst(%dma_wait3A_310 : memref<196x16xf32, #tpu.memory_space<vmem_shared>>)
    %dma_wait3A_311 = arith.constant 0 : i32
    %dma_wait3A_312 = tpu.memref_slice %arg10[%add3A_115, %dma_wait3A_311] : memref<100352x16xf32, #tpu.memory_space<vmem_shared>> -> memref<196x16xf32, #tpu.memory_space<vmem_shared>>
    %dma_wait3A_313 = arith.constant 0 : i32
    %dma_wait3A_314 = tpu.memref_slice %arg10[%add3A_115, %dma_wait3A_313] : memref<100352x16xf32, #tpu.memory_space<vmem_shared>> -> memref<196x16xf32, #tpu.memory_space<vmem_shared>>
    tpu.wait_dma2 semaphore(%arg11 : memref<!tpu.dma_semaphore, #tpu.memory_space<semaphore_mem>>) src(%arg8 : memref<196x16xf32, #tpu.memory_space<vmem>>) dst(%dma_wait3A_314 : memref<196x16xf32, #tpu.memory_space<vmem_shared>>)
    %dma_wait3A_315 = arith.constant 0 : i32
    %dma_wait3A_316 = tpu.memref_slice %arg10[%add3A_123, %dma_wait3A_315] : memref<100352x16xf32, #tpu.memory_space<vmem_shared>> -> memref<196x16xf32, #tpu.memory_space<vmem_shared>>
    %dma_wait3A_317 = arith.constant 0 : i32
    %dma_wait3A_318 = tpu.memref_slice %arg10[%add3A_123, %dma_wait3A_317] : memref<100352x16xf32, #tpu.memory_space<vmem_shared>> -> memref<196x16xf32, #tpu.memory_space<vmem_shared>>
    tpu.wait_dma2 semaphore(%arg11 : memref<!tpu.dma_semaphore, #tpu.memory_space<semaphore_mem>>) src(%arg8 : memref<196x16xf32, #tpu.memory_space<vmem>>) dst(%dma_wait3A_318 : memref<196x16xf32, #tpu.memory_space<vmem_shared>>)
    %dma_wait3A_319 = arith.constant 0 : i32
    %dma_wait3A_320 = tpu.memref_slice %arg10[%add3A_131, %dma_wait3A_319] : memref<100352x16xf32, #tpu.memory_space<vmem_shared>> -> memref<196x16xf32, #tpu.memory_space<vmem_shared>>
    %dma_wait3A_321 = arith.constant 0 : i32
    %dma_wait3A_322 = tpu.memref_slice %arg10[%add3A_131, %dma_wait3A_321] : memref<100352x16xf32, #tpu.memory_space<vmem_shared>> -> memref<196x16xf32, #tpu.memory_space<vmem_shared>>
    tpu.wait_dma2 semaphore(%arg11 : memref<!tpu.dma_semaphore, #tpu.memory_space<semaphore_mem>>) src(%arg8 : memref<196x16xf32, #tpu.memory_space<vmem>>) dst(%dma_wait3A_322 : memref<196x16xf32, #tpu.memory_space<vmem_shared>>)
    %dma_wait3A_323 = arith.constant 0 : i32
    %dma_wait3A_324 = tpu.memref_slice %arg10[%add3A_139, %dma_wait3A_323] : memref<100352x16xf32, #tpu.memory_space<vmem_shared>> -> memref<196x16xf32, #tpu.memory_space<vmem_shared>>
    %dma_wait3A_325 = arith.constant 0 : i32
    %dma_wait3A_326 = tpu.memref_slice %arg10[%add3A_139, %dma_wait3A_325] : memref<100352x16xf32, #tpu.memory_space<vmem_shared>> -> memref<196x16xf32, #tpu.memory_space<vmem_shared>>
    tpu.wait_dma2 semaphore(%arg11 : memref<!tpu.dma_semaphore, #tpu.memory_space<semaphore_mem>>) src(%arg8 : memref<196x16xf32, #tpu.memory_space<vmem>>) dst(%dma_wait3A_326 : memref<196x16xf32, #tpu.memory_space<vmem_shared>>)
    %dma_wait3A_327 = arith.constant 0 : i32
    %dma_wait3A_328 = tpu.memref_slice %arg10[%add3A_147, %dma_wait3A_327] : memref<100352x16xf32, #tpu.memory_space<vmem_shared>> -> memref<196x16xf32, #tpu.memory_space<vmem_shared>>
    %dma_wait3A_329 = arith.constant 0 : i32
    %dma_wait3A_330 = tpu.memref_slice %arg10[%add3A_147, %dma_wait3A_329] : memref<100352x16xf32, #tpu.memory_space<vmem_shared>> -> memref<196x16xf32, #tpu.memory_space<vmem_shared>>
    tpu.wait_dma2 semaphore(%arg11 : memref<!tpu.dma_semaphore, #tpu.memory_space<semaphore_mem>>) src(%arg8 : memref<196x16xf32, #tpu.memory_space<vmem>>) dst(%dma_wait3A_330 : memref<196x16xf32, #tpu.memory_space<vmem_shared>>)
    %dma_wait3A_331 = arith.constant 0 : i32
    %dma_wait3A_332 = tpu.memref_slice %arg10[%add3A_155, %dma_wait3A_331] : memref<100352x16xf32, #tpu.memory_space<vmem_shared>> -> memref<196x16xf32, #tpu.memory_space<vmem_shared>>
    %dma_wait3A_333 = arith.constant 0 : i32
    %dma_wait3A_334 = tpu.memref_slice %arg10[%add3A_155, %dma_wait3A_333] : memref<100352x16xf32, #tpu.memory_space<vmem_shared>> -> memref<196x16xf32, #tpu.memory_space<vmem_shared>>
    tpu.wait_dma2 semaphore(%arg11 : memref<!tpu.dma_semaphore, #tpu.memory_space<semaphore_mem>>) src(%arg8 : memref<196x16xf32, #tpu.memory_space<vmem>>) dst(%dma_wait3A_334 : memref<196x16xf32, #tpu.memory_space<vmem_shared>>)
    %dma_wait3A_335 = arith.constant 0 : i32
    %dma_wait3A_336 = tpu.memref_slice %arg10[%add3A_163, %dma_wait3A_335] : memref<100352x16xf32, #tpu.memory_space<vmem_shared>> -> memref<196x16xf32, #tpu.memory_space<vmem_shared>>
    %dma_wait3A_337 = arith.constant 0 : i32
    %dma_wait3A_338 = tpu.memref_slice %arg10[%add3A_163, %dma_wait3A_337] : memref<100352x16xf32, #tpu.memory_space<vmem_shared>> -> memref<196x16xf32, #tpu.memory_space<vmem_shared>>
    tpu.wait_dma2 semaphore(%arg11 : memref<!tpu.dma_semaphore, #tpu.memory_space<semaphore_mem>>) src(%arg8 : memref<196x16xf32, #tpu.memory_space<vmem>>) dst(%dma_wait3A_338 : memref<196x16xf32, #tpu.memory_space<vmem_shared>>)
    %dma_wait3A_339 = arith.constant 0 : i32
    %dma_wait3A_340 = tpu.memref_slice %arg10[%add3A_171, %dma_wait3A_339] : memref<100352x16xf32, #tpu.memory_space<vmem_shared>> -> memref<196x16xf32, #tpu.memory_space<vmem_shared>>
    %dma_wait3A_341 = arith.constant 0 : i32
    %dma_wait3A_342 = tpu.memref_slice %arg10[%add3A_171, %dma_wait3A_341] : memref<100352x16xf32, #tpu.memory_space<vmem_shared>> -> memref<196x16xf32, #tpu.memory_space<vmem_shared>>
    tpu.wait_dma2 semaphore(%arg11 : memref<!tpu.dma_semaphore, #tpu.memory_space<semaphore_mem>>) src(%arg8 : memref<196x16xf32, #tpu.memory_space<vmem>>) dst(%dma_wait3A_342 : memref<196x16xf32, #tpu.memory_space<vmem_shared>>)
    %dma_wait3A_343 = arith.constant 0 : i32
    %dma_wait3A_344 = tpu.memref_slice %arg10[%add3A_179, %dma_wait3A_343] : memref<100352x16xf32, #tpu.memory_space<vmem_shared>> -> memref<196x16xf32, #tpu.memory_space<vmem_shared>>
    %dma_wait3A_345 = arith.constant 0 : i32
    %dma_wait3A_346 = tpu.memref_slice %arg10[%add3A_179, %dma_wait3A_345] : memref<100352x16xf32, #tpu.memory_space<vmem_shared>> -> memref<196x16xf32, #tpu.memory_space<vmem_shared>>
    tpu.wait_dma2 semaphore(%arg11 : memref<!tpu.dma_semaphore, #tpu.memory_space<semaphore_mem>>) src(%arg8 : memref<196x16xf32, #tpu.memory_space<vmem>>) dst(%dma_wait3A_346 : memref<196x16xf32, #tpu.memory_space<vmem_shared>>)
    %dma_wait3A_347 = arith.constant 0 : i32
    %dma_wait3A_348 = tpu.memref_slice %arg10[%add3A_187, %dma_wait3A_347] : memref<100352x16xf32, #tpu.memory_space<vmem_shared>> -> memref<196x16xf32, #tpu.memory_space<vmem_shared>>
    %dma_wait3A_349 = arith.constant 0 : i32
    %dma_wait3A_350 = tpu.memref_slice %arg10[%add3A_187, %dma_wait3A_349] : memref<100352x16xf32, #tpu.memory_space<vmem_shared>> -> memref<196x16xf32, #tpu.memory_space<vmem_shared>>
    tpu.wait_dma2 semaphore(%arg11 : memref<!tpu.dma_semaphore, #tpu.memory_space<semaphore_mem>>) src(%arg8 : memref<196x16xf32, #tpu.memory_space<vmem>>) dst(%dma_wait3A_350 : memref<196x16xf32, #tpu.memory_space<vmem_shared>>)
    %dma_wait3A_351 = arith.constant 0 : i32
    %dma_wait3A_352 = tpu.memref_slice %arg10[%add3A_195, %dma_wait3A_351] : memref<100352x16xf32, #tpu.memory_space<vmem_shared>> -> memref<196x16xf32, #tpu.memory_space<vmem_shared>>
    %dma_wait3A_353 = arith.constant 0 : i32
    %dma_wait3A_354 = tpu.memref_slice %arg10[%add3A_195, %dma_wait3A_353] : memref<100352x16xf32, #tpu.memory_space<vmem_shared>> -> memref<196x16xf32, #tpu.memory_space<vmem_shared>>
    tpu.wait_dma2 semaphore(%arg11 : memref<!tpu.dma_semaphore, #tpu.memory_space<semaphore_mem>>) src(%arg8 : memref<196x16xf32, #tpu.memory_space<vmem>>) dst(%dma_wait3A_354 : memref<196x16xf32, #tpu.memory_space<vmem_shared>>)
    %dma_wait3A_355 = arith.constant 0 : i32
    %dma_wait3A_356 = tpu.memref_slice %arg10[%add3A_203, %dma_wait3A_355] : memref<100352x16xf32, #tpu.memory_space<vmem_shared>> -> memref<196x16xf32, #tpu.memory_space<vmem_shared>>
    %dma_wait3A_357 = arith.constant 0 : i32
    %dma_wait3A_358 = tpu.memref_slice %arg10[%add3A_203, %dma_wait3A_357] : memref<100352x16xf32, #tpu.memory_space<vmem_shared>> -> memref<196x16xf32, #tpu.memory_space<vmem_shared>>
    tpu.wait_dma2 semaphore(%arg11 : memref<!tpu.dma_semaphore, #tpu.memory_space<semaphore_mem>>) src(%arg8 : memref<196x16xf32, #tpu.memory_space<vmem>>) dst(%dma_wait3A_358 : memref<196x16xf32, #tpu.memory_space<vmem_shared>>)
    %dma_wait3A_359 = arith.constant 0 : i32
    %dma_wait3A_360 = tpu.memref_slice %arg10[%add3A_211, %dma_wait3A_359] : memref<100352x16xf32, #tpu.memory_space<vmem_shared>> -> memref<196x16xf32, #tpu.memory_space<vmem_shared>>
    %dma_wait3A_361 = arith.constant 0 : i32
    %dma_wait3A_362 = tpu.memref_slice %arg10[%add3A_211, %dma_wait3A_361] : memref<100352x16xf32, #tpu.memory_space<vmem_shared>> -> memref<196x16xf32, #tpu.memory_space<vmem_shared>>
    tpu.wait_dma2 semaphore(%arg11 : memref<!tpu.dma_semaphore, #tpu.memory_space<semaphore_mem>>) src(%arg8 : memref<196x16xf32, #tpu.memory_space<vmem>>) dst(%dma_wait3A_362 : memref<196x16xf32, #tpu.memory_space<vmem_shared>>)
    %dma_wait3A_363 = arith.constant 0 : i32
    %dma_wait3A_364 = tpu.memref_slice %arg10[%add3A_219, %dma_wait3A_363] : memref<100352x16xf32, #tpu.memory_space<vmem_shared>> -> memref<196x16xf32, #tpu.memory_space<vmem_shared>>
    %dma_wait3A_365 = arith.constant 0 : i32
    %dma_wait3A_366 = tpu.memref_slice %arg10[%add3A_219, %dma_wait3A_365] : memref<100352x16xf32, #tpu.memory_space<vmem_shared>> -> memref<196x16xf32, #tpu.memory_space<vmem_shared>>
    tpu.wait_dma2 semaphore(%arg11 : memref<!tpu.dma_semaphore, #tpu.memory_space<semaphore_mem>>) src(%arg8 : memref<196x16xf32, #tpu.memory_space<vmem>>) dst(%dma_wait3A_366 : memref<196x16xf32, #tpu.memory_space<vmem_shared>>)
    %dma_wait3A_367 = arith.constant 0 : i32
    %dma_wait3A_368 = tpu.memref_slice %arg10[%add3A_227, %dma_wait3A_367] : memref<100352x16xf32, #tpu.memory_space<vmem_shared>> -> memref<196x16xf32, #tpu.memory_space<vmem_shared>>
    %dma_wait3A_369 = arith.constant 0 : i32
    %dma_wait3A_370 = tpu.memref_slice %arg10[%add3A_227, %dma_wait3A_369] : memref<100352x16xf32, #tpu.memory_space<vmem_shared>> -> memref<196x16xf32, #tpu.memory_space<vmem_shared>>
    tpu.wait_dma2 semaphore(%arg11 : memref<!tpu.dma_semaphore, #tpu.memory_space<semaphore_mem>>) src(%arg8 : memref<196x16xf32, #tpu.memory_space<vmem>>) dst(%dma_wait3A_370 : memref<196x16xf32, #tpu.memory_space<vmem_shared>>)
    %dma_wait3A_371 = arith.constant 0 : i32
    %dma_wait3A_372 = tpu.memref_slice %arg10[%add3A_235, %dma_wait3A_371] : memref<100352x16xf32, #tpu.memory_space<vmem_shared>> -> memref<196x16xf32, #tpu.memory_space<vmem_shared>>
    %dma_wait3A_373 = arith.constant 0 : i32
    %dma_wait3A_374 = tpu.memref_slice %arg10[%add3A_235, %dma_wait3A_373] : memref<100352x16xf32, #tpu.memory_space<vmem_shared>> -> memref<196x16xf32, #tpu.memory_space<vmem_shared>>
    tpu.wait_dma2 semaphore(%arg11 : memref<!tpu.dma_semaphore, #tpu.memory_space<semaphore_mem>>) src(%arg8 : memref<196x16xf32, #tpu.memory_space<vmem>>) dst(%dma_wait3A_374 : memref<196x16xf32, #tpu.memory_space<vmem_shared>>)
    %dma_wait3A_375 = arith.constant 0 : i32
    %dma_wait3A_376 = tpu.memref_slice %arg10[%add3A_243, %dma_wait3A_375] : memref<100352x16xf32, #tpu.memory_space<vmem_shared>> -> memref<196x16xf32, #tpu.memory_space<vmem_shared>>
    %dma_wait3A_377 = arith.constant 0 : i32
    %dma_wait3A_378 = tpu.memref_slice %arg10[%add3A_243, %dma_wait3A_377] : memref<100352x16xf32, #tpu.memory_space<vmem_shared>> -> memref<196x16xf32, #tpu.memory_space<vmem_shared>>
    tpu.wait_dma2 semaphore(%arg11 : memref<!tpu.dma_semaphore, #tpu.memory_space<semaphore_mem>>) src(%arg8 : memref<196x16xf32, #tpu.memory_space<vmem>>) dst(%dma_wait3A_378 : memref<196x16xf32, #tpu.memory_space<vmem_shared>>)
    %dma_wait3A_379 = arith.constant 0 : i32
    %dma_wait3A_380 = tpu.memref_slice %arg10[%add3A_251, %dma_wait3A_379] : memref<100352x16xf32, #tpu.memory_space<vmem_shared>> -> memref<196x16xf32, #tpu.memory_space<vmem_shared>>
    %dma_wait3A_381 = arith.constant 0 : i32
    %dma_wait3A_382 = tpu.memref_slice %arg10[%add3A_251, %dma_wait3A_381] : memref<100352x16xf32, #tpu.memory_space<vmem_shared>> -> memref<196x16xf32, #tpu.memory_space<vmem_shared>>
    tpu.wait_dma2 semaphore(%arg11 : memref<!tpu.dma_semaphore, #tpu.memory_space<semaphore_mem>>) src(%arg8 : memref<196x16xf32, #tpu.memory_space<vmem>>) dst(%dma_wait3A_382 : memref<196x16xf32, #tpu.memory_space<vmem_shared>>)
    %barrier3A = arith.constant 0 : index
    tpu.barrier barrier_id(%barrier3A)
    %scan3A = arith.constant 0 : i32
    %scan3A_383 = arith.constant 0 : i32
    %scan3A_384 = arith.constant 49 : i32
    %scan3A_385 = arith.addi %scan3A_383, %scan3A_384 : i32
    %scan3A_386 = arith.constant 1 : i32
    scf.for %scan3A_965 = %scan3A_383 to %scan3A_385 step %scan3A_386  : i32 {
      %mul3A_966 = arith.constant 392 : i32
      %mul3A_967 = arith.muli %add3A, %mul3A_966 : i32
      %mul3A_968 = arith.constant 8 : i32
      %mul3A_969 = arith.muli %scan3A_965, %mul3A_968 : i32
      %add3A_970 = arith.addi %mul3A_967, %mul3A_969 : i32
      "tpu.region"() ({
        %run_scoped3A = tpu.sem_alloc : memref<!tpu.dma_semaphore, #tpu.memory_space<semaphore_mem>>
        %dma_start3A_1099 = arith.constant 0 : i32
        %dma_start3A_1100 = arith.constant 0 : i32
        %dma_start3A_1101 = tpu.memref_slice %arg2[%add3A_970, %dma_start3A_1099, %dma_start3A_1100] : memref<12544x2x128xi32, #tpu.memory_space<hbm>> -> memref<8x2x128xi32, #tpu.memory_space<hbm>>
        %dma_start3A_1102 = arith.constant 0 : i32
        %dma_start3A_1103 = arith.constant 0 : i32
        %dma_start3A_1104 = tpu.memref_slice %arg2[%add3A_970, %dma_start3A_1102, %dma_start3A_1103] : memref<12544x2x128xi32, #tpu.memory_space<hbm>> -> memref<8x2x128xi32, #tpu.memory_space<hbm>>
        tpu.enqueue_dma source(%dma_start3A_1104 : memref<8x2x128xi32, #tpu.memory_space<hbm>>) target(%arg6 : memref<8x2x128xi32, #tpu.memory_space<vmem>>) target_semaphore(%run_scoped3A : memref<!tpu.dma_semaphore, #tpu.memory_space<semaphore_mem>>)
        %dma_wait3A_1105 = arith.constant 0 : i32
        %dma_wait3A_1106 = arith.constant 0 : i32
        %dma_wait3A_1107 = tpu.memref_slice %arg2[%add3A_970, %dma_wait3A_1105, %dma_wait3A_1106] : memref<12544x2x128xi32, #tpu.memory_space<hbm>> -> memref<8x2x128xi32, #tpu.memory_space<hbm>>
        %dma_wait3A_1108 = arith.constant 0 : i32
        %dma_wait3A_1109 = arith.constant 0 : i32
        %dma_wait3A_1110 = tpu.memref_slice %arg2[%add3A_970, %dma_wait3A_1108, %dma_wait3A_1109] : memref<12544x2x128xi32, #tpu.memory_space<hbm>> -> memref<8x2x128xi32, #tpu.memory_space<hbm>>
        tpu.wait_dma2 semaphore(%run_scoped3A : memref<!tpu.dma_semaphore, #tpu.memory_space<semaphore_mem>>) src(%dma_wait3A_1110 : memref<8x2x128xi32, #tpu.memory_space<hbm>>) dst(%arg6 : memref<8x2x128xi32, #tpu.memory_space<vmem>>)
        tpu.yield
      }) : () -> ()
      %dma_start3A_971 = arith.constant 0 : i32
      %dma_start3A_972 = arith.constant 1 : i32
      %dma_start3A_973 = arith.constant 0 : i32
      %dma_start3A_974 = tpu.memref_slice %arg6[%dma_start3A_971, %dma_start3A_972, %dma_start3A_973] : memref<8x2x128xi32, #tpu.memory_space<vmem>> -> memref<1x1x128xi32, #tpu.memory_space<vmem>>
      %dma_start3A_975 = tpu.memref_squeeze %dma_start3A_974 : memref<1x1x128xi32, #tpu.memory_space<vmem>> -> memref<128xi32, #tpu.memory_space<vmem>>
      %dma_start3A_976 = arith.constant 0 : i32
      %dma_start3A_977 = arith.constant 0 : i32
      %dma_start3A_978 = tpu.memref_slice %arg10[%dma_start3A_976, %dma_start3A_977] : memref<100352x16xf32, #tpu.memory_space<vmem_shared>> -> memref<100352x16xf32, #tpu.memory_space<vmem_shared>>
      tpu.enqueue_indirect_dma source(%arg7 : memref<128x16xf32, #tpu.memory_space<vmem>>) target(%dma_start3A_978 : memref<100352x16xf32, #tpu.memory_space<vmem_shared>>) offsets(%dma_start3A_975 : memref<128xi32, #tpu.memory_space<vmem>>) semaphore(%arg11 : memref<!tpu.dma_semaphore, #tpu.memory_space<semaphore_mem>>) {add = true}
      %dma_start3A_979 = arith.constant 1 : i32
      %dma_start3A_980 = arith.constant 1 : i32
      %dma_start3A_981 = arith.constant 0 : i32
      %dma_start3A_982 = tpu.memref_slice %arg6[%dma_start3A_979, %dma_start3A_980, %dma_start3A_981] : memref<8x2x128xi32, #tpu.memory_space<vmem>> -> memref<1x1x128xi32, #tpu.memory_space<vmem>>
      %dma_start3A_983 = tpu.memref_squeeze %dma_start3A_982 : memref<1x1x128xi32, #tpu.memory_space<vmem>> -> memref<128xi32, #tpu.memory_space<vmem>>
      %dma_start3A_984 = arith.constant 0 : i32
      %dma_start3A_985 = arith.constant 0 : i32
      %dma_start3A_986 = tpu.memref_slice %arg10[%dma_start3A_984, %dma_start3A_985] : memref<100352x16xf32, #tpu.memory_space<vmem_shared>> -> memref<100352x16xf32, #tpu.memory_space<vmem_shared>>
      tpu.enqueue_indirect_dma source(%arg7 : memref<128x16xf32, #tpu.memory_space<vmem>>) target(%dma_start3A_986 : memref<100352x16xf32, #tpu.memory_space<vmem_shared>>) offsets(%dma_start3A_983 : memref<128xi32, #tpu.memory_space<vmem>>) semaphore(%arg11 : memref<!tpu.dma_semaphore, #tpu.memory_space<semaphore_mem>>) {add = true}
      %dma_start3A_987 = arith.constant 2 : i32
      %dma_start3A_988 = arith.constant 1 : i32
      %dma_start3A_989 = arith.constant 0 : i32
      %dma_start3A_990 = tpu.memref_slice %arg6[%dma_start3A_987, %dma_start3A_988, %dma_start3A_989] : memref<8x2x128xi32, #tpu.memory_space<vmem>> -> memref<1x1x128xi32, #tpu.memory_space<vmem>>
      %dma_start3A_991 = tpu.memref_squeeze %dma_start3A_990 : memref<1x1x128xi32, #tpu.memory_space<vmem>> -> memref<128xi32, #tpu.memory_space<vmem>>
      %dma_start3A_992 = arith.constant 0 : i32
      %dma_start3A_993 = arith.constant 0 : i32
      %dma_start3A_994 = tpu.memref_slice %arg10[%dma_start3A_992, %dma_start3A_993] : memref<100352x16xf32, #tpu.memory_space<vmem_shared>> -> memref<100352x16xf32, #tpu.memory_space<vmem_shared>>
      tpu.enqueue_indirect_dma source(%arg7 : memref<128x16xf32, #tpu.memory_space<vmem>>) target(%dma_start3A_994 : memref<100352x16xf32, #tpu.memory_space<vmem_shared>>) offsets(%dma_start3A_991 : memref<128xi32, #tpu.memory_space<vmem>>) semaphore(%arg11 : memref<!tpu.dma_semaphore, #tpu.memory_space<semaphore_mem>>) {add = true}
      %dma_start3A_995 = arith.constant 3 : i32
      %dma_start3A_996 = arith.constant 1 : i32
      %dma_start3A_997 = arith.constant 0 : i32
      %dma_start3A_998 = tpu.memref_slice %arg6[%dma_start3A_995, %dma_start3A_996, %dma_start3A_997] : memref<8x2x128xi32, #tpu.memory_space<vmem>> -> memref<1x1x128xi32, #tpu.memory_space<vmem>>
      %dma_start3A_999 = tpu.memref_squeeze %dma_start3A_998 : memref<1x1x128xi32, #tpu.memory_space<vmem>> -> memref<128xi32, #tpu.memory_space<vmem>>
      %dma_start3A_1000 = arith.constant 0 : i32
      %dma_start3A_1001 = arith.constant 0 : i32
      %dma_start3A_1002 = tpu.memref_slice %arg10[%dma_start3A_1000, %dma_start3A_1001] : memref<100352x16xf32, #tpu.memory_space<vmem_shared>> -> memref<100352x16xf32, #tpu.memory_space<vmem_shared>>
      tpu.enqueue_indirect_dma source(%arg7 : memref<128x16xf32, #tpu.memory_space<vmem>>) target(%dma_start3A_1002 : memref<100352x16xf32, #tpu.memory_space<vmem_shared>>) offsets(%dma_start3A_999 : memref<128xi32, #tpu.memory_space<vmem>>) semaphore(%arg11 : memref<!tpu.dma_semaphore, #tpu.memory_space<semaphore_mem>>) {add = true}
      %dma_start3A_1003 = arith.constant 4 : i32
      %dma_start3A_1004 = arith.constant 1 : i32
      %dma_start3A_1005 = arith.constant 0 : i32
      %dma_start3A_1006 = tpu.memref_slice %arg6[%dma_start3A_1003, %dma_start3A_1004, %dma_start3A_1005] : memref<8x2x128xi32, #tpu.memory_space<vmem>> -> memref<1x1x128xi32, #tpu.memory_space<vmem>>
      %dma_start3A_1007 = tpu.memref_squeeze %dma_start3A_1006 : memref<1x1x128xi32, #tpu.memory_space<vmem>> -> memref<128xi32, #tpu.memory_space<vmem>>
      %dma_start3A_1008 = arith.constant 0 : i32
      %dma_start3A_1009 = arith.constant 0 : i32
      %dma_start3A_1010 = tpu.memref_slice %arg10[%dma_start3A_1008, %dma_start3A_1009] : memref<100352x16xf32, #tpu.memory_space<vmem_shared>> -> memref<100352x16xf32, #tpu.memory_space<vmem_shared>>
      tpu.enqueue_indirect_dma source(%arg7 : memref<128x16xf32, #tpu.memory_space<vmem>>) target(%dma_start3A_1010 : memref<100352x16xf32, #tpu.memory_space<vmem_shared>>) offsets(%dma_start3A_1007 : memref<128xi32, #tpu.memory_space<vmem>>) semaphore(%arg11 : memref<!tpu.dma_semaphore, #tpu.memory_space<semaphore_mem>>) {add = true}
      %dma_start3A_1011 = arith.constant 5 : i32
      %dma_start3A_1012 = arith.constant 1 : i32
      %dma_start3A_1013 = arith.constant 0 : i32
      %dma_start3A_1014 = tpu.memref_slice %arg6[%dma_start3A_1011, %dma_start3A_1012, %dma_start3A_1013] : memref<8x2x128xi32, #tpu.memory_space<vmem>> -> memref<1x1x128xi32, #tpu.memory_space<vmem>>
      %dma_start3A_1015 = tpu.memref_squeeze %dma_start3A_1014 : memref<1x1x128xi32, #tpu.memory_space<vmem>> -> memref<128xi32, #tpu.memory_space<vmem>>
      %dma_start3A_1016 = arith.constant 0 : i32
      %dma_start3A_1017 = arith.constant 0 : i32
      %dma_start3A_1018 = tpu.memref_slice %arg10[%dma_start3A_1016, %dma_start3A_1017] : memref<100352x16xf32, #tpu.memory_space<vmem_shared>> -> memref<100352x16xf32, #tpu.memory_space<vmem_shared>>
      tpu.enqueue_indirect_dma source(%arg7 : memref<128x16xf32, #tpu.memory_space<vmem>>) target(%dma_start3A_1018 : memref<100352x16xf32, #tpu.memory_space<vmem_shared>>) offsets(%dma_start3A_1015 : memref<128xi32, #tpu.memory_space<vmem>>) semaphore(%arg11 : memref<!tpu.dma_semaphore, #tpu.memory_space<semaphore_mem>>) {add = true}
      %dma_start3A_1019 = arith.constant 6 : i32
      %dma_start3A_1020 = arith.constant 1 : i32
      %dma_start3A_1021 = arith.constant 0 : i32
      %dma_start3A_1022 = tpu.memref_slice %arg6[%dma_start3A_1019, %dma_start3A_1020, %dma_start3A_1021] : memref<8x2x128xi32, #tpu.memory_space<vmem>> -> memref<1x1x128xi32, #tpu.memory_space<vmem>>
      %dma_start3A_1023 = tpu.memref_squeeze %dma_start3A_1022 : memref<1x1x128xi32, #tpu.memory_space<vmem>> -> memref<128xi32, #tpu.memory_space<vmem>>
      %dma_start3A_1024 = arith.constant 0 : i32
      %dma_start3A_1025 = arith.constant 0 : i32
      %dma_start3A_1026 = tpu.memref_slice %arg10[%dma_start3A_1024, %dma_start3A_1025] : memref<100352x16xf32, #tpu.memory_space<vmem_shared>> -> memref<100352x16xf32, #tpu.memory_space<vmem_shared>>
      tpu.enqueue_indirect_dma source(%arg7 : memref<128x16xf32, #tpu.memory_space<vmem>>) target(%dma_start3A_1026 : memref<100352x16xf32, #tpu.memory_space<vmem_shared>>) offsets(%dma_start3A_1023 : memref<128xi32, #tpu.memory_space<vmem>>) semaphore(%arg11 : memref<!tpu.dma_semaphore, #tpu.memory_space<semaphore_mem>>) {add = true}
      %dma_start3A_1027 = arith.constant 7 : i32
      %dma_start3A_1028 = arith.constant 1 : i32
      %dma_start3A_1029 = arith.constant 0 : i32
      %dma_start3A_1030 = tpu.memref_slice %arg6[%dma_start3A_1027, %dma_start3A_1028, %dma_start3A_1029] : memref<8x2x128xi32, #tpu.memory_space<vmem>> -> memref<1x1x128xi32, #tpu.memory_space<vmem>>
      %dma_start3A_1031 = tpu.memref_squeeze %dma_start3A_1030 : memref<1x1x128xi32, #tpu.memory_space<vmem>> -> memref<128xi32, #tpu.memory_space<vmem>>
      %dma_start3A_1032 = arith.constant 0 : i32
      %dma_start3A_1033 = arith.constant 0 : i32
      %dma_start3A_1034 = tpu.memref_slice %arg10[%dma_start3A_1032, %dma_start3A_1033] : memref<100352x16xf32, #tpu.memory_space<vmem_shared>> -> memref<100352x16xf32, #tpu.memory_space<vmem_shared>>
      tpu.enqueue_indirect_dma source(%arg7 : memref<128x16xf32, #tpu.memory_space<vmem>>) target(%dma_start3A_1034 : memref<100352x16xf32, #tpu.memory_space<vmem_shared>>) offsets(%dma_start3A_1031 : memref<128xi32, #tpu.memory_space<vmem>>) semaphore(%arg11 : memref<!tpu.dma_semaphore, #tpu.memory_space<semaphore_mem>>) {add = true}
      %dma_wait3A_1035 = arith.constant 0 : i32
      %dma_wait3A_1036 = arith.constant 1 : i32
      %dma_wait3A_1037 = arith.constant 0 : i32
      %dma_wait3A_1038 = tpu.memref_slice %arg6[%dma_wait3A_1035, %dma_wait3A_1036, %dma_wait3A_1037] : memref<8x2x128xi32, #tpu.memory_space<vmem>> -> memref<1x1x128xi32, #tpu.memory_space<vmem>>
      %dma_wait3A_1039 = tpu.memref_squeeze %dma_wait3A_1038 : memref<1x1x128xi32, #tpu.memory_space<vmem>> -> memref<128xi32, #tpu.memory_space<vmem>>
      %dma_wait3A_1040 = arith.constant 0 : i32
      %dma_wait3A_1041 = arith.constant 0 : i32
      %dma_wait3A_1042 = tpu.memref_slice %arg10[%dma_wait3A_1040, %dma_wait3A_1041] : memref<100352x16xf32, #tpu.memory_space<vmem_shared>> -> memref<100352x16xf32, #tpu.memory_space<vmem_shared>>
      tpu.wait_indirect_dma semaphore(%arg11 : memref<!tpu.dma_semaphore, #tpu.memory_space<semaphore_mem>>) src(%arg7 : memref<128x16xf32, #tpu.memory_space<vmem>>) dst(%dma_wait3A_1042 : memref<100352x16xf32, #tpu.memory_space<vmem_shared>>)
      %dma_wait3A_1043 = arith.constant 1 : i32
      %dma_wait3A_1044 = arith.constant 1 : i32
      %dma_wait3A_1045 = arith.constant 0 : i32
      %dma_wait3A_1046 = tpu.memref_slice %arg6[%dma_wait3A_1043, %dma_wait3A_1044, %dma_wait3A_1045] : memref<8x2x128xi32, #tpu.memory_space<vmem>> -> memref<1x1x128xi32, #tpu.memory_space<vmem>>
      %dma_wait3A_1047 = tpu.memref_squeeze %dma_wait3A_1046 : memref<1x1x128xi32, #tpu.memory_space<vmem>> -> memref<128xi32, #tpu.memory_space<vmem>>
      %dma_wait3A_1048 = arith.constant 0 : i32
      %dma_wait3A_1049 = arith.constant 0 : i32
      %dma_wait3A_1050 = tpu.memref_slice %arg10[%dma_wait3A_1048, %dma_wait3A_1049] : memref<100352x16xf32, #tpu.memory_space<vmem_shared>> -> memref<100352x16xf32, #tpu.memory_space<vmem_shared>>
      tpu.wait_indirect_dma semaphore(%arg11 : memref<!tpu.dma_semaphore, #tpu.memory_space<semaphore_mem>>) src(%arg7 : memref<128x16xf32, #tpu.memory_space<vmem>>) dst(%dma_wait3A_1050 : memref<100352x16xf32, #tpu.memory_space<vmem_shared>>)
      %dma_wait3A_1051 = arith.constant 2 : i32
      %dma_wait3A_1052 = arith.constant 1 : i32
      %dma_wait3A_1053 = arith.constant 0 : i32
      %dma_wait3A_1054 = tpu.memref_slice %arg6[%dma_wait3A_1051, %dma_wait3A_1052, %dma_wait3A_1053] : memref<8x2x128xi32, #tpu.memory_space<vmem>> -> memref<1x1x128xi32, #tpu.memory_space<vmem>>
      %dma_wait3A_1055 = tpu.memref_squeeze %dma_wait3A_1054 : memref<1x1x128xi32, #tpu.memory_space<vmem>> -> memref<128xi32, #tpu.memory_space<vmem>>
      %dma_wait3A_1056 = arith.constant 0 : i32
      %dma_wait3A_1057 = arith.constant 0 : i32
      %dma_wait3A_1058 = tpu.memref_slice %arg10[%dma_wait3A_1056, %dma_wait3A_1057] : memref<100352x16xf32, #tpu.memory_space<vmem_shared>> -> memref<100352x16xf32, #tpu.memory_space<vmem_shared>>
      tpu.wait_indirect_dma semaphore(%arg11 : memref<!tpu.dma_semaphore, #tpu.memory_space<semaphore_mem>>) src(%arg7 : memref<128x16xf32, #tpu.memory_space<vmem>>) dst(%dma_wait3A_1058 : memref<100352x16xf32, #tpu.memory_space<vmem_shared>>)
      %dma_wait3A_1059 = arith.constant 3 : i32
      %dma_wait3A_1060 = arith.constant 1 : i32
      %dma_wait3A_1061 = arith.constant 0 : i32
      %dma_wait3A_1062 = tpu.memref_slice %arg6[%dma_wait3A_1059, %dma_wait3A_1060, %dma_wait3A_1061] : memref<8x2x128xi32, #tpu.memory_space<vmem>> -> memref<1x1x128xi32, #tpu.memory_space<vmem>>
      %dma_wait3A_1063 = tpu.memref_squeeze %dma_wait3A_1062 : memref<1x1x128xi32, #tpu.memory_space<vmem>> -> memref<128xi32, #tpu.memory_space<vmem>>
      %dma_wait3A_1064 = arith.constant 0 : i32
      %dma_wait3A_1065 = arith.constant 0 : i32
      %dma_wait3A_1066 = tpu.memref_slice %arg10[%dma_wait3A_1064, %dma_wait3A_1065] : memref<100352x16xf32, #tpu.memory_space<vmem_shared>> -> memref<100352x16xf32, #tpu.memory_space<vmem_shared>>
      tpu.wait_indirect_dma semaphore(%arg11 : memref<!tpu.dma_semaphore, #tpu.memory_space<semaphore_mem>>) src(%arg7 : memref<128x16xf32, #tpu.memory_space<vmem>>) dst(%dma_wait3A_1066 : memref<100352x16xf32, #tpu.memory_space<vmem_shared>>)
      %dma_wait3A_1067 = arith.constant 4 : i32
      %dma_wait3A_1068 = arith.constant 1 : i32
      %dma_wait3A_1069 = arith.constant 0 : i32
      %dma_wait3A_1070 = tpu.memref_slice %arg6[%dma_wait3A_1067, %dma_wait3A_1068, %dma_wait3A_1069] : memref<8x2x128xi32, #tpu.memory_space<vmem>> -> memref<1x1x128xi32, #tpu.memory_space<vmem>>
      %dma_wait3A_1071 = tpu.memref_squeeze %dma_wait3A_1070 : memref<1x1x128xi32, #tpu.memory_space<vmem>> -> memref<128xi32, #tpu.memory_space<vmem>>
      %dma_wait3A_1072 = arith.constant 0 : i32
      %dma_wait3A_1073 = arith.constant 0 : i32
      %dma_wait3A_1074 = tpu.memref_slice %arg10[%dma_wait3A_1072, %dma_wait3A_1073] : memref<100352x16xf32, #tpu.memory_space<vmem_shared>> -> memref<100352x16xf32, #tpu.memory_space<vmem_shared>>
      tpu.wait_indirect_dma semaphore(%arg11 : memref<!tpu.dma_semaphore, #tpu.memory_space<semaphore_mem>>) src(%arg7 : memref<128x16xf32, #tpu.memory_space<vmem>>) dst(%dma_wait3A_1074 : memref<100352x16xf32, #tpu.memory_space<vmem_shared>>)
      %dma_wait3A_1075 = arith.constant 5 : i32
      %dma_wait3A_1076 = arith.constant 1 : i32
      %dma_wait3A_1077 = arith.constant 0 : i32
      %dma_wait3A_1078 = tpu.memref_slice %arg6[%dma_wait3A_1075, %dma_wait3A_1076, %dma_wait3A_1077] : memref<8x2x128xi32, #tpu.memory_space<vmem>> -> memref<1x1x128xi32, #tpu.memory_space<vmem>>
      %dma_wait3A_1079 = tpu.memref_squeeze %dma_wait3A_1078 : memref<1x1x128xi32, #tpu.memory_space<vmem>> -> memref<128xi32, #tpu.memory_space<vmem>>
      %dma_wait3A_1080 = arith.constant 0 : i32
      %dma_wait3A_1081 = arith.constant 0 : i32
      %dma_wait3A_1082 = tpu.memref_slice %arg10[%dma_wait3A_1080, %dma_wait3A_1081] : memref<100352x16xf32, #tpu.memory_space<vmem_shared>> -> memref<100352x16xf32, #tpu.memory_space<vmem_shared>>
      tpu.wait_indirect_dma semaphore(%arg11 : memref<!tpu.dma_semaphore, #tpu.memory_space<semaphore_mem>>) src(%arg7 : memref<128x16xf32, #tpu.memory_space<vmem>>) dst(%dma_wait3A_1082 : memref<100352x16xf32, #tpu.memory_space<vmem_shared>>)
      %dma_wait3A_1083 = arith.constant 6 : i32
      %dma_wait3A_1084 = arith.constant 1 : i32
      %dma_wait3A_1085 = arith.constant 0 : i32
      %dma_wait3A_1086 = tpu.memref_slice %arg6[%dma_wait3A_1083, %dma_wait3A_1084, %dma_wait3A_1085] : memref<8x2x128xi32, #tpu.memory_space<vmem>> -> memref<1x1x128xi32, #tpu.memory_space<vmem>>
      %dma_wait3A_1087 = tpu.memref_squeeze %dma_wait3A_1086 : memref<1x1x128xi32, #tpu.memory_space<vmem>> -> memref<128xi32, #tpu.memory_space<vmem>>
      %dma_wait3A_1088 = arith.constant 0 : i32
      %dma_wait3A_1089 = arith.constant 0 : i32
      %dma_wait3A_1090 = tpu.memref_slice %arg10[%dma_wait3A_1088, %dma_wait3A_1089] : memref<100352x16xf32, #tpu.memory_space<vmem_shared>> -> memref<100352x16xf32, #tpu.memory_space<vmem_shared>>
      tpu.wait_indirect_dma semaphore(%arg11 : memref<!tpu.dma_semaphore, #tpu.memory_space<semaphore_mem>>) src(%arg7 : memref<128x16xf32, #tpu.memory_space<vmem>>) dst(%dma_wait3A_1090 : memref<100352x16xf32, #tpu.memory_space<vmem_shared>>)
      %dma_wait3A_1091 = arith.constant 7 : i32
      %dma_wait3A_1092 = arith.constant 1 : i32
      %dma_wait3A_1093 = arith.constant 0 : i32
      %dma_wait3A_1094 = tpu.memref_slice %arg6[%dma_wait3A_1091, %dma_wait3A_1092, %dma_wait3A_1093] : memref<8x2x128xi32, #tpu.memory_space<vmem>> -> memref<1x1x128xi32, #tpu.memory_space<vmem>>
      %dma_wait3A_1095 = tpu.memref_squeeze %dma_wait3A_1094 : memref<1x1x128xi32, #tpu.memory_space<vmem>> -> memref<128xi32, #tpu.memory_space<vmem>>
      %dma_wait3A_1096 = arith.constant 0 : i32
      %dma_wait3A_1097 = arith.constant 0 : i32
      %dma_wait3A_1098 = tpu.memref_slice %arg10[%dma_wait3A_1096, %dma_wait3A_1097] : memref<100352x16xf32, #tpu.memory_space<vmem_shared>> -> memref<100352x16xf32, #tpu.memory_space<vmem_shared>>
      tpu.wait_indirect_dma semaphore(%arg11 : memref<!tpu.dma_semaphore, #tpu.memory_space<semaphore_mem>>) src(%arg7 : memref<128x16xf32, #tpu.memory_space<vmem>>) dst(%dma_wait3A_1098 : memref<100352x16xf32, #tpu.memory_space<vmem_shared>>)
    }
    %scan3A_387 = arith.constant 49 : i32
    %barrier3A_388 = arith.constant 0 : index
    tpu.barrier barrier_id(%barrier3A_388)
    %mul3A_389 = arith.constant 6272 : i32
    %mul3A_390 = arith.muli %arg1, %mul3A_389 : i32
    %add3A_391 = arith.constant 0 : i32
    %add3A_392 = arith.addi %mul3A_390, %add3A_391 : i32
    %mul3A_393 = arith.constant 6272 : i32
    %mul3A_394 = arith.muli %arg1, %mul3A_393 : i32
    %add3A_395 = arith.constant 0 : i32
    %add3A_396 = arith.addi %mul3A_394, %add3A_395 : i32
    %dma_start3A_397 = arith.constant 0 : i32
    %dma_start3A_398 = tpu.memref_slice %arg5[%arg0, %add3A_396, %dma_start3A_397] : memref<2x100352x16xf32, #tpu.memory_space<hbm>> -> memref<1x196x16xf32, #tpu.memory_space<hbm>>
    %dma_start3A_399 = tpu.memref_squeeze %dma_start3A_398 : memref<1x196x16xf32, #tpu.memory_space<hbm>> -> memref<196x16xf32, #tpu.memory_space<hbm>>
    %dma_start3A_400 = arith.constant 0 : i32
    %dma_start3A_401 = tpu.memref_slice %arg10[%add3A_392, %dma_start3A_400] : memref<100352x16xf32, #tpu.memory_space<vmem_shared>> -> memref<196x16xf32, #tpu.memory_space<vmem_shared>>
    tpu.enqueue_dma source(%dma_start3A_401 : memref<196x16xf32, #tpu.memory_space<vmem_shared>>) target(%dma_start3A_399 : memref<196x16xf32, #tpu.memory_space<hbm>>) target_semaphore(%arg11 : memref<!tpu.dma_semaphore, #tpu.memory_space<semaphore_mem>>)
    %mul3A_402 = arith.constant 6272 : i32
    %mul3A_403 = arith.muli %arg1, %mul3A_402 : i32
    %add3A_404 = arith.constant 196 : i32
    %add3A_405 = arith.addi %mul3A_403, %add3A_404 : i32
    %mul3A_406 = arith.constant 6272 : i32
    %mul3A_407 = arith.muli %arg1, %mul3A_406 : i32
    %add3A_408 = arith.constant 196 : i32
    %add3A_409 = arith.addi %mul3A_407, %add3A_408 : i32
    %dma_start3A_410 = arith.constant 0 : i32
    %dma_start3A_411 = tpu.memref_slice %arg5[%arg0, %add3A_409, %dma_start3A_410] : memref<2x100352x16xf32, #tpu.memory_space<hbm>> -> memref<1x196x16xf32, #tpu.memory_space<hbm>>
    %dma_start3A_412 = tpu.memref_squeeze %dma_start3A_411 : memref<1x196x16xf32, #tpu.memory_space<hbm>> -> memref<196x16xf32, #tpu.memory_space<hbm>>
    %dma_start3A_413 = arith.constant 0 : i32
    %dma_start3A_414 = tpu.memref_slice %arg10[%add3A_405, %dma_start3A_413] : memref<100352x16xf32, #tpu.memory_space<vmem_shared>> -> memref<196x16xf32, #tpu.memory_space<vmem_shared>>
    tpu.enqueue_dma source(%dma_start3A_414 : memref<196x16xf32, #tpu.memory_space<vmem_shared>>) target(%dma_start3A_412 : memref<196x16xf32, #tpu.memory_space<hbm>>) target_semaphore(%arg11 : memref<!tpu.dma_semaphore, #tpu.memory_space<semaphore_mem>>)
    %mul3A_415 = arith.constant 6272 : i32
    %mul3A_416 = arith.muli %arg1, %mul3A_415 : i32
    %add3A_417 = arith.constant 392 : i32
    %add3A_418 = arith.addi %mul3A_416, %add3A_417 : i32
    %mul3A_419 = arith.constant 6272 : i32
    %mul3A_420 = arith.muli %arg1, %mul3A_419 : i32
    %add3A_421 = arith.constant 392 : i32
    %add3A_422 = arith.addi %mul3A_420, %add3A_421 : i32
    %dma_start3A_423 = arith.constant 0 : i32
    %dma_start3A_424 = tpu.memref_slice %arg5[%arg0, %add3A_422, %dma_start3A_423] : memref<2x100352x16xf32, #tpu.memory_space<hbm>> -> memref<1x196x16xf32, #tpu.memory_space<hbm>>
    %dma_start3A_425 = tpu.memref_squeeze %dma_start3A_424 : memref<1x196x16xf32, #tpu.memory_space<hbm>> -> memref<196x16xf32, #tpu.memory_space<hbm>>
    %dma_start3A_426 = arith.constant 0 : i32
    %dma_start3A_427 = tpu.memref_slice %arg10[%add3A_418, %dma_start3A_426] : memref<100352x16xf32, #tpu.memory_space<vmem_shared>> -> memref<196x16xf32, #tpu.memory_space<vmem_shared>>
    tpu.enqueue_dma source(%dma_start3A_427 : memref<196x16xf32, #tpu.memory_space<vmem_shared>>) target(%dma_start3A_425 : memref<196x16xf32, #tpu.memory_space<hbm>>) target_semaphore(%arg11 : memref<!tpu.dma_semaphore, #tpu.memory_space<semaphore_mem>>)
    %mul3A_428 = arith.constant 6272 : i32
    %mul3A_429 = arith.muli %arg1, %mul3A_428 : i32
    %add3A_430 = arith.constant 588 : i32
    %add3A_431 = arith.addi %mul3A_429, %add3A_430 : i32
    %mul3A_432 = arith.constant 6272 : i32
    %mul3A_433 = arith.muli %arg1, %mul3A_432 : i32
    %add3A_434 = arith.constant 588 : i32
    %add3A_435 = arith.addi %mul3A_433, %add3A_434 : i32
    %dma_start3A_436 = arith.constant 0 : i32
    %dma_start3A_437 = tpu.memref_slice %arg5[%arg0, %add3A_435, %dma_start3A_436] : memref<2x100352x16xf32, #tpu.memory_space<hbm>> -> memref<1x196x16xf32, #tpu.memory_space<hbm>>
    %dma_start3A_438 = tpu.memref_squeeze %dma_start3A_437 : memref<1x196x16xf32, #tpu.memory_space<hbm>> -> memref<196x16xf32, #tpu.memory_space<hbm>>
    %dma_start3A_439 = arith.constant 0 : i32
    %dma_start3A_440 = tpu.memref_slice %arg10[%add3A_431, %dma_start3A_439] : memref<100352x16xf32, #tpu.memory_space<vmem_shared>> -> memref<196x16xf32, #tpu.memory_space<vmem_shared>>
    tpu.enqueue_dma source(%dma_start3A_440 : memref<196x16xf32, #tpu.memory_space<vmem_shared>>) target(%dma_start3A_438 : memref<196x16xf32, #tpu.memory_space<hbm>>) target_semaphore(%arg11 : memref<!tpu.dma_semaphore, #tpu.memory_space<semaphore_mem>>)
    %mul3A_441 = arith.constant 6272 : i32
    %mul3A_442 = arith.muli %arg1, %mul3A_441 : i32
    %add3A_443 = arith.constant 784 : i32
    %add3A_444 = arith.addi %mul3A_442, %add3A_443 : i32
    %mul3A_445 = arith.constant 6272 : i32
    %mul3A_446 = arith.muli %arg1, %mul3A_445 : i32
    %add3A_447 = arith.constant 784 : i32
    %add3A_448 = arith.addi %mul3A_446, %add3A_447 : i32
    %dma_start3A_449 = arith.constant 0 : i32
    %dma_start3A_450 = tpu.memref_slice %arg5[%arg0, %add3A_448, %dma_start3A_449] : memref<2x100352x16xf32, #tpu.memory_space<hbm>> -> memref<1x196x16xf32, #tpu.memory_space<hbm>>
    %dma_start3A_451 = tpu.memref_squeeze %dma_start3A_450 : memref<1x196x16xf32, #tpu.memory_space<hbm>> -> memref<196x16xf32, #tpu.memory_space<hbm>>
    %dma_start3A_452 = arith.constant 0 : i32
    %dma_start3A_453 = tpu.memref_slice %arg10[%add3A_444, %dma_start3A_452] : memref<100352x16xf32, #tpu.memory_space<vmem_shared>> -> memref<196x16xf32, #tpu.memory_space<vmem_shared>>
    tpu.enqueue_dma source(%dma_start3A_453 : memref<196x16xf32, #tpu.memory_space<vmem_shared>>) target(%dma_start3A_451 : memref<196x16xf32, #tpu.memory_space<hbm>>) target_semaphore(%arg11 : memref<!tpu.dma_semaphore, #tpu.memory_space<semaphore_mem>>)
    %mul3A_454 = arith.constant 6272 : i32
    %mul3A_455 = arith.muli %arg1, %mul3A_454 : i32
    %add3A_456 = arith.constant 980 : i32
    %add3A_457 = arith.addi %mul3A_455, %add3A_456 : i32
    %mul3A_458 = arith.constant 6272 : i32
    %mul3A_459 = arith.muli %arg1, %mul3A_458 : i32
    %add3A_460 = arith.constant 980 : i32
    %add3A_461 = arith.addi %mul3A_459, %add3A_460 : i32
    %dma_start3A_462 = arith.constant 0 : i32
    %dma_start3A_463 = tpu.memref_slice %arg5[%arg0, %add3A_461, %dma_start3A_462] : memref<2x100352x16xf32, #tpu.memory_space<hbm>> -> memref<1x196x16xf32, #tpu.memory_space<hbm>>
    %dma_start3A_464 = tpu.memref_squeeze %dma_start3A_463 : memref<1x196x16xf32, #tpu.memory_space<hbm>> -> memref<196x16xf32, #tpu.memory_space<hbm>>
    %dma_start3A_465 = arith.constant 0 : i32
    %dma_start3A_466 = tpu.memref_slice %arg10[%add3A_457, %dma_start3A_465] : memref<100352x16xf32, #tpu.memory_space<vmem_shared>> -> memref<196x16xf32, #tpu.memory_space<vmem_shared>>
    tpu.enqueue_dma source(%dma_start3A_466 : memref<196x16xf32, #tpu.memory_space<vmem_shared>>) target(%dma_start3A_464 : memref<196x16xf32, #tpu.memory_space<hbm>>) target_semaphore(%arg11 : memref<!tpu.dma_semaphore, #tpu.memory_space<semaphore_mem>>)
    %mul3A_467 = arith.constant 6272 : i32
    %mul3A_468 = arith.muli %arg1, %mul3A_467 : i32
    %add3A_469 = arith.constant 1176 : i32
    %add3A_470 = arith.addi %mul3A_468, %add3A_469 : i32
    %mul3A_471 = arith.constant 6272 : i32
    %mul3A_472 = arith.muli %arg1, %mul3A_471 : i32
    %add3A_473 = arith.constant 1176 : i32
    %add3A_474 = arith.addi %mul3A_472, %add3A_473 : i32
    %dma_start3A_475 = arith.constant 0 : i32
    %dma_start3A_476 = tpu.memref_slice %arg5[%arg0, %add3A_474, %dma_start3A_475] : memref<2x100352x16xf32, #tpu.memory_space<hbm>> -> memref<1x196x16xf32, #tpu.memory_space<hbm>>
    %dma_start3A_477 = tpu.memref_squeeze %dma_start3A_476 : memref<1x196x16xf32, #tpu.memory_space<hbm>> -> memref<196x16xf32, #tpu.memory_space<hbm>>
    %dma_start3A_478 = arith.constant 0 : i32
    %dma_start3A_479 = tpu.memref_slice %arg10[%add3A_470, %dma_start3A_478] : memref<100352x16xf32, #tpu.memory_space<vmem_shared>> -> memref<196x16xf32, #tpu.memory_space<vmem_shared>>
    tpu.enqueue_dma source(%dma_start3A_479 : memref<196x16xf32, #tpu.memory_space<vmem_shared>>) target(%dma_start3A_477 : memref<196x16xf32, #tpu.memory_space<hbm>>) target_semaphore(%arg11 : memref<!tpu.dma_semaphore, #tpu.memory_space<semaphore_mem>>)
    %mul3A_480 = arith.constant 6272 : i32
    %mul3A_481 = arith.muli %arg1, %mul3A_480 : i32
    %add3A_482 = arith.constant 1372 : i32
    %add3A_483 = arith.addi %mul3A_481, %add3A_482 : i32
    %mul3A_484 = arith.constant 6272 : i32
    %mul3A_485 = arith.muli %arg1, %mul3A_484 : i32
    %add3A_486 = arith.constant 1372 : i32
    %add3A_487 = arith.addi %mul3A_485, %add3A_486 : i32
    %dma_start3A_488 = arith.constant 0 : i32
    %dma_start3A_489 = tpu.memref_slice %arg5[%arg0, %add3A_487, %dma_start3A_488] : memref<2x100352x16xf32, #tpu.memory_space<hbm>> -> memref<1x196x16xf32, #tpu.memory_space<hbm>>
    %dma_start3A_490 = tpu.memref_squeeze %dma_start3A_489 : memref<1x196x16xf32, #tpu.memory_space<hbm>> -> memref<196x16xf32, #tpu.memory_space<hbm>>
    %dma_start3A_491 = arith.constant 0 : i32
    %dma_start3A_492 = tpu.memref_slice %arg10[%add3A_483, %dma_start3A_491] : memref<100352x16xf32, #tpu.memory_space<vmem_shared>> -> memref<196x16xf32, #tpu.memory_space<vmem_shared>>
    tpu.enqueue_dma source(%dma_start3A_492 : memref<196x16xf32, #tpu.memory_space<vmem_shared>>) target(%dma_start3A_490 : memref<196x16xf32, #tpu.memory_space<hbm>>) target_semaphore(%arg11 : memref<!tpu.dma_semaphore, #tpu.memory_space<semaphore_mem>>)
    %mul3A_493 = arith.constant 6272 : i32
    %mul3A_494 = arith.muli %arg1, %mul3A_493 : i32
    %add3A_495 = arith.constant 1568 : i32
    %add3A_496 = arith.addi %mul3A_494, %add3A_495 : i32
    %mul3A_497 = arith.constant 6272 : i32
    %mul3A_498 = arith.muli %arg1, %mul3A_497 : i32
    %add3A_499 = arith.constant 1568 : i32
    %add3A_500 = arith.addi %mul3A_498, %add3A_499 : i32
    %dma_start3A_501 = arith.constant 0 : i32
    %dma_start3A_502 = tpu.memref_slice %arg5[%arg0, %add3A_500, %dma_start3A_501] : memref<2x100352x16xf32, #tpu.memory_space<hbm>> -> memref<1x196x16xf32, #tpu.memory_space<hbm>>
    %dma_start3A_503 = tpu.memref_squeeze %dma_start3A_502 : memref<1x196x16xf32, #tpu.memory_space<hbm>> -> memref<196x16xf32, #tpu.memory_space<hbm>>
    %dma_start3A_504 = arith.constant 0 : i32
    %dma_start3A_505 = tpu.memref_slice %arg10[%add3A_496, %dma_start3A_504] : memref<100352x16xf32, #tpu.memory_space<vmem_shared>> -> memref<196x16xf32, #tpu.memory_space<vmem_shared>>
    tpu.enqueue_dma source(%dma_start3A_505 : memref<196x16xf32, #tpu.memory_space<vmem_shared>>) target(%dma_start3A_503 : memref<196x16xf32, #tpu.memory_space<hbm>>) target_semaphore(%arg11 : memref<!tpu.dma_semaphore, #tpu.memory_space<semaphore_mem>>)
    %mul3A_506 = arith.constant 6272 : i32
    %mul3A_507 = arith.muli %arg1, %mul3A_506 : i32
    %add3A_508 = arith.constant 1764 : i32
    %add3A_509 = arith.addi %mul3A_507, %add3A_508 : i32
    %mul3A_510 = arith.constant 6272 : i32
    %mul3A_511 = arith.muli %arg1, %mul3A_510 : i32
    %add3A_512 = arith.constant 1764 : i32
    %add3A_513 = arith.addi %mul3A_511, %add3A_512 : i32
    %dma_start3A_514 = arith.constant 0 : i32
    %dma_start3A_515 = tpu.memref_slice %arg5[%arg0, %add3A_513, %dma_start3A_514] : memref<2x100352x16xf32, #tpu.memory_space<hbm>> -> memref<1x196x16xf32, #tpu.memory_space<hbm>>
    %dma_start3A_516 = tpu.memref_squeeze %dma_start3A_515 : memref<1x196x16xf32, #tpu.memory_space<hbm>> -> memref<196x16xf32, #tpu.memory_space<hbm>>
    %dma_start3A_517 = arith.constant 0 : i32
    %dma_start3A_518 = tpu.memref_slice %arg10[%add3A_509, %dma_start3A_517] : memref<100352x16xf32, #tpu.memory_space<vmem_shared>> -> memref<196x16xf32, #tpu.memory_space<vmem_shared>>
    tpu.enqueue_dma source(%dma_start3A_518 : memref<196x16xf32, #tpu.memory_space<vmem_shared>>) target(%dma_start3A_516 : memref<196x16xf32, #tpu.memory_space<hbm>>) target_semaphore(%arg11 : memref<!tpu.dma_semaphore, #tpu.memory_space<semaphore_mem>>)
    %mul3A_519 = arith.constant 6272 : i32
    %mul3A_520 = arith.muli %arg1, %mul3A_519 : i32
    %add3A_521 = arith.constant 1960 : i32
    %add3A_522 = arith.addi %mul3A_520, %add3A_521 : i32
    %mul3A_523 = arith.constant 6272 : i32
    %mul3A_524 = arith.muli %arg1, %mul3A_523 : i32
    %add3A_525 = arith.constant 1960 : i32
    %add3A_526 = arith.addi %mul3A_524, %add3A_525 : i32
    %dma_start3A_527 = arith.constant 0 : i32
    %dma_start3A_528 = tpu.memref_slice %arg5[%arg0, %add3A_526, %dma_start3A_527] : memref<2x100352x16xf32, #tpu.memory_space<hbm>> -> memref<1x196x16xf32, #tpu.memory_space<hbm>>
    %dma_start3A_529 = tpu.memref_squeeze %dma_start3A_528 : memref<1x196x16xf32, #tpu.memory_space<hbm>> -> memref<196x16xf32, #tpu.memory_space<hbm>>
    %dma_start3A_530 = arith.constant 0 : i32
    %dma_start3A_531 = tpu.memref_slice %arg10[%add3A_522, %dma_start3A_530] : memref<100352x16xf32, #tpu.memory_space<vmem_shared>> -> memref<196x16xf32, #tpu.memory_space<vmem_shared>>
    tpu.enqueue_dma source(%dma_start3A_531 : memref<196x16xf32, #tpu.memory_space<vmem_shared>>) target(%dma_start3A_529 : memref<196x16xf32, #tpu.memory_space<hbm>>) target_semaphore(%arg11 : memref<!tpu.dma_semaphore, #tpu.memory_space<semaphore_mem>>)
    %mul3A_532 = arith.constant 6272 : i32
    %mul3A_533 = arith.muli %arg1, %mul3A_532 : i32
    %add3A_534 = arith.constant 2156 : i32
    %add3A_535 = arith.addi %mul3A_533, %add3A_534 : i32
    %mul3A_536 = arith.constant 6272 : i32
    %mul3A_537 = arith.muli %arg1, %mul3A_536 : i32
    %add3A_538 = arith.constant 2156 : i32
    %add3A_539 = arith.addi %mul3A_537, %add3A_538 : i32
    %dma_start3A_540 = arith.constant 0 : i32
    %dma_start3A_541 = tpu.memref_slice %arg5[%arg0, %add3A_539, %dma_start3A_540] : memref<2x100352x16xf32, #tpu.memory_space<hbm>> -> memref<1x196x16xf32, #tpu.memory_space<hbm>>
    %dma_start3A_542 = tpu.memref_squeeze %dma_start3A_541 : memref<1x196x16xf32, #tpu.memory_space<hbm>> -> memref<196x16xf32, #tpu.memory_space<hbm>>
    %dma_start3A_543 = arith.constant 0 : i32
    %dma_start3A_544 = tpu.memref_slice %arg10[%add3A_535, %dma_start3A_543] : memref<100352x16xf32, #tpu.memory_space<vmem_shared>> -> memref<196x16xf32, #tpu.memory_space<vmem_shared>>
    tpu.enqueue_dma source(%dma_start3A_544 : memref<196x16xf32, #tpu.memory_space<vmem_shared>>) target(%dma_start3A_542 : memref<196x16xf32, #tpu.memory_space<hbm>>) target_semaphore(%arg11 : memref<!tpu.dma_semaphore, #tpu.memory_space<semaphore_mem>>)
    %mul3A_545 = arith.constant 6272 : i32
    %mul3A_546 = arith.muli %arg1, %mul3A_545 : i32
    %add3A_547 = arith.constant 2352 : i32
    %add3A_548 = arith.addi %mul3A_546, %add3A_547 : i32
    %mul3A_549 = arith.constant 6272 : i32
    %mul3A_550 = arith.muli %arg1, %mul3A_549 : i32
    %add3A_551 = arith.constant 2352 : i32
    %add3A_552 = arith.addi %mul3A_550, %add3A_551 : i32
    %dma_start3A_553 = arith.constant 0 : i32
    %dma_start3A_554 = tpu.memref_slice %arg5[%arg0, %add3A_552, %dma_start3A_553] : memref<2x100352x16xf32, #tpu.memory_space<hbm>> -> memref<1x196x16xf32, #tpu.memory_space<hbm>>
    %dma_start3A_555 = tpu.memref_squeeze %dma_start3A_554 : memref<1x196x16xf32, #tpu.memory_space<hbm>> -> memref<196x16xf32, #tpu.memory_space<hbm>>
    %dma_start3A_556 = arith.constant 0 : i32
    %dma_start3A_557 = tpu.memref_slice %arg10[%add3A_548, %dma_start3A_556] : memref<100352x16xf32, #tpu.memory_space<vmem_shared>> -> memref<196x16xf32, #tpu.memory_space<vmem_shared>>
    tpu.enqueue_dma source(%dma_start3A_557 : memref<196x16xf32, #tpu.memory_space<vmem_shared>>) target(%dma_start3A_555 : memref<196x16xf32, #tpu.memory_space<hbm>>) target_semaphore(%arg11 : memref<!tpu.dma_semaphore, #tpu.memory_space<semaphore_mem>>)
    %mul3A_558 = arith.constant 6272 : i32
    %mul3A_559 = arith.muli %arg1, %mul3A_558 : i32
    %add3A_560 = arith.constant 2548 : i32
    %add3A_561 = arith.addi %mul3A_559, %add3A_560 : i32
    %mul3A_562 = arith.constant 6272 : i32
    %mul3A_563 = arith.muli %arg1, %mul3A_562 : i32
    %add3A_564 = arith.constant 2548 : i32
    %add3A_565 = arith.addi %mul3A_563, %add3A_564 : i32
    %dma_start3A_566 = arith.constant 0 : i32
    %dma_start3A_567 = tpu.memref_slice %arg5[%arg0, %add3A_565, %dma_start3A_566] : memref<2x100352x16xf32, #tpu.memory_space<hbm>> -> memref<1x196x16xf32, #tpu.memory_space<hbm>>
    %dma_start3A_568 = tpu.memref_squeeze %dma_start3A_567 : memref<1x196x16xf32, #tpu.memory_space<hbm>> -> memref<196x16xf32, #tpu.memory_space<hbm>>
    %dma_start3A_569 = arith.constant 0 : i32
    %dma_start3A_570 = tpu.memref_slice %arg10[%add3A_561, %dma_start3A_569] : memref<100352x16xf32, #tpu.memory_space<vmem_shared>> -> memref<196x16xf32, #tpu.memory_space<vmem_shared>>
    tpu.enqueue_dma source(%dma_start3A_570 : memref<196x16xf32, #tpu.memory_space<vmem_shared>>) target(%dma_start3A_568 : memref<196x16xf32, #tpu.memory_space<hbm>>) target_semaphore(%arg11 : memref<!tpu.dma_semaphore, #tpu.memory_space<semaphore_mem>>)
    %mul3A_571 = arith.constant 6272 : i32
    %mul3A_572 = arith.muli %arg1, %mul3A_571 : i32
    %add3A_573 = arith.constant 2744 : i32
    %add3A_574 = arith.addi %mul3A_572, %add3A_573 : i32
    %mul3A_575 = arith.constant 6272 : i32
    %mul3A_576 = arith.muli %arg1, %mul3A_575 : i32
    %add3A_577 = arith.constant 2744 : i32
    %add3A_578 = arith.addi %mul3A_576, %add3A_577 : i32
    %dma_start3A_579 = arith.constant 0 : i32
    %dma_start3A_580 = tpu.memref_slice %arg5[%arg0, %add3A_578, %dma_start3A_579] : memref<2x100352x16xf32, #tpu.memory_space<hbm>> -> memref<1x196x16xf32, #tpu.memory_space<hbm>>
    %dma_start3A_581 = tpu.memref_squeeze %dma_start3A_580 : memref<1x196x16xf32, #tpu.memory_space<hbm>> -> memref<196x16xf32, #tpu.memory_space<hbm>>
    %dma_start3A_582 = arith.constant 0 : i32
    %dma_start3A_583 = tpu.memref_slice %arg10[%add3A_574, %dma_start3A_582] : memref<100352x16xf32, #tpu.memory_space<vmem_shared>> -> memref<196x16xf32, #tpu.memory_space<vmem_shared>>
    tpu.enqueue_dma source(%dma_start3A_583 : memref<196x16xf32, #tpu.memory_space<vmem_shared>>) target(%dma_start3A_581 : memref<196x16xf32, #tpu.memory_space<hbm>>) target_semaphore(%arg11 : memref<!tpu.dma_semaphore, #tpu.memory_space<semaphore_mem>>)
    %mul3A_584 = arith.constant 6272 : i32
    %mul3A_585 = arith.muli %arg1, %mul3A_584 : i32
    %add3A_586 = arith.constant 2940 : i32
    %add3A_587 = arith.addi %mul3A_585, %add3A_586 : i32
    %mul3A_588 = arith.constant 6272 : i32
    %mul3A_589 = arith.muli %arg1, %mul3A_588 : i32
    %add3A_590 = arith.constant 2940 : i32
    %add3A_591 = arith.addi %mul3A_589, %add3A_590 : i32
    %dma_start3A_592 = arith.constant 0 : i32
    %dma_start3A_593 = tpu.memref_slice %arg5[%arg0, %add3A_591, %dma_start3A_592] : memref<2x100352x16xf32, #tpu.memory_space<hbm>> -> memref<1x196x16xf32, #tpu.memory_space<hbm>>
    %dma_start3A_594 = tpu.memref_squeeze %dma_start3A_593 : memref<1x196x16xf32, #tpu.memory_space<hbm>> -> memref<196x16xf32, #tpu.memory_space<hbm>>
    %dma_start3A_595 = arith.constant 0 : i32
    %dma_start3A_596 = tpu.memref_slice %arg10[%add3A_587, %dma_start3A_595] : memref<100352x16xf32, #tpu.memory_space<vmem_shared>> -> memref<196x16xf32, #tpu.memory_space<vmem_shared>>
    tpu.enqueue_dma source(%dma_start3A_596 : memref<196x16xf32, #tpu.memory_space<vmem_shared>>) target(%dma_start3A_594 : memref<196x16xf32, #tpu.memory_space<hbm>>) target_semaphore(%arg11 : memref<!tpu.dma_semaphore, #tpu.memory_space<semaphore_mem>>)
    %mul3A_597 = arith.constant 6272 : i32
    %mul3A_598 = arith.muli %arg1, %mul3A_597 : i32
    %add3A_599 = arith.constant 3136 : i32
    %add3A_600 = arith.addi %mul3A_598, %add3A_599 : i32
    %mul3A_601 = arith.constant 6272 : i32
    %mul3A_602 = arith.muli %arg1, %mul3A_601 : i32
    %add3A_603 = arith.constant 3136 : i32
    %add3A_604 = arith.addi %mul3A_602, %add3A_603 : i32
    %dma_start3A_605 = arith.constant 0 : i32
    %dma_start3A_606 = tpu.memref_slice %arg5[%arg0, %add3A_604, %dma_start3A_605] : memref<2x100352x16xf32, #tpu.memory_space<hbm>> -> memref<1x196x16xf32, #tpu.memory_space<hbm>>
    %dma_start3A_607 = tpu.memref_squeeze %dma_start3A_606 : memref<1x196x16xf32, #tpu.memory_space<hbm>> -> memref<196x16xf32, #tpu.memory_space<hbm>>
    %dma_start3A_608 = arith.constant 0 : i32
    %dma_start3A_609 = tpu.memref_slice %arg10[%add3A_600, %dma_start3A_608] : memref<100352x16xf32, #tpu.memory_space<vmem_shared>> -> memref<196x16xf32, #tpu.memory_space<vmem_shared>>
    tpu.enqueue_dma source(%dma_start3A_609 : memref<196x16xf32, #tpu.memory_space<vmem_shared>>) target(%dma_start3A_607 : memref<196x16xf32, #tpu.memory_space<hbm>>) target_semaphore(%arg11 : memref<!tpu.dma_semaphore, #tpu.memory_space<semaphore_mem>>)
    %mul3A_610 = arith.constant 6272 : i32
    %mul3A_611 = arith.muli %arg1, %mul3A_610 : i32
    %add3A_612 = arith.constant 3332 : i32
    %add3A_613 = arith.addi %mul3A_611, %add3A_612 : i32
    %mul3A_614 = arith.constant 6272 : i32
    %mul3A_615 = arith.muli %arg1, %mul3A_614 : i32
    %add3A_616 = arith.constant 3332 : i32
    %add3A_617 = arith.addi %mul3A_615, %add3A_616 : i32
    %dma_start3A_618 = arith.constant 0 : i32
    %dma_start3A_619 = tpu.memref_slice %arg5[%arg0, %add3A_617, %dma_start3A_618] : memref<2x100352x16xf32, #tpu.memory_space<hbm>> -> memref<1x196x16xf32, #tpu.memory_space<hbm>>
    %dma_start3A_620 = tpu.memref_squeeze %dma_start3A_619 : memref<1x196x16xf32, #tpu.memory_space<hbm>> -> memref<196x16xf32, #tpu.memory_space<hbm>>
    %dma_start3A_621 = arith.constant 0 : i32
    %dma_start3A_622 = tpu.memref_slice %arg10[%add3A_613, %dma_start3A_621] : memref<100352x16xf32, #tpu.memory_space<vmem_shared>> -> memref<196x16xf32, #tpu.memory_space<vmem_shared>>
    tpu.enqueue_dma source(%dma_start3A_622 : memref<196x16xf32, #tpu.memory_space<vmem_shared>>) target(%dma_start3A_620 : memref<196x16xf32, #tpu.memory_space<hbm>>) target_semaphore(%arg11 : memref<!tpu.dma_semaphore, #tpu.memory_space<semaphore_mem>>)
    %mul3A_623 = arith.constant 6272 : i32
    %mul3A_624 = arith.muli %arg1, %mul3A_623 : i32
    %add3A_625 = arith.constant 3528 : i32
    %add3A_626 = arith.addi %mul3A_624, %add3A_625 : i32
    %mul3A_627 = arith.constant 6272 : i32
    %mul3A_628 = arith.muli %arg1, %mul3A_627 : i32
    %add3A_629 = arith.constant 3528 : i32
    %add3A_630 = arith.addi %mul3A_628, %add3A_629 : i32
    %dma_start3A_631 = arith.constant 0 : i32
    %dma_start3A_632 = tpu.memref_slice %arg5[%arg0, %add3A_630, %dma_start3A_631] : memref<2x100352x16xf32, #tpu.memory_space<hbm>> -> memref<1x196x16xf32, #tpu.memory_space<hbm>>
    %dma_start3A_633 = tpu.memref_squeeze %dma_start3A_632 : memref<1x196x16xf32, #tpu.memory_space<hbm>> -> memref<196x16xf32, #tpu.memory_space<hbm>>
    %dma_start3A_634 = arith.constant 0 : i32
    %dma_start3A_635 = tpu.memref_slice %arg10[%add3A_626, %dma_start3A_634] : memref<100352x16xf32, #tpu.memory_space<vmem_shared>> -> memref<196x16xf32, #tpu.memory_space<vmem_shared>>
    tpu.enqueue_dma source(%dma_start3A_635 : memref<196x16xf32, #tpu.memory_space<vmem_shared>>) target(%dma_start3A_633 : memref<196x16xf32, #tpu.memory_space<hbm>>) target_semaphore(%arg11 : memref<!tpu.dma_semaphore, #tpu.memory_space<semaphore_mem>>)
    %mul3A_636 = arith.constant 6272 : i32
    %mul3A_637 = arith.muli %arg1, %mul3A_636 : i32
    %add3A_638 = arith.constant 3724 : i32
    %add3A_639 = arith.addi %mul3A_637, %add3A_638 : i32
    %mul3A_640 = arith.constant 6272 : i32
    %mul3A_641 = arith.muli %arg1, %mul3A_640 : i32
    %add3A_642 = arith.constant 3724 : i32
    %add3A_643 = arith.addi %mul3A_641, %add3A_642 : i32
    %dma_start3A_644 = arith.constant 0 : i32
    %dma_start3A_645 = tpu.memref_slice %arg5[%arg0, %add3A_643, %dma_start3A_644] : memref<2x100352x16xf32, #tpu.memory_space<hbm>> -> memref<1x196x16xf32, #tpu.memory_space<hbm>>
    %dma_start3A_646 = tpu.memref_squeeze %dma_start3A_645 : memref<1x196x16xf32, #tpu.memory_space<hbm>> -> memref<196x16xf32, #tpu.memory_space<hbm>>
    %dma_start3A_647 = arith.constant 0 : i32
    %dma_start3A_648 = tpu.memref_slice %arg10[%add3A_639, %dma_start3A_647] : memref<100352x16xf32, #tpu.memory_space<vmem_shared>> -> memref<196x16xf32, #tpu.memory_space<vmem_shared>>
    tpu.enqueue_dma source(%dma_start3A_648 : memref<196x16xf32, #tpu.memory_space<vmem_shared>>) target(%dma_start3A_646 : memref<196x16xf32, #tpu.memory_space<hbm>>) target_semaphore(%arg11 : memref<!tpu.dma_semaphore, #tpu.memory_space<semaphore_mem>>)
    %mul3A_649 = arith.constant 6272 : i32
    %mul3A_650 = arith.muli %arg1, %mul3A_649 : i32
    %add3A_651 = arith.constant 3920 : i32
    %add3A_652 = arith.addi %mul3A_650, %add3A_651 : i32
    %mul3A_653 = arith.constant 6272 : i32
    %mul3A_654 = arith.muli %arg1, %mul3A_653 : i32
    %add3A_655 = arith.constant 3920 : i32
    %add3A_656 = arith.addi %mul3A_654, %add3A_655 : i32
    %dma_start3A_657 = arith.constant 0 : i32
    %dma_start3A_658 = tpu.memref_slice %arg5[%arg0, %add3A_656, %dma_start3A_657] : memref<2x100352x16xf32, #tpu.memory_space<hbm>> -> memref<1x196x16xf32, #tpu.memory_space<hbm>>
    %dma_start3A_659 = tpu.memref_squeeze %dma_start3A_658 : memref<1x196x16xf32, #tpu.memory_space<hbm>> -> memref<196x16xf32, #tpu.memory_space<hbm>>
    %dma_start3A_660 = arith.constant 0 : i32
    %dma_start3A_661 = tpu.memref_slice %arg10[%add3A_652, %dma_start3A_660] : memref<100352x16xf32, #tpu.memory_space<vmem_shared>> -> memref<196x16xf32, #tpu.memory_space<vmem_shared>>
    tpu.enqueue_dma source(%dma_start3A_661 : memref<196x16xf32, #tpu.memory_space<vmem_shared>>) target(%dma_start3A_659 : memref<196x16xf32, #tpu.memory_space<hbm>>) target_semaphore(%arg11 : memref<!tpu.dma_semaphore, #tpu.memory_space<semaphore_mem>>)
    %mul3A_662 = arith.constant 6272 : i32
    %mul3A_663 = arith.muli %arg1, %mul3A_662 : i32
    %add3A_664 = arith.constant 4116 : i32
    %add3A_665 = arith.addi %mul3A_663, %add3A_664 : i32
    %mul3A_666 = arith.constant 6272 : i32
    %mul3A_667 = arith.muli %arg1, %mul3A_666 : i32
    %add3A_668 = arith.constant 4116 : i32
    %add3A_669 = arith.addi %mul3A_667, %add3A_668 : i32
    %dma_start3A_670 = arith.constant 0 : i32
    %dma_start3A_671 = tpu.memref_slice %arg5[%arg0, %add3A_669, %dma_start3A_670] : memref<2x100352x16xf32, #tpu.memory_space<hbm>> -> memref<1x196x16xf32, #tpu.memory_space<hbm>>
    %dma_start3A_672 = tpu.memref_squeeze %dma_start3A_671 : memref<1x196x16xf32, #tpu.memory_space<hbm>> -> memref<196x16xf32, #tpu.memory_space<hbm>>
    %dma_start3A_673 = arith.constant 0 : i32
    %dma_start3A_674 = tpu.memref_slice %arg10[%add3A_665, %dma_start3A_673] : memref<100352x16xf32, #tpu.memory_space<vmem_shared>> -> memref<196x16xf32, #tpu.memory_space<vmem_shared>>
    tpu.enqueue_dma source(%dma_start3A_674 : memref<196x16xf32, #tpu.memory_space<vmem_shared>>) target(%dma_start3A_672 : memref<196x16xf32, #tpu.memory_space<hbm>>) target_semaphore(%arg11 : memref<!tpu.dma_semaphore, #tpu.memory_space<semaphore_mem>>)
    %mul3A_675 = arith.constant 6272 : i32
    %mul3A_676 = arith.muli %arg1, %mul3A_675 : i32
    %add3A_677 = arith.constant 4312 : i32
    %add3A_678 = arith.addi %mul3A_676, %add3A_677 : i32
    %mul3A_679 = arith.constant 6272 : i32
    %mul3A_680 = arith.muli %arg1, %mul3A_679 : i32
    %add3A_681 = arith.constant 4312 : i32
    %add3A_682 = arith.addi %mul3A_680, %add3A_681 : i32
    %dma_start3A_683 = arith.constant 0 : i32
    %dma_start3A_684 = tpu.memref_slice %arg5[%arg0, %add3A_682, %dma_start3A_683] : memref<2x100352x16xf32, #tpu.memory_space<hbm>> -> memref<1x196x16xf32, #tpu.memory_space<hbm>>
    %dma_start3A_685 = tpu.memref_squeeze %dma_start3A_684 : memref<1x196x16xf32, #tpu.memory_space<hbm>> -> memref<196x16xf32, #tpu.memory_space<hbm>>
    %dma_start3A_686 = arith.constant 0 : i32
    %dma_start3A_687 = tpu.memref_slice %arg10[%add3A_678, %dma_start3A_686] : memref<100352x16xf32, #tpu.memory_space<vmem_shared>> -> memref<196x16xf32, #tpu.memory_space<vmem_shared>>
    tpu.enqueue_dma source(%dma_start3A_687 : memref<196x16xf32, #tpu.memory_space<vmem_shared>>) target(%dma_start3A_685 : memref<196x16xf32, #tpu.memory_space<hbm>>) target_semaphore(%arg11 : memref<!tpu.dma_semaphore, #tpu.memory_space<semaphore_mem>>)
    %mul3A_688 = arith.constant 6272 : i32
    %mul3A_689 = arith.muli %arg1, %mul3A_688 : i32
    %add3A_690 = arith.constant 4508 : i32
    %add3A_691 = arith.addi %mul3A_689, %add3A_690 : i32
    %mul3A_692 = arith.constant 6272 : i32
    %mul3A_693 = arith.muli %arg1, %mul3A_692 : i32
    %add3A_694 = arith.constant 4508 : i32
    %add3A_695 = arith.addi %mul3A_693, %add3A_694 : i32
    %dma_start3A_696 = arith.constant 0 : i32
    %dma_start3A_697 = tpu.memref_slice %arg5[%arg0, %add3A_695, %dma_start3A_696] : memref<2x100352x16xf32, #tpu.memory_space<hbm>> -> memref<1x196x16xf32, #tpu.memory_space<hbm>>
    %dma_start3A_698 = tpu.memref_squeeze %dma_start3A_697 : memref<1x196x16xf32, #tpu.memory_space<hbm>> -> memref<196x16xf32, #tpu.memory_space<hbm>>
    %dma_start3A_699 = arith.constant 0 : i32
    %dma_start3A_700 = tpu.memref_slice %arg10[%add3A_691, %dma_start3A_699] : memref<100352x16xf32, #tpu.memory_space<vmem_shared>> -> memref<196x16xf32, #tpu.memory_space<vmem_shared>>
    tpu.enqueue_dma source(%dma_start3A_700 : memref<196x16xf32, #tpu.memory_space<vmem_shared>>) target(%dma_start3A_698 : memref<196x16xf32, #tpu.memory_space<hbm>>) target_semaphore(%arg11 : memref<!tpu.dma_semaphore, #tpu.memory_space<semaphore_mem>>)
    %mul3A_701 = arith.constant 6272 : i32
    %mul3A_702 = arith.muli %arg1, %mul3A_701 : i32
    %add3A_703 = arith.constant 4704 : i32
    %add3A_704 = arith.addi %mul3A_702, %add3A_703 : i32
    %mul3A_705 = arith.constant 6272 : i32
    %mul3A_706 = arith.muli %arg1, %mul3A_705 : i32
    %add3A_707 = arith.constant 4704 : i32
    %add3A_708 = arith.addi %mul3A_706, %add3A_707 : i32
    %dma_start3A_709 = arith.constant 0 : i32
    %dma_start3A_710 = tpu.memref_slice %arg5[%arg0, %add3A_708, %dma_start3A_709] : memref<2x100352x16xf32, #tpu.memory_space<hbm>> -> memref<1x196x16xf32, #tpu.memory_space<hbm>>
    %dma_start3A_711 = tpu.memref_squeeze %dma_start3A_710 : memref<1x196x16xf32, #tpu.memory_space<hbm>> -> memref<196x16xf32, #tpu.memory_space<hbm>>
    %dma_start3A_712 = arith.constant 0 : i32
    %dma_start3A_713 = tpu.memref_slice %arg10[%add3A_704, %dma_start3A_712] : memref<100352x16xf32, #tpu.memory_space<vmem_shared>> -> memref<196x16xf32, #tpu.memory_space<vmem_shared>>
    tpu.enqueue_dma source(%dma_start3A_713 : memref<196x16xf32, #tpu.memory_space<vmem_shared>>) target(%dma_start3A_711 : memref<196x16xf32, #tpu.memory_space<hbm>>) target_semaphore(%arg11 : memref<!tpu.dma_semaphore, #tpu.memory_space<semaphore_mem>>)
    %mul3A_714 = arith.constant 6272 : i32
    %mul3A_715 = arith.muli %arg1, %mul3A_714 : i32
    %add3A_716 = arith.constant 4900 : i32
    %add3A_717 = arith.addi %mul3A_715, %add3A_716 : i32
    %mul3A_718 = arith.constant 6272 : i32
    %mul3A_719 = arith.muli %arg1, %mul3A_718 : i32
    %add3A_720 = arith.constant 4900 : i32
    %add3A_721 = arith.addi %mul3A_719, %add3A_720 : i32
    %dma_start3A_722 = arith.constant 0 : i32
    %dma_start3A_723 = tpu.memref_slice %arg5[%arg0, %add3A_721, %dma_start3A_722] : memref<2x100352x16xf32, #tpu.memory_space<hbm>> -> memref<1x196x16xf32, #tpu.memory_space<hbm>>
    %dma_start3A_724 = tpu.memref_squeeze %dma_start3A_723 : memref<1x196x16xf32, #tpu.memory_space<hbm>> -> memref<196x16xf32, #tpu.memory_space<hbm>>
    %dma_start3A_725 = arith.constant 0 : i32
    %dma_start3A_726 = tpu.memref_slice %arg10[%add3A_717, %dma_start3A_725] : memref<100352x16xf32, #tpu.memory_space<vmem_shared>> -> memref<196x16xf32, #tpu.memory_space<vmem_shared>>
    tpu.enqueue_dma source(%dma_start3A_726 : memref<196x16xf32, #tpu.memory_space<vmem_shared>>) target(%dma_start3A_724 : memref<196x16xf32, #tpu.memory_space<hbm>>) target_semaphore(%arg11 : memref<!tpu.dma_semaphore, #tpu.memory_space<semaphore_mem>>)
    %mul3A_727 = arith.constant 6272 : i32
    %mul3A_728 = arith.muli %arg1, %mul3A_727 : i32
    %add3A_729 = arith.constant 5096 : i32
    %add3A_730 = arith.addi %mul3A_728, %add3A_729 : i32
    %mul3A_731 = arith.constant 6272 : i32
    %mul3A_732 = arith.muli %arg1, %mul3A_731 : i32
    %add3A_733 = arith.constant 5096 : i32
    %add3A_734 = arith.addi %mul3A_732, %add3A_733 : i32
    %dma_start3A_735 = arith.constant 0 : i32
    %dma_start3A_736 = tpu.memref_slice %arg5[%arg0, %add3A_734, %dma_start3A_735] : memref<2x100352x16xf32, #tpu.memory_space<hbm>> -> memref<1x196x16xf32, #tpu.memory_space<hbm>>
    %dma_start3A_737 = tpu.memref_squeeze %dma_start3A_736 : memref<1x196x16xf32, #tpu.memory_space<hbm>> -> memref<196x16xf32, #tpu.memory_space<hbm>>
    %dma_start3A_738 = arith.constant 0 : i32
    %dma_start3A_739 = tpu.memref_slice %arg10[%add3A_730, %dma_start3A_738] : memref<100352x16xf32, #tpu.memory_space<vmem_shared>> -> memref<196x16xf32, #tpu.memory_space<vmem_shared>>
    tpu.enqueue_dma source(%dma_start3A_739 : memref<196x16xf32, #tpu.memory_space<vmem_shared>>) target(%dma_start3A_737 : memref<196x16xf32, #tpu.memory_space<hbm>>) target_semaphore(%arg11 : memref<!tpu.dma_semaphore, #tpu.memory_space<semaphore_mem>>)
    %mul3A_740 = arith.constant 6272 : i32
    %mul3A_741 = arith.muli %arg1, %mul3A_740 : i32
    %add3A_742 = arith.constant 5292 : i32
    %add3A_743 = arith.addi %mul3A_741, %add3A_742 : i32
    %mul3A_744 = arith.constant 6272 : i32
    %mul3A_745 = arith.muli %arg1, %mul3A_744 : i32
    %add3A_746 = arith.constant 5292 : i32
    %add3A_747 = arith.addi %mul3A_745, %add3A_746 : i32
    %dma_start3A_748 = arith.constant 0 : i32
    %dma_start3A_749 = tpu.memref_slice %arg5[%arg0, %add3A_747, %dma_start3A_748] : memref<2x100352x16xf32, #tpu.memory_space<hbm>> -> memref<1x196x16xf32, #tpu.memory_space<hbm>>
    %dma_start3A_750 = tpu.memref_squeeze %dma_start3A_749 : memref<1x196x16xf32, #tpu.memory_space<hbm>> -> memref<196x16xf32, #tpu.memory_space<hbm>>
    %dma_start3A_751 = arith.constant 0 : i32
    %dma_start3A_752 = tpu.memref_slice %arg10[%add3A_743, %dma_start3A_751] : memref<100352x16xf32, #tpu.memory_space<vmem_shared>> -> memref<196x16xf32, #tpu.memory_space<vmem_shared>>
    tpu.enqueue_dma source(%dma_start3A_752 : memref<196x16xf32, #tpu.memory_space<vmem_shared>>) target(%dma_start3A_750 : memref<196x16xf32, #tpu.memory_space<hbm>>) target_semaphore(%arg11 : memref<!tpu.dma_semaphore, #tpu.memory_space<semaphore_mem>>)
    %mul3A_753 = arith.constant 6272 : i32
    %mul3A_754 = arith.muli %arg1, %mul3A_753 : i32
    %add3A_755 = arith.constant 5488 : i32
    %add3A_756 = arith.addi %mul3A_754, %add3A_755 : i32
    %mul3A_757 = arith.constant 6272 : i32
    %mul3A_758 = arith.muli %arg1, %mul3A_757 : i32
    %add3A_759 = arith.constant 5488 : i32
    %add3A_760 = arith.addi %mul3A_758, %add3A_759 : i32
    %dma_start3A_761 = arith.constant 0 : i32
    %dma_start3A_762 = tpu.memref_slice %arg5[%arg0, %add3A_760, %dma_start3A_761] : memref<2x100352x16xf32, #tpu.memory_space<hbm>> -> memref<1x196x16xf32, #tpu.memory_space<hbm>>
    %dma_start3A_763 = tpu.memref_squeeze %dma_start3A_762 : memref<1x196x16xf32, #tpu.memory_space<hbm>> -> memref<196x16xf32, #tpu.memory_space<hbm>>
    %dma_start3A_764 = arith.constant 0 : i32
    %dma_start3A_765 = tpu.memref_slice %arg10[%add3A_756, %dma_start3A_764] : memref<100352x16xf32, #tpu.memory_space<vmem_shared>> -> memref<196x16xf32, #tpu.memory_space<vmem_shared>>
    tpu.enqueue_dma source(%dma_start3A_765 : memref<196x16xf32, #tpu.memory_space<vmem_shared>>) target(%dma_start3A_763 : memref<196x16xf32, #tpu.memory_space<hbm>>) target_semaphore(%arg11 : memref<!tpu.dma_semaphore, #tpu.memory_space<semaphore_mem>>)
    %mul3A_766 = arith.constant 6272 : i32
    %mul3A_767 = arith.muli %arg1, %mul3A_766 : i32
    %add3A_768 = arith.constant 5684 : i32
    %add3A_769 = arith.addi %mul3A_767, %add3A_768 : i32
    %mul3A_770 = arith.constant 6272 : i32
    %mul3A_771 = arith.muli %arg1, %mul3A_770 : i32
    %add3A_772 = arith.constant 5684 : i32
    %add3A_773 = arith.addi %mul3A_771, %add3A_772 : i32
    %dma_start3A_774 = arith.constant 0 : i32
    %dma_start3A_775 = tpu.memref_slice %arg5[%arg0, %add3A_773, %dma_start3A_774] : memref<2x100352x16xf32, #tpu.memory_space<hbm>> -> memref<1x196x16xf32, #tpu.memory_space<hbm>>
    %dma_start3A_776 = tpu.memref_squeeze %dma_start3A_775 : memref<1x196x16xf32, #tpu.memory_space<hbm>> -> memref<196x16xf32, #tpu.memory_space<hbm>>
    %dma_start3A_777 = arith.constant 0 : i32
    %dma_start3A_778 = tpu.memref_slice %arg10[%add3A_769, %dma_start3A_777] : memref<100352x16xf32, #tpu.memory_space<vmem_shared>> -> memref<196x16xf32, #tpu.memory_space<vmem_shared>>
    tpu.enqueue_dma source(%dma_start3A_778 : memref<196x16xf32, #tpu.memory_space<vmem_shared>>) target(%dma_start3A_776 : memref<196x16xf32, #tpu.memory_space<hbm>>) target_semaphore(%arg11 : memref<!tpu.dma_semaphore, #tpu.memory_space<semaphore_mem>>)
    %mul3A_779 = arith.constant 6272 : i32
    %mul3A_780 = arith.muli %arg1, %mul3A_779 : i32
    %add3A_781 = arith.constant 5880 : i32
    %add3A_782 = arith.addi %mul3A_780, %add3A_781 : i32
    %mul3A_783 = arith.constant 6272 : i32
    %mul3A_784 = arith.muli %arg1, %mul3A_783 : i32
    %add3A_785 = arith.constant 5880 : i32
    %add3A_786 = arith.addi %mul3A_784, %add3A_785 : i32
    %dma_start3A_787 = arith.constant 0 : i32
    %dma_start3A_788 = tpu.memref_slice %arg5[%arg0, %add3A_786, %dma_start3A_787] : memref<2x100352x16xf32, #tpu.memory_space<hbm>> -> memref<1x196x16xf32, #tpu.memory_space<hbm>>
    %dma_start3A_789 = tpu.memref_squeeze %dma_start3A_788 : memref<1x196x16xf32, #tpu.memory_space<hbm>> -> memref<196x16xf32, #tpu.memory_space<hbm>>
    %dma_start3A_790 = arith.constant 0 : i32
    %dma_start3A_791 = tpu.memref_slice %arg10[%add3A_782, %dma_start3A_790] : memref<100352x16xf32, #tpu.memory_space<vmem_shared>> -> memref<196x16xf32, #tpu.memory_space<vmem_shared>>
    tpu.enqueue_dma source(%dma_start3A_791 : memref<196x16xf32, #tpu.memory_space<vmem_shared>>) target(%dma_start3A_789 : memref<196x16xf32, #tpu.memory_space<hbm>>) target_semaphore(%arg11 : memref<!tpu.dma_semaphore, #tpu.memory_space<semaphore_mem>>)
    %mul3A_792 = arith.constant 6272 : i32
    %mul3A_793 = arith.muli %arg1, %mul3A_792 : i32
    %add3A_794 = arith.constant 6076 : i32
    %add3A_795 = arith.addi %mul3A_793, %add3A_794 : i32
    %mul3A_796 = arith.constant 6272 : i32
    %mul3A_797 = arith.muli %arg1, %mul3A_796 : i32
    %add3A_798 = arith.constant 6076 : i32
    %add3A_799 = arith.addi %mul3A_797, %add3A_798 : i32
    %dma_start3A_800 = arith.constant 0 : i32
    %dma_start3A_801 = tpu.memref_slice %arg5[%arg0, %add3A_799, %dma_start3A_800] : memref<2x100352x16xf32, #tpu.memory_space<hbm>> -> memref<1x196x16xf32, #tpu.memory_space<hbm>>
    %dma_start3A_802 = tpu.memref_squeeze %dma_start3A_801 : memref<1x196x16xf32, #tpu.memory_space<hbm>> -> memref<196x16xf32, #tpu.memory_space<hbm>>
    %dma_start3A_803 = arith.constant 0 : i32
    %dma_start3A_804 = tpu.memref_slice %arg10[%add3A_795, %dma_start3A_803] : memref<100352x16xf32, #tpu.memory_space<vmem_shared>> -> memref<196x16xf32, #tpu.memory_space<vmem_shared>>
    tpu.enqueue_dma source(%dma_start3A_804 : memref<196x16xf32, #tpu.memory_space<vmem_shared>>) target(%dma_start3A_802 : memref<196x16xf32, #tpu.memory_space<hbm>>) target_semaphore(%arg11 : memref<!tpu.dma_semaphore, #tpu.memory_space<semaphore_mem>>)
    %dma_wait3A_805 = arith.constant 0 : i32
    %dma_wait3A_806 = tpu.memref_slice %arg5[%arg0, %add3A_396, %dma_wait3A_805] : memref<2x100352x16xf32, #tpu.memory_space<hbm>> -> memref<1x196x16xf32, #tpu.memory_space<hbm>>
    %dma_wait3A_807 = tpu.memref_squeeze %dma_wait3A_806 : memref<1x196x16xf32, #tpu.memory_space<hbm>> -> memref<196x16xf32, #tpu.memory_space<hbm>>
    %dma_wait3A_808 = arith.constant 0 : i32
    %dma_wait3A_809 = tpu.memref_slice %arg10[%add3A_392, %dma_wait3A_808] : memref<100352x16xf32, #tpu.memory_space<vmem_shared>> -> memref<196x16xf32, #tpu.memory_space<vmem_shared>>
    tpu.wait_dma2 semaphore(%arg11 : memref<!tpu.dma_semaphore, #tpu.memory_space<semaphore_mem>>) src(%dma_wait3A_809 : memref<196x16xf32, #tpu.memory_space<vmem_shared>>) dst(%dma_wait3A_807 : memref<196x16xf32, #tpu.memory_space<hbm>>)
    %dma_wait3A_810 = arith.constant 0 : i32
    %dma_wait3A_811 = tpu.memref_slice %arg5[%arg0, %add3A_409, %dma_wait3A_810] : memref<2x100352x16xf32, #tpu.memory_space<hbm>> -> memref<1x196x16xf32, #tpu.memory_space<hbm>>
    %dma_wait3A_812 = tpu.memref_squeeze %dma_wait3A_811 : memref<1x196x16xf32, #tpu.memory_space<hbm>> -> memref<196x16xf32, #tpu.memory_space<hbm>>
    %dma_wait3A_813 = arith.constant 0 : i32
    %dma_wait3A_814 = tpu.memref_slice %arg10[%add3A_405, %dma_wait3A_813] : memref<100352x16xf32, #tpu.memory_space<vmem_shared>> -> memref<196x16xf32, #tpu.memory_space<vmem_shared>>
    tpu.wait_dma2 semaphore(%arg11 : memref<!tpu.dma_semaphore, #tpu.memory_space<semaphore_mem>>) src(%dma_wait3A_814 : memref<196x16xf32, #tpu.memory_space<vmem_shared>>) dst(%dma_wait3A_812 : memref<196x16xf32, #tpu.memory_space<hbm>>)
    %dma_wait3A_815 = arith.constant 0 : i32
    %dma_wait3A_816 = tpu.memref_slice %arg5[%arg0, %add3A_422, %dma_wait3A_815] : memref<2x100352x16xf32, #tpu.memory_space<hbm>> -> memref<1x196x16xf32, #tpu.memory_space<hbm>>
    %dma_wait3A_817 = tpu.memref_squeeze %dma_wait3A_816 : memref<1x196x16xf32, #tpu.memory_space<hbm>> -> memref<196x16xf32, #tpu.memory_space<hbm>>
    %dma_wait3A_818 = arith.constant 0 : i32
    %dma_wait3A_819 = tpu.memref_slice %arg10[%add3A_418, %dma_wait3A_818] : memref<100352x16xf32, #tpu.memory_space<vmem_shared>> -> memref<196x16xf32, #tpu.memory_space<vmem_shared>>
    tpu.wait_dma2 semaphore(%arg11 : memref<!tpu.dma_semaphore, #tpu.memory_space<semaphore_mem>>) src(%dma_wait3A_819 : memref<196x16xf32, #tpu.memory_space<vmem_shared>>) dst(%dma_wait3A_817 : memref<196x16xf32, #tpu.memory_space<hbm>>)
    %dma_wait3A_820 = arith.constant 0 : i32
    %dma_wait3A_821 = tpu.memref_slice %arg5[%arg0, %add3A_435, %dma_wait3A_820] : memref<2x100352x16xf32, #tpu.memory_space<hbm>> -> memref<1x196x16xf32, #tpu.memory_space<hbm>>
    %dma_wait3A_822 = tpu.memref_squeeze %dma_wait3A_821 : memref<1x196x16xf32, #tpu.memory_space<hbm>> -> memref<196x16xf32, #tpu.memory_space<hbm>>
    %dma_wait3A_823 = arith.constant 0 : i32
    %dma_wait3A_824 = tpu.memref_slice %arg10[%add3A_431, %dma_wait3A_823] : memref<100352x16xf32, #tpu.memory_space<vmem_shared>> -> memref<196x16xf32, #tpu.memory_space<vmem_shared>>
    tpu.wait_dma2 semaphore(%arg11 : memref<!tpu.dma_semaphore, #tpu.memory_space<semaphore_mem>>) src(%dma_wait3A_824 : memref<196x16xf32, #tpu.memory_space<vmem_shared>>) dst(%dma_wait3A_822 : memref<196x16xf32, #tpu.memory_space<hbm>>)
    %dma_wait3A_825 = arith.constant 0 : i32
    %dma_wait3A_826 = tpu.memref_slice %arg5[%arg0, %add3A_448, %dma_wait3A_825] : memref<2x100352x16xf32, #tpu.memory_space<hbm>> -> memref<1x196x16xf32, #tpu.memory_space<hbm>>
    %dma_wait3A_827 = tpu.memref_squeeze %dma_wait3A_826 : memref<1x196x16xf32, #tpu.memory_space<hbm>> -> memref<196x16xf32, #tpu.memory_space<hbm>>
    %dma_wait3A_828 = arith.constant 0 : i32
    %dma_wait3A_829 = tpu.memref_slice %arg10[%add3A_444, %dma_wait3A_828] : memref<100352x16xf32, #tpu.memory_space<vmem_shared>> -> memref<196x16xf32, #tpu.memory_space<vmem_shared>>
    tpu.wait_dma2 semaphore(%arg11 : memref<!tpu.dma_semaphore, #tpu.memory_space<semaphore_mem>>) src(%dma_wait3A_829 : memref<196x16xf32, #tpu.memory_space<vmem_shared>>) dst(%dma_wait3A_827 : memref<196x16xf32, #tpu.memory_space<hbm>>)
    %dma_wait3A_830 = arith.constant 0 : i32
    %dma_wait3A_831 = tpu.memref_slice %arg5[%arg0, %add3A_461, %dma_wait3A_830] : memref<2x100352x16xf32, #tpu.memory_space<hbm>> -> memref<1x196x16xf32, #tpu.memory_space<hbm>>
    %dma_wait3A_832 = tpu.memref_squeeze %dma_wait3A_831 : memref<1x196x16xf32, #tpu.memory_space<hbm>> -> memref<196x16xf32, #tpu.memory_space<hbm>>
    %dma_wait3A_833 = arith.constant 0 : i32
    %dma_wait3A_834 = tpu.memref_slice %arg10[%add3A_457, %dma_wait3A_833] : memref<100352x16xf32, #tpu.memory_space<vmem_shared>> -> memref<196x16xf32, #tpu.memory_space<vmem_shared>>
    tpu.wait_dma2 semaphore(%arg11 : memref<!tpu.dma_semaphore, #tpu.memory_space<semaphore_mem>>) src(%dma_wait3A_834 : memref<196x16xf32, #tpu.memory_space<vmem_shared>>) dst(%dma_wait3A_832 : memref<196x16xf32, #tpu.memory_space<hbm>>)
    %dma_wait3A_835 = arith.constant 0 : i32
    %dma_wait3A_836 = tpu.memref_slice %arg5[%arg0, %add3A_474, %dma_wait3A_835] : memref<2x100352x16xf32, #tpu.memory_space<hbm>> -> memref<1x196x16xf32, #tpu.memory_space<hbm>>
    %dma_wait3A_837 = tpu.memref_squeeze %dma_wait3A_836 : memref<1x196x16xf32, #tpu.memory_space<hbm>> -> memref<196x16xf32, #tpu.memory_space<hbm>>
    %dma_wait3A_838 = arith.constant 0 : i32
    %dma_wait3A_839 = tpu.memref_slice %arg10[%add3A_470, %dma_wait3A_838] : memref<100352x16xf32, #tpu.memory_space<vmem_shared>> -> memref<196x16xf32, #tpu.memory_space<vmem_shared>>
    tpu.wait_dma2 semaphore(%arg11 : memref<!tpu.dma_semaphore, #tpu.memory_space<semaphore_mem>>) src(%dma_wait3A_839 : memref<196x16xf32, #tpu.memory_space<vmem_shared>>) dst(%dma_wait3A_837 : memref<196x16xf32, #tpu.memory_space<hbm>>)
    %dma_wait3A_840 = arith.constant 0 : i32
    %dma_wait3A_841 = tpu.memref_slice %arg5[%arg0, %add3A_487, %dma_wait3A_840] : memref<2x100352x16xf32, #tpu.memory_space<hbm>> -> memref<1x196x16xf32, #tpu.memory_space<hbm>>
    %dma_wait3A_842 = tpu.memref_squeeze %dma_wait3A_841 : memref<1x196x16xf32, #tpu.memory_space<hbm>> -> memref<196x16xf32, #tpu.memory_space<hbm>>
    %dma_wait3A_843 = arith.constant 0 : i32
    %dma_wait3A_844 = tpu.memref_slice %arg10[%add3A_483, %dma_wait3A_843] : memref<100352x16xf32, #tpu.memory_space<vmem_shared>> -> memref<196x16xf32, #tpu.memory_space<vmem_shared>>
    tpu.wait_dma2 semaphore(%arg11 : memref<!tpu.dma_semaphore, #tpu.memory_space<semaphore_mem>>) src(%dma_wait3A_844 : memref<196x16xf32, #tpu.memory_space<vmem_shared>>) dst(%dma_wait3A_842 : memref<196x16xf32, #tpu.memory_space<hbm>>)
    %dma_wait3A_845 = arith.constant 0 : i32
    %dma_wait3A_846 = tpu.memref_slice %arg5[%arg0, %add3A_500, %dma_wait3A_845] : memref<2x100352x16xf32, #tpu.memory_space<hbm>> -> memref<1x196x16xf32, #tpu.memory_space<hbm>>
    %dma_wait3A_847 = tpu.memref_squeeze %dma_wait3A_846 : memref<1x196x16xf32, #tpu.memory_space<hbm>> -> memref<196x16xf32, #tpu.memory_space<hbm>>
    %dma_wait3A_848 = arith.constant 0 : i32
    %dma_wait3A_849 = tpu.memref_slice %arg10[%add3A_496, %dma_wait3A_848] : memref<100352x16xf32, #tpu.memory_space<vmem_shared>> -> memref<196x16xf32, #tpu.memory_space<vmem_shared>>
    tpu.wait_dma2 semaphore(%arg11 : memref<!tpu.dma_semaphore, #tpu.memory_space<semaphore_mem>>) src(%dma_wait3A_849 : memref<196x16xf32, #tpu.memory_space<vmem_shared>>) dst(%dma_wait3A_847 : memref<196x16xf32, #tpu.memory_space<hbm>>)
    %dma_wait3A_850 = arith.constant 0 : i32
    %dma_wait3A_851 = tpu.memref_slice %arg5[%arg0, %add3A_513, %dma_wait3A_850] : memref<2x100352x16xf32, #tpu.memory_space<hbm>> -> memref<1x196x16xf32, #tpu.memory_space<hbm>>
    %dma_wait3A_852 = tpu.memref_squeeze %dma_wait3A_851 : memref<1x196x16xf32, #tpu.memory_space<hbm>> -> memref<196x16xf32, #tpu.memory_space<hbm>>
    %dma_wait3A_853 = arith.constant 0 : i32
    %dma_wait3A_854 = tpu.memref_slice %arg10[%add3A_509, %dma_wait3A_853] : memref<100352x16xf32, #tpu.memory_space<vmem_shared>> -> memref<196x16xf32, #tpu.memory_space<vmem_shared>>
    tpu.wait_dma2 semaphore(%arg11 : memref<!tpu.dma_semaphore, #tpu.memory_space<semaphore_mem>>) src(%dma_wait3A_854 : memref<196x16xf32, #tpu.memory_space<vmem_shared>>) dst(%dma_wait3A_852 : memref<196x16xf32, #tpu.memory_space<hbm>>)
    %dma_wait3A_855 = arith.constant 0 : i32
    %dma_wait3A_856 = tpu.memref_slice %arg5[%arg0, %add3A_526, %dma_wait3A_855] : memref<2x100352x16xf32, #tpu.memory_space<hbm>> -> memref<1x196x16xf32, #tpu.memory_space<hbm>>
    %dma_wait3A_857 = tpu.memref_squeeze %dma_wait3A_856 : memref<1x196x16xf32, #tpu.memory_space<hbm>> -> memref<196x16xf32, #tpu.memory_space<hbm>>
    %dma_wait3A_858 = arith.constant 0 : i32
    %dma_wait3A_859 = tpu.memref_slice %arg10[%add3A_522, %dma_wait3A_858] : memref<100352x16xf32, #tpu.memory_space<vmem_shared>> -> memref<196x16xf32, #tpu.memory_space<vmem_shared>>
    tpu.wait_dma2 semaphore(%arg11 : memref<!tpu.dma_semaphore, #tpu.memory_space<semaphore_mem>>) src(%dma_wait3A_859 : memref<196x16xf32, #tpu.memory_space<vmem_shared>>) dst(%dma_wait3A_857 : memref<196x16xf32, #tpu.memory_space<hbm>>)
    %dma_wait3A_860 = arith.constant 0 : i32
    %dma_wait3A_861 = tpu.memref_slice %arg5[%arg0, %add3A_539, %dma_wait3A_860] : memref<2x100352x16xf32, #tpu.memory_space<hbm>> -> memref<1x196x16xf32, #tpu.memory_space<hbm>>
    %dma_wait3A_862 = tpu.memref_squeeze %dma_wait3A_861 : memref<1x196x16xf32, #tpu.memory_space<hbm>> -> memref<196x16xf32, #tpu.memory_space<hbm>>
    %dma_wait3A_863 = arith.constant 0 : i32
    %dma_wait3A_864 = tpu.memref_slice %arg10[%add3A_535, %dma_wait3A_863] : memref<100352x16xf32, #tpu.memory_space<vmem_shared>> -> memref<196x16xf32, #tpu.memory_space<vmem_shared>>
    tpu.wait_dma2 semaphore(%arg11 : memref<!tpu.dma_semaphore, #tpu.memory_space<semaphore_mem>>) src(%dma_wait3A_864 : memref<196x16xf32, #tpu.memory_space<vmem_shared>>) dst(%dma_wait3A_862 : memref<196x16xf32, #tpu.memory_space<hbm>>)
    %dma_wait3A_865 = arith.constant 0 : i32
    %dma_wait3A_866 = tpu.memref_slice %arg5[%arg0, %add3A_552, %dma_wait3A_865] : memref<2x100352x16xf32, #tpu.memory_space<hbm>> -> memref<1x196x16xf32, #tpu.memory_space<hbm>>
    %dma_wait3A_867 = tpu.memref_squeeze %dma_wait3A_866 : memref<1x196x16xf32, #tpu.memory_space<hbm>> -> memref<196x16xf32, #tpu.memory_space<hbm>>
    %dma_wait3A_868 = arith.constant 0 : i32
    %dma_wait3A_869 = tpu.memref_slice %arg10[%add3A_548, %dma_wait3A_868] : memref<100352x16xf32, #tpu.memory_space<vmem_shared>> -> memref<196x16xf32, #tpu.memory_space<vmem_shared>>
    tpu.wait_dma2 semaphore(%arg11 : memref<!tpu.dma_semaphore, #tpu.memory_space<semaphore_mem>>) src(%dma_wait3A_869 : memref<196x16xf32, #tpu.memory_space<vmem_shared>>) dst(%dma_wait3A_867 : memref<196x16xf32, #tpu.memory_space<hbm>>)
    %dma_wait3A_870 = arith.constant 0 : i32
    %dma_wait3A_871 = tpu.memref_slice %arg5[%arg0, %add3A_565, %dma_wait3A_870] : memref<2x100352x16xf32, #tpu.memory_space<hbm>> -> memref<1x196x16xf32, #tpu.memory_space<hbm>>
    %dma_wait3A_872 = tpu.memref_squeeze %dma_wait3A_871 : memref<1x196x16xf32, #tpu.memory_space<hbm>> -> memref<196x16xf32, #tpu.memory_space<hbm>>
    %dma_wait3A_873 = arith.constant 0 : i32
    %dma_wait3A_874 = tpu.memref_slice %arg10[%add3A_561, %dma_wait3A_873] : memref<100352x16xf32, #tpu.memory_space<vmem_shared>> -> memref<196x16xf32, #tpu.memory_space<vmem_shared>>
    tpu.wait_dma2 semaphore(%arg11 : memref<!tpu.dma_semaphore, #tpu.memory_space<semaphore_mem>>) src(%dma_wait3A_874 : memref<196x16xf32, #tpu.memory_space<vmem_shared>>) dst(%dma_wait3A_872 : memref<196x16xf32, #tpu.memory_space<hbm>>)
    %dma_wait3A_875 = arith.constant 0 : i32
    %dma_wait3A_876 = tpu.memref_slice %arg5[%arg0, %add3A_578, %dma_wait3A_875] : memref<2x100352x16xf32, #tpu.memory_space<hbm>> -> memref<1x196x16xf32, #tpu.memory_space<hbm>>
    %dma_wait3A_877 = tpu.memref_squeeze %dma_wait3A_876 : memref<1x196x16xf32, #tpu.memory_space<hbm>> -> memref<196x16xf32, #tpu.memory_space<hbm>>
    %dma_wait3A_878 = arith.constant 0 : i32
    %dma_wait3A_879 = tpu.memref_slice %arg10[%add3A_574, %dma_wait3A_878] : memref<100352x16xf32, #tpu.memory_space<vmem_shared>> -> memref<196x16xf32, #tpu.memory_space<vmem_shared>>
    tpu.wait_dma2 semaphore(%arg11 : memref<!tpu.dma_semaphore, #tpu.memory_space<semaphore_mem>>) src(%dma_wait3A_879 : memref<196x16xf32, #tpu.memory_space<vmem_shared>>) dst(%dma_wait3A_877 : memref<196x16xf32, #tpu.memory_space<hbm>>)
    %dma_wait3A_880 = arith.constant 0 : i32
    %dma_wait3A_881 = tpu.memref_slice %arg5[%arg0, %add3A_591, %dma_wait3A_880] : memref<2x100352x16xf32, #tpu.memory_space<hbm>> -> memref<1x196x16xf32, #tpu.memory_space<hbm>>
    %dma_wait3A_882 = tpu.memref_squeeze %dma_wait3A_881 : memref<1x196x16xf32, #tpu.memory_space<hbm>> -> memref<196x16xf32, #tpu.memory_space<hbm>>
    %dma_wait3A_883 = arith.constant 0 : i32
    %dma_wait3A_884 = tpu.memref_slice %arg10[%add3A_587, %dma_wait3A_883] : memref<100352x16xf32, #tpu.memory_space<vmem_shared>> -> memref<196x16xf32, #tpu.memory_space<vmem_shared>>
    tpu.wait_dma2 semaphore(%arg11 : memref<!tpu.dma_semaphore, #tpu.memory_space<semaphore_mem>>) src(%dma_wait3A_884 : memref<196x16xf32, #tpu.memory_space<vmem_shared>>) dst(%dma_wait3A_882 : memref<196x16xf32, #tpu.memory_space<hbm>>)
    %dma_wait3A_885 = arith.constant 0 : i32
    %dma_wait3A_886 = tpu.memref_slice %arg5[%arg0, %add3A_604, %dma_wait3A_885] : memref<2x100352x16xf32, #tpu.memory_space<hbm>> -> memref<1x196x16xf32, #tpu.memory_space<hbm>>
    %dma_wait3A_887 = tpu.memref_squeeze %dma_wait3A_886 : memref<1x196x16xf32, #tpu.memory_space<hbm>> -> memref<196x16xf32, #tpu.memory_space<hbm>>
    %dma_wait3A_888 = arith.constant 0 : i32
    %dma_wait3A_889 = tpu.memref_slice %arg10[%add3A_600, %dma_wait3A_888] : memref<100352x16xf32, #tpu.memory_space<vmem_shared>> -> memref<196x16xf32, #tpu.memory_space<vmem_shared>>
    tpu.wait_dma2 semaphore(%arg11 : memref<!tpu.dma_semaphore, #tpu.memory_space<semaphore_mem>>) src(%dma_wait3A_889 : memref<196x16xf32, #tpu.memory_space<vmem_shared>>) dst(%dma_wait3A_887 : memref<196x16xf32, #tpu.memory_space<hbm>>)
    %dma_wait3A_890 = arith.constant 0 : i32
    %dma_wait3A_891 = tpu.memref_slice %arg5[%arg0, %add3A_617, %dma_wait3A_890] : memref<2x100352x16xf32, #tpu.memory_space<hbm>> -> memref<1x196x16xf32, #tpu.memory_space<hbm>>
    %dma_wait3A_892 = tpu.memref_squeeze %dma_wait3A_891 : memref<1x196x16xf32, #tpu.memory_space<hbm>> -> memref<196x16xf32, #tpu.memory_space<hbm>>
    %dma_wait3A_893 = arith.constant 0 : i32
    %dma_wait3A_894 = tpu.memref_slice %arg10[%add3A_613, %dma_wait3A_893] : memref<100352x16xf32, #tpu.memory_space<vmem_shared>> -> memref<196x16xf32, #tpu.memory_space<vmem_shared>>
    tpu.wait_dma2 semaphore(%arg11 : memref<!tpu.dma_semaphore, #tpu.memory_space<semaphore_mem>>) src(%dma_wait3A_894 : memref<196x16xf32, #tpu.memory_space<vmem_shared>>) dst(%dma_wait3A_892 : memref<196x16xf32, #tpu.memory_space<hbm>>)
    %dma_wait3A_895 = arith.constant 0 : i32
    %dma_wait3A_896 = tpu.memref_slice %arg5[%arg0, %add3A_630, %dma_wait3A_895] : memref<2x100352x16xf32, #tpu.memory_space<hbm>> -> memref<1x196x16xf32, #tpu.memory_space<hbm>>
    %dma_wait3A_897 = tpu.memref_squeeze %dma_wait3A_896 : memref<1x196x16xf32, #tpu.memory_space<hbm>> -> memref<196x16xf32, #tpu.memory_space<hbm>>
    %dma_wait3A_898 = arith.constant 0 : i32
    %dma_wait3A_899 = tpu.memref_slice %arg10[%add3A_626, %dma_wait3A_898] : memref<100352x16xf32, #tpu.memory_space<vmem_shared>> -> memref<196x16xf32, #tpu.memory_space<vmem_shared>>
    tpu.wait_dma2 semaphore(%arg11 : memref<!tpu.dma_semaphore, #tpu.memory_space<semaphore_mem>>) src(%dma_wait3A_899 : memref<196x16xf32, #tpu.memory_space<vmem_shared>>) dst(%dma_wait3A_897 : memref<196x16xf32, #tpu.memory_space<hbm>>)
    %dma_wait3A_900 = arith.constant 0 : i32
    %dma_wait3A_901 = tpu.memref_slice %arg5[%arg0, %add3A_643, %dma_wait3A_900] : memref<2x100352x16xf32, #tpu.memory_space<hbm>> -> memref<1x196x16xf32, #tpu.memory_space<hbm>>
    %dma_wait3A_902 = tpu.memref_squeeze %dma_wait3A_901 : memref<1x196x16xf32, #tpu.memory_space<hbm>> -> memref<196x16xf32, #tpu.memory_space<hbm>>
    %dma_wait3A_903 = arith.constant 0 : i32
    %dma_wait3A_904 = tpu.memref_slice %arg10[%add3A_639, %dma_wait3A_903] : memref<100352x16xf32, #tpu.memory_space<vmem_shared>> -> memref<196x16xf32, #tpu.memory_space<vmem_shared>>
    tpu.wait_dma2 semaphore(%arg11 : memref<!tpu.dma_semaphore, #tpu.memory_space<semaphore_mem>>) src(%dma_wait3A_904 : memref<196x16xf32, #tpu.memory_space<vmem_shared>>) dst(%dma_wait3A_902 : memref<196x16xf32, #tpu.memory_space<hbm>>)
    %dma_wait3A_905 = arith.constant 0 : i32
    %dma_wait3A_906 = tpu.memref_slice %arg5[%arg0, %add3A_656, %dma_wait3A_905] : memref<2x100352x16xf32, #tpu.memory_space<hbm>> -> memref<1x196x16xf32, #tpu.memory_space<hbm>>
    %dma_wait3A_907 = tpu.memref_squeeze %dma_wait3A_906 : memref<1x196x16xf32, #tpu.memory_space<hbm>> -> memref<196x16xf32, #tpu.memory_space<hbm>>
    %dma_wait3A_908 = arith.constant 0 : i32
    %dma_wait3A_909 = tpu.memref_slice %arg10[%add3A_652, %dma_wait3A_908] : memref<100352x16xf32, #tpu.memory_space<vmem_shared>> -> memref<196x16xf32, #tpu.memory_space<vmem_shared>>
    tpu.wait_dma2 semaphore(%arg11 : memref<!tpu.dma_semaphore, #tpu.memory_space<semaphore_mem>>) src(%dma_wait3A_909 : memref<196x16xf32, #tpu.memory_space<vmem_shared>>) dst(%dma_wait3A_907 : memref<196x16xf32, #tpu.memory_space<hbm>>)
    %dma_wait3A_910 = arith.constant 0 : i32
    %dma_wait3A_911 = tpu.memref_slice %arg5[%arg0, %add3A_669, %dma_wait3A_910] : memref<2x100352x16xf32, #tpu.memory_space<hbm>> -> memref<1x196x16xf32, #tpu.memory_space<hbm>>
    %dma_wait3A_912 = tpu.memref_squeeze %dma_wait3A_911 : memref<1x196x16xf32, #tpu.memory_space<hbm>> -> memref<196x16xf32, #tpu.memory_space<hbm>>
    %dma_wait3A_913 = arith.constant 0 : i32
    %dma_wait3A_914 = tpu.memref_slice %arg10[%add3A_665, %dma_wait3A_913] : memref<100352x16xf32, #tpu.memory_space<vmem_shared>> -> memref<196x16xf32, #tpu.memory_space<vmem_shared>>
    tpu.wait_dma2 semaphore(%arg11 : memref<!tpu.dma_semaphore, #tpu.memory_space<semaphore_mem>>) src(%dma_wait3A_914 : memref<196x16xf32, #tpu.memory_space<vmem_shared>>) dst(%dma_wait3A_912 : memref<196x16xf32, #tpu.memory_space<hbm>>)
    %dma_wait3A_915 = arith.constant 0 : i32
    %dma_wait3A_916 = tpu.memref_slice %arg5[%arg0, %add3A_682, %dma_wait3A_915] : memref<2x100352x16xf32, #tpu.memory_space<hbm>> -> memref<1x196x16xf32, #tpu.memory_space<hbm>>
    %dma_wait3A_917 = tpu.memref_squeeze %dma_wait3A_916 : memref<1x196x16xf32, #tpu.memory_space<hbm>> -> memref<196x16xf32, #tpu.memory_space<hbm>>
    %dma_wait3A_918 = arith.constant 0 : i32
    %dma_wait3A_919 = tpu.memref_slice %arg10[%add3A_678, %dma_wait3A_918] : memref<100352x16xf32, #tpu.memory_space<vmem_shared>> -> memref<196x16xf32, #tpu.memory_space<vmem_shared>>
    tpu.wait_dma2 semaphore(%arg11 : memref<!tpu.dma_semaphore, #tpu.memory_space<semaphore_mem>>) src(%dma_wait3A_919 : memref<196x16xf32, #tpu.memory_space<vmem_shared>>) dst(%dma_wait3A_917 : memref<196x16xf32, #tpu.memory_space<hbm>>)
    %dma_wait3A_920 = arith.constant 0 : i32
    %dma_wait3A_921 = tpu.memref_slice %arg5[%arg0, %add3A_695, %dma_wait3A_920] : memref<2x100352x16xf32, #tpu.memory_space<hbm>> -> memref<1x196x16xf32, #tpu.memory_space<hbm>>
    %dma_wait3A_922 = tpu.memref_squeeze %dma_wait3A_921 : memref<1x196x16xf32, #tpu.memory_space<hbm>> -> memref<196x16xf32, #tpu.memory_space<hbm>>
    %dma_wait3A_923 = arith.constant 0 : i32
    %dma_wait3A_924 = tpu.memref_slice %arg10[%add3A_691, %dma_wait3A_923] : memref<100352x16xf32, #tpu.memory_space<vmem_shared>> -> memref<196x16xf32, #tpu.memory_space<vmem_shared>>
    tpu.wait_dma2 semaphore(%arg11 : memref<!tpu.dma_semaphore, #tpu.memory_space<semaphore_mem>>) src(%dma_wait3A_924 : memref<196x16xf32, #tpu.memory_space<vmem_shared>>) dst(%dma_wait3A_922 : memref<196x16xf32, #tpu.memory_space<hbm>>)
    %dma_wait3A_925 = arith.constant 0 : i32
    %dma_wait3A_926 = tpu.memref_slice %arg5[%arg0, %add3A_708, %dma_wait3A_925] : memref<2x100352x16xf32, #tpu.memory_space<hbm>> -> memref<1x196x16xf32, #tpu.memory_space<hbm>>
    %dma_wait3A_927 = tpu.memref_squeeze %dma_wait3A_926 : memref<1x196x16xf32, #tpu.memory_space<hbm>> -> memref<196x16xf32, #tpu.memory_space<hbm>>
    %dma_wait3A_928 = arith.constant 0 : i32
    %dma_wait3A_929 = tpu.memref_slice %arg10[%add3A_704, %dma_wait3A_928] : memref<100352x16xf32, #tpu.memory_space<vmem_shared>> -> memref<196x16xf32, #tpu.memory_space<vmem_shared>>
    tpu.wait_dma2 semaphore(%arg11 : memref<!tpu.dma_semaphore, #tpu.memory_space<semaphore_mem>>) src(%dma_wait3A_929 : memref<196x16xf32, #tpu.memory_space<vmem_shared>>) dst(%dma_wait3A_927 : memref<196x16xf32, #tpu.memory_space<hbm>>)
    %dma_wait3A_930 = arith.constant 0 : i32
    %dma_wait3A_931 = tpu.memref_slice %arg5[%arg0, %add3A_721, %dma_wait3A_930] : memref<2x100352x16xf32, #tpu.memory_space<hbm>> -> memref<1x196x16xf32, #tpu.memory_space<hbm>>
    %dma_wait3A_932 = tpu.memref_squeeze %dma_wait3A_931 : memref<1x196x16xf32, #tpu.memory_space<hbm>> -> memref<196x16xf32, #tpu.memory_space<hbm>>
    %dma_wait3A_933 = arith.constant 0 : i32
    %dma_wait3A_934 = tpu.memref_slice %arg10[%add3A_717, %dma_wait3A_933] : memref<100352x16xf32, #tpu.memory_space<vmem_shared>> -> memref<196x16xf32, #tpu.memory_space<vmem_shared>>
    tpu.wait_dma2 semaphore(%arg11 : memref<!tpu.dma_semaphore, #tpu.memory_space<semaphore_mem>>) src(%dma_wait3A_934 : memref<196x16xf32, #tpu.memory_space<vmem_shared>>) dst(%dma_wait3A_932 : memref<196x16xf32, #tpu.memory_space<hbm>>)
    %dma_wait3A_935 = arith.constant 0 : i32
    %dma_wait3A_936 = tpu.memref_slice %arg5[%arg0, %add3A_734, %dma_wait3A_935] : memref<2x100352x16xf32, #tpu.memory_space<hbm>> -> memref<1x196x16xf32, #tpu.memory_space<hbm>>
    %dma_wait3A_937 = tpu.memref_squeeze %dma_wait3A_936 : memref<1x196x16xf32, #tpu.memory_space<hbm>> -> memref<196x16xf32, #tpu.memory_space<hbm>>
    %dma_wait3A_938 = arith.constant 0 : i32
    %dma_wait3A_939 = tpu.memref_slice %arg10[%add3A_730, %dma_wait3A_938] : memref<100352x16xf32, #tpu.memory_space<vmem_shared>> -> memref<196x16xf32, #tpu.memory_space<vmem_shared>>
    tpu.wait_dma2 semaphore(%arg11 : memref<!tpu.dma_semaphore, #tpu.memory_space<semaphore_mem>>) src(%dma_wait3A_939 : memref<196x16xf32, #tpu.memory_space<vmem_shared>>) dst(%dma_wait3A_937 : memref<196x16xf32, #tpu.memory_space<hbm>>)
    %dma_wait3A_940 = arith.constant 0 : i32
    %dma_wait3A_941 = tpu.memref_slice %arg5[%arg0, %add3A_747, %dma_wait3A_940] : memref<2x100352x16xf32, #tpu.memory_space<hbm>> -> memref<1x196x16xf32, #tpu.memory_space<hbm>>
    %dma_wait3A_942 = tpu.memref_squeeze %dma_wait3A_941 : memref<1x196x16xf32, #tpu.memory_space<hbm>> -> memref<196x16xf32, #tpu.memory_space<hbm>>
    %dma_wait3A_943 = arith.constant 0 : i32
    %dma_wait3A_944 = tpu.memref_slice %arg10[%add3A_743, %dma_wait3A_943] : memref<100352x16xf32, #tpu.memory_space<vmem_shared>> -> memref<196x16xf32, #tpu.memory_space<vmem_shared>>
    tpu.wait_dma2 semaphore(%arg11 : memref<!tpu.dma_semaphore, #tpu.memory_space<semaphore_mem>>) src(%dma_wait3A_944 : memref<196x16xf32, #tpu.memory_space<vmem_shared>>) dst(%dma_wait3A_942 : memref<196x16xf32, #tpu.memory_space<hbm>>)
    %dma_wait3A_945 = arith.constant 0 : i32
    %dma_wait3A_946 = tpu.memref_slice %arg5[%arg0, %add3A_760, %dma_wait3A_945] : memref<2x100352x16xf32, #tpu.memory_space<hbm>> -> memref<1x196x16xf32, #tpu.memory_space<hbm>>
    %dma_wait3A_947 = tpu.memref_squeeze %dma_wait3A_946 : memref<1x196x16xf32, #tpu.memory_space<hbm>> -> memref<196x16xf32, #tpu.memory_space<hbm>>
    %dma_wait3A_948 = arith.constant 0 : i32
    %dma_wait3A_949 = tpu.memref_slice %arg10[%add3A_756, %dma_wait3A_948] : memref<100352x16xf32, #tpu.memory_space<vmem_shared>> -> memref<196x16xf32, #tpu.memory_space<vmem_shared>>
    tpu.wait_dma2 semaphore(%arg11 : memref<!tpu.dma_semaphore, #tpu.memory_space<semaphore_mem>>) src(%dma_wait3A_949 : memref<196x16xf32, #tpu.memory_space<vmem_shared>>) dst(%dma_wait3A_947 : memref<196x16xf32, #tpu.memory_space<hbm>>)
    %dma_wait3A_950 = arith.constant 0 : i32
    %dma_wait3A_951 = tpu.memref_slice %arg5[%arg0, %add3A_773, %dma_wait3A_950] : memref<2x100352x16xf32, #tpu.memory_space<hbm>> -> memref<1x196x16xf32, #tpu.memory_space<hbm>>
    %dma_wait3A_952 = tpu.memref_squeeze %dma_wait3A_951 : memref<1x196x16xf32, #tpu.memory_space<hbm>> -> memref<196x16xf32, #tpu.memory_space<hbm>>
    %dma_wait3A_953 = arith.constant 0 : i32
    %dma_wait3A_954 = tpu.memref_slice %arg10[%add3A_769, %dma_wait3A_953] : memref<100352x16xf32, #tpu.memory_space<vmem_shared>> -> memref<196x16xf32, #tpu.memory_space<vmem_shared>>
    tpu.wait_dma2 semaphore(%arg11 : memref<!tpu.dma_semaphore, #tpu.memory_space<semaphore_mem>>) src(%dma_wait3A_954 : memref<196x16xf32, #tpu.memory_space<vmem_shared>>) dst(%dma_wait3A_952 : memref<196x16xf32, #tpu.memory_space<hbm>>)
    %dma_wait3A_955 = arith.constant 0 : i32
    %dma_wait3A_956 = tpu.memref_slice %arg5[%arg0, %add3A_786, %dma_wait3A_955] : memref<2x100352x16xf32, #tpu.memory_space<hbm>> -> memref<1x196x16xf32, #tpu.memory_space<hbm>>
    %dma_wait3A_957 = tpu.memref_squeeze %dma_wait3A_956 : memref<1x196x16xf32, #tpu.memory_space<hbm>> -> memref<196x16xf32, #tpu.memory_space<hbm>>
    %dma_wait3A_958 = arith.constant 0 : i32
    %dma_wait3A_959 = tpu.memref_slice %arg10[%add3A_782, %dma_wait3A_958] : memref<100352x16xf32, #tpu.memory_space<vmem_shared>> -> memref<196x16xf32, #tpu.memory_space<vmem_shared>>
    tpu.wait_dma2 semaphore(%arg11 : memref<!tpu.dma_semaphore, #tpu.memory_space<semaphore_mem>>) src(%dma_wait3A_959 : memref<196x16xf32, #tpu.memory_space<vmem_shared>>) dst(%dma_wait3A_957 : memref<196x16xf32, #tpu.memory_space<hbm>>)
    %dma_wait3A_960 = arith.constant 0 : i32
    %dma_wait3A_961 = tpu.memref_slice %arg5[%arg0, %add3A_799, %dma_wait3A_960] : memref<2x100352x16xf32, #tpu.memory_space<hbm>> -> memref<1x196x16xf32, #tpu.memory_space<hbm>>
    %dma_wait3A_962 = tpu.memref_squeeze %dma_wait3A_961 : memref<1x196x16xf32, #tpu.memory_space<hbm>> -> memref<196x16xf32, #tpu.memory_space<hbm>>
    %dma_wait3A_963 = arith.constant 0 : i32
    %dma_wait3A_964 = tpu.memref_slice %arg10[%add3A_795, %dma_wait3A_963] : memref<100352x16xf32, #tpu.memory_space<vmem_shared>> -> memref<196x16xf32, #tpu.memory_space<vmem_shared>>
    tpu.wait_dma2 semaphore(%arg11 : memref<!tpu.dma_semaphore, #tpu.memory_space<semaphore_mem>>) src(%dma_wait3A_964 : memref<196x16xf32, #tpu.memory_space<vmem_shared>>) dst(%dma_wait3A_962 : memref<196x16xf32, #tpu.memory_space<hbm>>)
    return
  }
}

module attributes {stable_mosaic.version = 14 : i64} {
  func.func @_tca_body(%arg0: i32, %arg1: memref<2x2048x16xf32, #tpu.memory_space<vmem>>, %arg2: memref<2048x4xf32, #tpu.memory_space<vmem>>, %arg3: memref<2048x1xf32, #tpu.memory_space<vmem>>, %arg4: memref<2048x16xf32, #tpu.memory_space<vmem>>) attributes {dimension_semantics = [#tpu.dimension_semantics<arbitrary>], iteration_bounds = array<i64: 49>, scalar_prefetch = 0 : i64, scratch_operands = 0 : i64, tpu.core_type = #tpu.core_type<tc>, window_params = [{transform_indices = @transform_0, window_bounds = array<i64: 2, 2048, 16>}, {transform_indices = @transform_1, window_bounds = array<i64: 2048, 4>}, {transform_indices = @transform_2, window_bounds = array<i64: 2048, 1>}, {transform_indices = @transform_3, window_bounds = array<i64: 2048, 16>}]} {
    %get3A = arith.constant 0 : index
    %get3A_0 = arith.constant 0 : index
    %get3A_1 = arith.constant 0 : index
    %get3A_2 = vector.load %arg1[%get3A, %get3A_0, %get3A_1] : memref<2x2048x16xf32, #tpu.memory_space<vmem>>, vector<1x2048x1xf32>
    %get3A_3 = vector.shape_cast %get3A_2 : vector<1x2048x1xf32> to vector<2048x1xf32>
    %get3A_4 = arith.constant 1 : index
    %get3A_5 = arith.constant 0 : index
    %get3A_6 = arith.constant 0 : index
    %get3A_7 = vector.load %arg1[%get3A_4, %get3A_5, %get3A_6] : memref<2x2048x16xf32, #tpu.memory_space<vmem>>, vector<1x2048x1xf32>
    %get3A_8 = vector.shape_cast %get3A_7 : vector<1x2048x1xf32> to vector<2048x1xf32>
    %add3A = arith.addf %get3A_3, %get3A_8 : vector<2048x1xf32>
    %gt3A = arith.constant 0.000000e+00 : f32
    %gt3A_9 = vector.broadcast %gt3A : f32 to vector<2048x1xf32>
    %gt3A_10 = arith.cmpf ogt, %add3A, %gt3A_9 : vector<2048x1xf32>
    %max3A = arith.constant 9.99999996E-13 : f32
    %max3A_11 = vector.broadcast %max3A : f32 to vector<2048x1xf32>
    %max3A_12 = arith.maximumf %add3A, %max3A_11 : vector<2048x1xf32>
    %rsqrt3A = math.rsqrt %max3A_12 : vector<2048x1xf32>
    %jit3A = arith.constant 0.000000e+00 : f32
    %broadcast_in_dim3A = vector.broadcast %jit3A : f32 to vector<2048x1xf32>
    %select_n3A = arith.select %gt3A_10, %rsqrt3A, %broadcast_in_dim3A : vector<2048x1xi1>, vector<2048x1xf32>
    %swap3A = arith.constant 0 : index
    %swap3A_13 = arith.constant 0 : index
    %swap3A_14 = vector.load %arg3[%swap3A, %swap3A_13] : memref<2048x1xf32, #tpu.memory_space<vmem>>, vector<2048x1xf32>
    tpu.vector_store %arg3[%swap3A, %swap3A_13], %select_n3A {strides = array<i32>} : memref<2048x1xf32, #tpu.memory_space<vmem>>, vector<2048x1xf32>,
    %get3A_15 = arith.constant 0 : index
    %get3A_16 = arith.constant 0 : index
    %get3A_17 = vector.load %arg2[%get3A_15, %get3A_16] : memref<2048x4xf32, #tpu.memory_space<vmem>>, vector<2048x4xf32>
    %mul3A = vector.broadcast %select_n3A : vector<2048x1xf32> to vector<2048x4xf32>
    %mul3A_18 = arith.mulf %mul3A, %get3A_17 : vector<2048x4xf32>
    %broadcast_in_dim3A_19 = arith.constant 0.000000e+00 : f32
    %broadcast_in_dim3A_20 = vector.broadcast %broadcast_in_dim3A_19 : f32 to vector<2048x12xf32>
    %concatenate3A = tpu.concatenate %mul3A_18, %broadcast_in_dim3A_20 in 1 : vector<2048x4xf32>, vector<2048x12xf32> -> vector<2048x16xf32>
    %swap3A_21 = arith.constant 0 : index
    %swap3A_22 = arith.constant 0 : index
    %swap3A_23 = vector.load %arg4[%swap3A_21, %swap3A_22] : memref<2048x16xf32, #tpu.memory_space<vmem>>, vector<2048x16xf32>
    tpu.vector_store %arg4[%swap3A_21, %swap3A_22], %concatenate3A {strides = array<i32>} : memref<2048x16xf32, #tpu.memory_space<vmem>>, vector<2048x16xf32>,
    return
  }
  func.func @transform_0(%arg0: i32) -> (i32, i32, i32) {
    %c0_i32 = arith.constant 0 : i32
    %c0_i32_0 = arith.constant 0 : i32
    %c0_i32_1 = arith.constant 0 : i32
    return %c0_i32, %arg0, %c0_i32_0 : i32, i32, i32
  }
  func.func @transform_1(%arg0: i32) -> (i32, i32) {
    %c0_i32 = arith.constant 0 : i32
    %c0_i32_0 = arith.constant 0 : i32
    return %arg0, %c0_i32 : i32, i32
  }
  func.func @transform_2(%arg0: i32) -> (i32, i32) {
    %c0_i32 = arith.constant 0 : i32
    %c0_i32_0 = arith.constant 0 : i32
    return %arg0, %c0_i32 : i32, i32
  }
  func.func @transform_3(%arg0: i32) -> (i32, i32) {
    %c0_i32 = arith.constant 0 : i32
    %c0_i32_0 = arith.constant 0 : i32
    return %arg0, %c0_i32 : i32, i32
  }
}

</mosaic_0001>

<sc_bundles>
// kernel: _stage1.4.cloned.1.call-start
scs
__scs_entry_jumppad:
0x0: {  	(pc) =	sbr.rel $0x88, $3  }
0x1: {  	(tag) =	ssettag $0x0;
	lr =	simm.s32 $0x1  }
0x2: {  	[smem:$0x3F9F] =	sst lr;
	_ =	strace $0xD0000000  }
0x3: {  	_ = 	snop  }
0x4: {  	_ = 	snop  }
0x5: {  	_ = 	snop  }
0x6: {  	_ = 	snop  }
0x7: {  	_ = 	snop  }
__scs_overlays_trampoline_lowered:
0x8: {  	[smem:$0x3FAE] =	sst s0  }
0x9: {  	[smem:$0x3FAF] =	sst s1  }
0xa: {  	[smem:$0x3FB0] =	sst s2  }
0xb: {  	[smem:$0x3FB1] =	sst s3  }
0xc: {  	[smem:$0x3FB2] =	sst s4  }
0xd: {  	[smem:$0x3FB3] =	sst s5  }
0xe: {  	[smem:$0x3FB4] =	sst s6  }
0xf: {  	[smem:$0x3FB5] =	sst s7  }
0x10: {  	[smem:$0x3FB6] =	sst s8  }
0x11: {  	[smem:$0x3FB7] =	sst s9;
	s0 =	simm.s32 @!p0 $0x0  }
0x12: {  	s1 =	sld [smem:$0x3F9D];
	s0 =	simm.s32 @p0 $0x1  }
0x13: {  	[smem:$0x3FB8] =	sst s0;
	s0 =	simm.s32 @!p1 $0x0  }
0x14: {  	s2 =	sld [smem:$0x3F9C];
	s0 =	simm.s32 @p1 $0x1  }
0x15: {  	[smem:$0x3FB9] =	sst s0;
	s0 =	simm.s32 @!p2 $0x0  }
0x16: {  	s3 =	sld [smem:$0x3FDB];
	s0 =	simm.s32 @p2 $0x1  }
0x17: {  	s4 =	simm.s32 $0x1BF5;
	[smem:$0x3FBB] =	sst s0  }
0x18: {  	s0 =	sld [smem:$0x3F9E];
	_ =	swait.ge [sflag:s4], $0x0  }
0x19: {  	s7 =	sld [smem:$0x3F9F]  }
0x1a: {  	s8 =	sadd.s32 $0xFFFFE003, lr  }
0x1b: {  	s9 =	sadd.s32 $0xFFFFFEF7, lr;
	s5 =	simm.s32 $0xFFFFFFFF;
	p2 =	slt.u32 s8, $0xFFFFF086  }
0x1c: {  	p1 =	slt.u32 s9, $0xF7A;
	s5 =	simm.s32 @!p2 $0x0  }
0x1d: {  	s5 =	simm.s32 @p1 $0x1;
	p0 =	seq.s32 s7, s2  }
0x1e: {  	s7 =	smul.u32 @!p0 $0xF7A, s2;
	p2 =	seq.s32 @!p0 s5, $0x0  }
0x1f: {  	s9 =	smul.u32 $0xF7A, s1;
	s8 =	simm.s32 @!p0 $0x1BF5;
	p2 =	por !p2, p0  }
0x20: {  	[sflag:s8] =	ssyncset.s32 @!p0 $0xFFFFF086;
	s6 =	sadd.s32 @!p0 s3, s7;
	s7 =	simm.s32 @!p0 $0x108  }
0x21: {  	s3 =	sadd.s32 s3, s9;
	s6 =	sadd.s32 @!p0 $0x88, s6;
	s7 =	simm.s32 @p2 $0x1082  }
0x22: {  	[simem:s7], [sflag:s8] =	dma.local @!p0 [hbm:s6], $0xF7A  }
0x23: {  	s9 =	sor.u32 $0xD0000000, s2;
	s6 =	simm.s32 $0x108;
	_ =	swait.ge @!p0 [sflag:s8], $0x0  }
0x24: {  	s3 =	sadd.s32 $0x88, s3;
	s6 =	simm.s32 @!p1 $0x1082;
	[sflag:s4] =	ssyncset.s32 $0xFFFFF086  }
0x25: {  	[simem:s6], [sflag:s4] =	dma.local [hbm:s3], $0xF7A  }
0x26: {  	[smem:$0x3F9F] =	sst s1;
	(tag) =	ssettag s2;
	_ =	strace s9  }
0x27: {  	s1 =	sld [smem:$0x3FAF]  }
0x28: {  	s2 =	sld [smem:$0x3FB0]  }
0x29: {  	s4 =	sld [smem:$0x3FB2]  }
0x2a: {  	p0 =	seq.s32 s5, $0x0;
	s5 =	sld [smem:$0x3FB3]  }
0x2b: {  	s6 =	sld [smem:$0x3FB4]  }
0x2c: {  	s7 =	sld [smem:$0x3FB5]  }
0x2d: {  	s3 =	simm.s32 $0x108;
	s8 =	sld [smem:$0x3FB6]  }
0x2e: {  	s3 =	simm.s32 @!p0 $0x1082;
	s9 =	sld [smem:$0x3FB7]  }
0x2f: {  	lr =	sadd.s32 s0, s3;
	s0 =	sld [smem:$0x3FAE]  }
0x30: {  	s3 =	sld [smem:$0x3FB1]  }
0x31: {  	[smem:$0x3FBA] =	sst s10  }
0x32: {  	s10 =	sld [smem:$0x3FB8];
	_ =	sdelay $0x3  }
0x33: {  	p0 =	seq.s32 s10, $0x1;
	s10 =	sld [smem:$0x3FBA];
	_ =	sdelay $0x3  }
0x34: {  	[smem:$0x3FBA] =	sst s10  }
0x35: {  	s10 =	sld [smem:$0x3FB9];
	_ =	sdelay $0x3  }
0x36: {  	p1 =	seq.s32 s10, $0x1;
	s10 =	sld [smem:$0x3FBA];
	_ =	sdelay $0x3  }
0x37: {  	[smem:$0x3FBA] =	sst s10  }
0x38: {  	s10 =	sld [smem:$0x3FBB]  }
0x39: {  	_ = 	snop;
	(pc) =	sbr.ind lr, $3  }
0x3a: {  	_ = 	snop  }
0x3b: {  	_ = 	snop  }
0x3c: {  	p2 =	seq.s32 s10, $0x1;
	s10 =	sld [smem:$0x3FBA]  }
0x3d: {  	_ =	shalt  }
0x3e: {  	_ =	shalt  }
0x3f: {  	_ =	shalt  }
0x40: {  	_ =	shalt  }
0x41: {  	_ =	shalt  }
0x42: {  	_ =	shalt  }
0x43: {  	_ =	shalt  }
0x44: {  	_ =	shalt  }
0x45: {  	_ =	shalt  }
0x46: {  	_ =	shalt  }
0x47: {  	_ =	shalt  }
0x48: {  	_ =	shalt  }
0x49: {  	_ =	shalt  }
0x4a: {  	_ =	shalt  }
0x4b: {  	_ =	shalt  }
0x4c: {  	_ =	shalt  }
0x4d: {  	_ =	shalt  }
0x4e: {  	_ =	shalt  }
0x4f: {  	_ =	shalt  }
0x50: {  	_ =	shalt  }
0x51: {  	_ =	shalt  }
0x52: {  	_ =	shalt  }
0x53: {  	_ =	shalt  }
0x54: {  	_ =	shalt  }
0x55: {  	_ =	shalt  }
0x56: {  	_ =	shalt  }
0x57: {  	_ =	shalt  }
0x58: {  	_ =	shalt  }
0x59: {  	_ =	shalt  }
0x5a: {  	_ =	shalt  }
0x5b: {  	_ =	shalt  }
0x5c: {  	_ =	shalt  }
0x5d: {  	_ =	shalt  }
0x5e: {  	_ =	shalt  }
0x5f: {  	_ =	shalt  }
0x60: {  	_ =	shalt  }
0x61: {  	_ =	shalt  }
0x62: {  	_ =	shalt  }
0x63: {  	_ =	shalt  }
0x64: {  	_ =	shalt  }
0x65: {  	_ =	shalt  }
0x66: {  	_ =	shalt  }
0x67: {  	_ =	shalt  }
0x68: {  	_ =	shalt  }
0x69: {  	_ =	shalt  }
0x6a: {  	_ =	shalt  }
0x6b: {  	_ =	shalt  }
0x6c: {  	_ =	shalt  }
0x6d: {  	_ =	shalt  }
0x6e: {  	_ =	shalt  }
0x6f: {  	_ =	shalt  }
0x70: {  	_ =	shalt  }
0x71: {  	_ =	shalt  }
0x72: {  	_ =	shalt  }
0x73: {  	_ =	shalt  }
0x74: {  	_ =	shalt  }
0x75: {  	_ =	shalt  }
0x76: {  	_ =	shalt  }
0x77: {  	_ =	shalt  }
0x78: {  	_ =	shalt  }
0x79: {  	_ =	shalt  }
0x7a: {  	_ =	shalt  }
0x7b: {  	_ =	shalt  }
0x7c: {  	_ =	shalt  }
0x7d: {  	_ =	shalt  }
0x7e: {  	_ =	shalt  }
0x7f: {  	_ =	shalt  }
0x80: {  	_ =	shalt  }
0x81: {  	_ =	shalt  }
0x82: {  	_ =	shalt  }
0x83: {  	_ =	shalt  }
0x84: {  	_ =	shalt  }
0x85: {  	_ =	shalt  }
0x86: {  	_ =	shalt  }
0x87: {  	_ =	shalt  }
.Lfunc_end0:
.L_simem_size_0:
called_computation_lowered:
.L_overlay_start_0:
0x88: {  	s2 =	sld [smem:$0x3FD9]  }
0x89: {  	s3 =	sld [smem:$0x3FFE];
	_ =	sdelay $0x1  }
0x8a: {  	s1 =	srdreg.scid  }
0x8b: {  	s0 =	sand.u32 $0x1, s1  }
0x8c: {  	s14 =	sshll.u32 s0, $0xA;
	s2 =	sadd.s32 s3, s2  }
0x8d: {  	s2 =	sadd.s32 s2, s14  }
0x8e: {  	[smem:$0x3FC6] =	sst s2  }
0x8f: {  	_ = 	snop  }
0x90: {  	s2 =	sld [smem:$0x3FD0];
	_ =	sdelay $0x2  }
0x91: {  	s15 =	simm.s32 $0xA;
	s4 =	simm.s32 $0x10  }
0x92: {  	[smem:s4], [sflag:s15] =	dma.local [hbm:s2], $0x1  }
0x93: {  	_ =	swait.eq [sflag:s15], $0x1  }
0x94: {  	s16 =	sld [smem:$0x10];
	[sflag:s15] =	ssyncset.done $0x0  }
0x95: {  	s17 =	sld [smem:$0x12];
	[sflag:s15] =	ssyncadd.s32 $0xFFFFFFFF  }
0x96: {  	s18 =	sld [smem:$0x13];
	(tm) =	ssettm $0x1  }
0x97: {  	s5 =	sld [smem:$0x3FFB];
	_ =	sdelay $0x3  }
0x98: {  	_ =	strace s5  }
0x99: {  	s5 =	sld [smem:$0x3FFC];
	_ =	sdelay $0x3  }
0x9a: {  	_ =	strace s5  }
0x9b: {  	s5 =	sld [smem:$0x3FFD];
	_ =	sdelay $0x3  }
0x9c: {  	_ =	strace s5  }
0x9d: {  	_ =	strace $0x8FFFFFFF  }
0x9e: {  	s19 =	sld [smem:$0x3FDB];
	_ =	sdelay $0x1  }
0x9f: {  	s6 =	simm.s32 $_scs_section_size  }
0xa0: {  	s7 =	simm.s32 $_size__tile_overlayer_lowered;
	s8 =	simm.s32 $_tile_overlayer_lowered  }
0xa1: {  	s22 =	simm.s32 $0x1BFF;
	s21 =	sshll.u32 s8, $0x1;
	s5 =	sadd.s32 s6, s19  }
0xa2: {  	s9 =	simm.s32 $0x0;
	s20 =	sshll.u32 s7, $0x1;
	s7 =	sadd.s32 s21, s5  }
0xa3: {  	[timem:s9], [sflag:s22] =	dma.local [hbm:s7], s20  }
0xa4: {  	_ =	swait.ge [sflag:s22], s20  }
0xa5: {  	s6 =	ssub.s32 $0x0, s20;
	[sflag:s22] =	ssyncset.done $0x0  }
0xa6: {  	[sflag:s22] =	ssyncadd.s32 s6;
	_ =	sdelay $0x1  }
0xa7: {  	s23 =	simm.s32 $0x1B8B  }
0xa8: {  	_ =	swait.ge [sflag:s23], $0x1  }
0xa9: {  	[sflag:s23] =	ssyncset.done $0x0  }
0xaa: {  	s25 =	simm.s32 $0x1B8E;
	s24 =	sld [smem:$0x3FFE];
	[sflag:s23] =	ssyncadd.s32 $0xFFFFFFFF  }
0xab: {  	s26 =	simm.s32 $execute0_lowered;
	[smem:$0x3FD2] =	sst s25  }
0xac: {  	s7 =	sshll.u32 s26, $0x1;
	_ =	strace $0x80000046;
	[dreg:$0x1] =	wrdreg $0xFFFFFFFF  }
0xad: {  	s28 =	simm.s32 $_size_execute0_lowered;
	s5 =	sadd.s32 s5, s7;
	[dreg:$0x0] =	wrdreg $0x0  }
0xae: {  	s7 =	sshll.u32 s28, $0x1;
	[dreg:$0x2] =	wrdreg s5  }
0xaf: {  	[dreg:$0x3] =	wrdreg s7  }
0xb0: {  	[dreg:$0x4] =	wrdreg $0xC0  }
0xb1: {  	_ =	task [dreg:s9], $0x5FFFF  }
0xb2: {  	[dreg:$0x1] =	wrdreg $0xFFFFFFFF  }
0xb3: {  	[dreg:$0x0] =	wrdreg $0x60  }
0xb4: {  	[dreg:$0x2] =	wrdreg s16  }
0xb5: {  	[dreg:$0x3] =	wrdreg s18  }
0xb6: {  	[dreg:$0x4] =	wrdreg s17  }
0xb7: {  	[dreg:$0x5] =	wrdreg s24  }
0xb8: {  	[dreg:$0x6] =	wrdreg $0x1C400  }
0xb9: {  	[dreg:$0x7] =	wrdreg $0x9  }
0xba: {  	_ =	task.clear_ibuf [dreg:s9], $0x8FFFF;
	_ =	strace $0x90000046  }
0xbb: {  	s29 =	simm.s32 $0x9;
	_ =	strace $0x80000048  }
0xbc: {  	_ =	swait.ge [sflag:s29], $0x1  }
0xbd: {  	[sflag:s29] =	ssyncadd.s32 $0xFFFFFFFF  }
0xbe: {  	_ =	strace $0x90000048  }
0xbf: {  	_ =	sfence  }
0xc0: {  	s30 =	sld [smem:$0x0];
	_ =	sdelay $0x2  }
0xc1: {  	s31 =	sshll.u32 s1, $0xD;
	s1 =	sshrl.u32 s1, $0x2  }
0xc2: {  	s3 =	sand.u32 $0x4000, s31;
	s1 =	sadd.s32 s1, s30  }
0xc3: {  	s0 =	sor.u32 s3, s0;
	s1 =	sshll.u32 s1, $0x11  }
0xc4: {  	s0 =	sor.u32 s1, s0  }
0xc5: {  	s0 =	sadd.s32 $0x8F2B, s0  }
0xc6: {  	[sflag:s0] =	ssyncadd.remote.s32 $0x1  }
0xc7: {  	_ =	sfence.sel $0xFFFF  }
0xc8: {  	[dreg:$0x0] =	wrdreg $0xFFFFFFFF;
	(pc) =	sbr.abs _section_cstart, $3  }
0xc9: {  	[dreg:$0x1] =	wrdreg $0xFFFFFFFF  }
0xca: {  	_ =	task.clear_ibuf [dreg:s9], $0x2FFFF;
	_ =	strace $0x9FFFFFFF  }
0xcb: {  	(tm) =	ssettm $0x7FFFFFFF  }
tec
execute0_lowered:
.L_overlay_start_1:
0x0: {  	(tag) =	ssettag $0x1  }
0x1: {  	s0 =	srdreg.scid  }
0x2: {  	s1 =	stileid.u32;
	s3 =	rddreg [dreg:$0x3]  }
0x3: {  	s2 =	sand.u32 $0x1, s0;
	s0 =	smul.u32 $0x18800, s1;
	s1 =	simm.s32 $0x0  }
0x4: {  	s4 =	ssub.s32 $0x2, s2;
	[smem:$0x7FF] =	sst s1;
	s2 =	smul.u32 $0x188000, s2  }
0x5: {  	s5 =	sshrl.u32 s4, $0x1;
	s7 =	sadd.s32 $0xC40, s0;
	s8 =	sadd.s32 $0x1880, s0  }
0x6: {  	s9 =	sadd.s32 $0x24C0, s0;
	s22 =	sadd.s32 $0x3100, s0;
	s10 =	sadd.s32 $0x6200, s0  }
0x7: {  	s26 =	sadd.s32 $0x3D40, s0;
	s11 =	sadd.s32 $0x6E40, s0;
	[smem:$0x7DA] =	sst s10  }
0x8: {  	s30 =	sadd.s32 $0x4980, s0;
	s12 =	sadd.s32 $0x7A80, s0;
	[smem:$0x7DC] =	sst s11  }
0x9: {  	s28 =	sadd.s32 $0x55C0, s0;
	s13 =	sadd.s32 $0x86C0, s0;
	[smem:$0x7DE] =	sst s12  }
0xa: {  	s4 =	ssub.s32 s4, s5;
	[smem:$0x7E0] =	sst s13;
	s16 =	sadd.s32 s2, s7  }
0xb: {  	s17 =	sadd.s32 s0, s2;
	s6 =	sadd.s32 s2, s8;
	s19 =	sadd.s32 s2, s9  }
0xc: {  	s20 =	sadd.s32 s2, s22;
	s24 =	sadd.s32 s2, s30;
	s25 =	sadd.s32 s2, s28  }
0xd: {  	s5 =	sadd.s32 s2, s10;
	s11 =	sadd.s32 s2, s11;
	s12 =	sadd.s32 s2, s12  }
0xe: {  	[smem:$0x7EF] =	sst s4;
	s4 =	sshrl.u32 s16, $0x3;
	s29 =	sshrl.u32 s17, $0x3  }
0xf: {  	s18 =	sshrl.u32 s6, $0x3;
	s6 =	sshrl.u32 s20, $0x3;
	s4 =	sadd.s32 s3, s4  }
0x10: {  	s17 =	sadd.s32 s2, s26;
	s21 =	sadd.s32 s3, s6;
	[dreg:$0x6] =	wrdreg s4  }
0x11: {  	s23 =	sshrl.u32 s17, $0x3;
	s17 =	sadd.s32 $0x9300, s0;
	[dreg:$0x9] =	wrdreg s21  }
0x12: {  	s6 =	sshrl.u32 s25, $0x3;
	s25 =	sadd.s32 $0xD040, s0;
	[smem:$0x7E2] =	sst s17  }
0x13: {  	s14 =	sadd.s32 s2, s13;
	s4 =	sadd.s32 s3, s18;
	[smem:$0x7EB] =	sst s25  }
0x14: {  	s10 =	sshrl.u32 s5, $0x3;
	s6 =	sadd.s32 s3, s6;
	[dreg:$0x7] =	wrdreg s4  }
0x15: {  	s16 =	sshrl.u32 s14, $0x3;
	s18 =	sadd.s32 $0x9F40, s0;
	[dreg:$0xc] =	wrdreg s6  }
0x16: {  	s4 =	sshrl.u32 s19, $0x3;
	s6 =	sshrl.u32 s12, $0x3;
	[smem:$0x7E4] =	sst s18  }
0x17: {  	s19 =	sadd.s32 $0xAB80, s0;
	s20 =	sadd.s32 s2, s18;
	s18 =	sadd.s32 $0x10D80, s0  }
0x18: {  	s4 =	sadd.s32 s3, s4;
	s15 =	sadd.s32 s3, s6;
	[smem:$0x7E6] =	sst s19  }
0x19: {  	s6 =	sshrl.u32 s20, $0x3;
	s20 =	sadd.s32 s2, s19;
	[dreg:$0x8] =	wrdreg s4  }
0x1a: {  	s19 =	sadd.s32 $0x119C0, s0;
	s4 =	sadd.s32 s3, s23;
	[dreg:$0xf] =	wrdreg s15  }
0x1b: {  	s21 =	sadd.s32 s3, s6;
	[dreg:$0xa] =	wrdreg s4;
	s4 =	sshrl.u32 s24, $0x3  }
0x1c: {  	s5 =	sadd.s32 s2, s18;
	[dreg:$0x12] =	wrdreg s21;
	s4 =	sadd.s32 s3, s4  }
0x1d: {  	s23 =	sshrl.u32 s20, $0x3;
	[dreg:$0xb] =	wrdreg s4;
	s4 =	sadd.s32 s3, s10  }
0x1e: {  	s20 =	sadd.s32 $0xF500, s0;
	[dreg:$0xd] =	wrdreg s4;
	s4 =	sshrl.u32 s11, $0x3  }
0x1f: {  	s24 =	sadd.s32 $0xB7C0, s0;
	s21 =	sadd.s32 $0xC400, s0;
	s4 =	sadd.s32 s3, s4  }
0x20: {  	s10 =	sadd.s32 s2, s21;
	[dreg:$0xe] =	wrdreg s4;
	s4 =	sadd.s32 s3, s16  }
0x21: {  	s6 =	sshrl.u32 s10, $0x3;
	[dreg:$0x10] =	wrdreg s4;
	s4 =	sadd.s32 s2, s17  }
0x22: {  	[smem:$0x7E8] =	sst s24;
	s11 =	sadd.s32 s3, s6;
	s4 =	sshrl.u32 s4, $0x3  }
0x23: {  	s31 =	sadd.s32 s2, s19;
	[dreg:$0x15] =	wrdreg s11;
	s4 =	sadd.s32 s3, s4  }
0x24: {  	s10 =	sshrl.u32 s31, $0x3;
	[dreg:$0x11] =	wrdreg s4;
	s4 =	sadd.s32 s3, s23  }
0x25: {  	s23 =	sadd.s32 s2, s25;
	s25 =	sadd.s32 $0xE8C0, s0;
	[dreg:$0x13] =	wrdreg s4  }
0x26: {  	s4 =	sadd.s32 s2, s24;
	s12 =	sshrl.u32 s23, $0x3;
	s23 =	sadd.s32 $0xDC80, s0  }
0x27: {  	s14 =	sadd.s32 s2, s25;
	s24 =	sadd.s32 s2, s20;
	s4 =	sshrl.u32 s4, $0x3  }
0x28: {  	s13 =	sadd.s32 s2, s23;
	s6 =	sshrl.u32 s14, $0x3;
	s16 =	sshrl.u32 s24, $0x3  }
0x29: {  	s24 =	sadd.s32 $0x10140, s0;
	s4 =	sadd.s32 s3, s4;
	s15 =	sadd.s32 s3, s6  }
0x2a: {  	s17 =	sadd.s32 s2, s24;
	s6 =	sshrl.u32 s5, $0x3;
	[dreg:$0x14] =	wrdreg s4  }
0x2b: {  	s4 =	sadd.s32 s3, s12;
	[dreg:$0x18] =	wrdreg s15;
	s6 =	sadd.s32 s3, s6  }
0x2c: {  	s15 =	sadd.s32 $0x13E80, s0;
	[dreg:$0x16] =	wrdreg s4;
	s4 =	sshrl.u32 s13, $0x3  }
0x2d: {  	[dreg:$0x1b] =	wrdreg s6;
	s13 =	sadd.s32 s2, s15;
	s4 =	sadd.s32 s3, s4  }
0x2e: {  	[dreg:$0x17] =	wrdreg s4;
	s4 =	sadd.s32 s3, s16;
	s16 =	sadd.s32 $0x13240, s0  }
0x2f: {  	[dreg:$0x19] =	wrdreg s4;
	s4 =	sshrl.u32 s17, $0x3;
	s17 =	sadd.s32 $0x12600, s0  }
0x30: {  	s12 =	sadd.s32 s2, s16;
	s4 =	sadd.s32 s3, s4;
	s11 =	sadd.s32 s2, s17  }
0x31: {  	s5 =	sshrl.u32 s12, $0x3;
	s12 =	sadd.s32 $0x16340, s0;
	[dreg:$0x1a] =	wrdreg s4  }
0x32: {  	s4 =	sadd.s32 s3, s10;
	s14 =	sadd.s32 s3, s5;
	s5 =	sshrl.u32 s13, $0x3  }
0x33: {  	s13 =	sadd.s32 $0x14AC0, s0;
	[dreg:$0x1c] =	wrdreg s4;
	s4 =	sshrl.u32 s11, $0x3  }
0x34: {  	[dreg:$0x1e] =	wrdreg s14;
	s14 =	sadd.s32 $0x15700, s0;
	s6 =	sadd.s32 s2, s13  }
0x35: {  	s11 =	sadd.s32 s2, s12;
	s4 =	sadd.s32 s3, s4;
	s10 =	sadd.s32 s2, s14  }
0x36: {  	[dreg:$0x1d] =	wrdreg s4;
	s4 =	sadd.s32 s3, s5;
	s5 =	sshrl.u32 s6, $0x3  }
0x37: {  	[dreg:$0x1f] =	wrdreg s4;
	s4 =	sshrl.u32 s10, $0x3;
	s5 =	sadd.s32 s3, s5  }
0x38: {  	[smem:$0x7CD] =	sst s5;
	s4 =	sadd.s32 s3, s4;
	s5 =	sshrl.u32 s11, $0x3  }
0x39: {  	s11 =	sadd.s32 $0x16F80, s0;
	[smem:$0x7CE] =	sst s4;
	s4 =	sadd.s32 s3, s5  }
0x3a: {  	s10 =	sadd.s32 $0x17BC0, s0;
	s6 =	sadd.s32 s2, s11;
	[smem:$0x7CF] =	sst s4  }
0x3b: {  	s2 =	sadd.s32 s2, s10;
	s4 =	rddreg [dreg:$0x0];
	s5 =	sshrl.u32 s6, $0x3  }
0x3c: {  	s6 =	sshrl.u32 s2, $0x3;
	s2 =	rddreg [dreg:$0x4];
	s5 =	sadd.s32 s3, s5  }
0x3d: {  	[smem:$0x7D0] =	sst s5;
	s5 =	sadd.s32 s3, s6  }
0x3e: {  	s3 =	sadd.s32 s3, s29;
	[smem:$0x7D1] =	sst s5  }
0x3f: {  	s0 =	sadd.s32 s0, s2;
	[smem:$0x7D2] =	sst s3  }
0x40: {  	s7 =	sadd.s32 s7, s2;
	_ =	strace $0x80000047;
	[smem:$0x7D3] =	sst s0  }
0x41: {  	s8 =	sadd.s32 s8, s2;
	[smem:$0x7D4] =	sst s7  }
0x42: {  	s9 =	sadd.s32 s9, s2;
	[smem:$0x7D5] =	sst s8  }
0x43: {  	s3 =	sadd.s32 s26, s2;
	[smem:$0x7D6] =	sst s9  }
0x44: {  	s5 =	sadd.s32 s29, s4;
	s4 =	sadd.s32 s30, s2;
	[smem:$0x7D7] =	sst s3  }
0x45: {  	s6 =	sadd.s32 s28, s2;
	[smem:$0x7D8] =	sst s4  }
0x46: {  	s30 =	sadd.s32 s17, s2;
	[smem:$0x7D9] =	sst s6  }
0x47: {  	s28 =	sadd.s32 s14, s2;
	[smem:$0x7F6] =	sst s30  }
0x48: {  	s29 =	sadd.s32 s12, s2;
	[smem:$0x7FA] =	sst s28  }
0x49: {  	s31 =	sadd.s32 s11, s2;
	[smem:$0x7FB] =	sst s29  }
0x4a: {  	[smem:$0x7FC] =	sst s31  }
0x4b: {  	s7 =	sld [smem:$0x7DA]  }
0x4c: {  	s9 =	sld [smem:$0x7DC]  }
0x4d: {  	s8 =	sadd.s32 s22, s2;
	s22 =	sld [smem:$0x7DE]  }
0x4e: {  	s26 =	sld [smem:$0x7E0]  }
0x4f: {  	s3 =	sld [smem:$0x7E2]  }
0x50: {  	s4 =	sld [smem:$0x7E4]  }
0x51: {  	s6 =	sld [smem:$0x7E6]  }
0x52: {  	[smem:$0x7F1] =	sst s8  }
0x53: {  	s0 =	sadd.s32 s7, s2;
	s7 =	sld [smem:$0x7E8]  }
0x54: {  	[smem:$0x7DB] =	sst s0  }
0x55: {  	s0 =	sadd.s32 s9, s2;
	s9 =	sadd.s32 s21, s2;
	s21 =	sld [smem:$0x7EB]  }
0x56: {  	[smem:$0x7DD] =	sst s0  }
0x57: {  	s0 =	sadd.s32 s22, s2;
	[smem:$0x7EA] =	sst s9  }
0x58: {  	s22 =	sadd.s32 s23, s2;
	s23 =	sadd.s32 s25, s2;
	s25 =	sld [smem:$0x7EF]  }
0x59: {  	[smem:$0x7DF] =	sst s0  }
0x5a: {  	[smem:$0x7ED] =	sst s22  }
0x5b: {  	s9 =	sadd.s32 s20, s2;
	[smem:$0x7EE] =	sst s23  }
0x5c: {  	s0 =	sadd.s32 s26, s2;
	[smem:$0x7F2] =	sst s9  }
0x5d: {  	s26 =	sadd.s32 s19, s2;
	[smem:$0x7E1] =	sst s0  }
0x5e: {  	s22 =	sadd.s32 s16, s2;
	[smem:$0x7F5] =	sst s26  }
0x5f: {  	s11 =	simm.s32 $0x2;
	s0 =	sadd.s32 s3, s2;
	[smem:$0x7F7] =	sst s22  }
0x60: {  	s14 =	simm.s32 $0x80;
	s3 =	sadd.s32 s10, s2;
	[smem:$0x7E3] =	sst s0  }
0x61: {  	s12 =	simm.s32 $0x1000;
	s0 =	sadd.s32 s4, s2;
	[smem:$0x7FD] =	sst s3  }
0x62: {  	s17 =	simm.s32 $0x380;
	s10 =	smax.u32 s25, $0x1;
	[smem:$0x7E5] =	sst s0  }
0x63: {  	s20 =	simm.s32 $0x680;
	s4 =	sadd.s32 s15, s2;
	[smem:$0x7F0] =	sst s10  }
0x64: {  	s16 =	simm.s32 $0x280;
	s0 =	sadd.s32 s6, s2;
	[smem:$0x7F8] =	sst s4  }
0x65: {  	s19 =	simm.s32 $0x580;
	s6 =	sadd.s32 s13, s2;
	[smem:$0x7E7] =	sst s0  }
0x66: {  	s15 =	simm.s32 $0x180;
	s0 =	sadd.s32 s7, s2;
	[smem:$0x7F9] =	sst s6  }
0x67: {  	s10 =	simm.s32 $0x800;
	s7 =	sadd.s32 s24, s2;
	[smem:$0x7E9] =	sst s0  }
0x68: {  	s13 =	simm.s32 $0x1;
	s0 =	sadd.s32 s21, s2;
	[smem:$0x7F3] =	sst s7  }
0x69: {  	s24 =	simm.s32 $0x0;
	[smem:$0x7EC] =	sst s0;
	s0 =	sadd.s32 s18, s2  }
0x6a: {  	s21 =	simm.s32 $0x780;
	s18 =	simm.s32 $0x480;
	[smem:$0x7F4] =	sst s0  }
.LBB2_1:
0x6b: {  	[smem:$0x7CC] =	sst s24  }
0x6c: {  	s23 =	rddreg [dreg:$0x1]  }
0x6d: {  	[tilespmem:s10], [sflag:$0x2] =	stream.linear.gather [hbm4b:s23+s1], $0x800, $0x38;
	[tilespmem:$0x1A440] =	vst v63  }
0x6e: {  	_ =	swait.ge [sflag:s11], $0x800  }
0x6f: {  	[sflag:s11] =	ssyncset.done $0x0  }
0x70: {  	[sflag:s11] =	ssyncadd.s32 $0xFFFFF800  }
0x71: {  	s25 =	rddreg [dreg:$0x2]  }
0x72: {  	[tilespmem:s12], [sflag:$0x2] =	stream.linear.gather [hbm4b:s25+s1], $0xC40, $0x38;
	[tilespmem:$0x1A440] =	vst v63  }
0x73: {  	_ =	swait.ge [sflag:s11], $0xC40  }
0x74: {  	s24 =	sld [smem:$0x7D3]  }
0x75: {  	[sflag:s11] =	ssyncset.done $0x0  }
0x76: {  	[sflag:s11] =	ssyncadd.s32 $0xFFFFF3C0  }
0x77: {  	[spmem:s24] =	stream.linear.scatter [tilespmem:s12], [sflag:$0x1], $0xC40, $0x38;
	[tilespmem:$0x1A440] =	vst v63  }
0x78: {  	s24 =	sld [smem:$0x7D4];
	_ =	sdelay $0x2  }
0x79: {  	[spmem:s24] =	stream.linear.scatter [tilespmem:s12], [sflag:$0x1], $0xC40, $0x38;
	[tilespmem:$0x1A440] =	vst v63  }
0x7a: {  	s24 =	sld [smem:$0x7D5];
	_ =	sdelay $0x1  }
0x7b: {  	s23 =	smov.u32 s8;
	s8 =	sld [smem:$0x7D6]  }
0x7c: {  	[spmem:s24] =	stream.linear.scatter [tilespmem:s12], [sflag:$0x1], $0xC40, $0x38;
	[tilespmem:$0x1A440] =	vst v63  }
0x7d: {  	_ = 	snop  }
0x7e: {  	[spmem:s8] =	stream.linear.scatter [tilespmem:s12], [sflag:$0x1], $0xC40, $0x38;
	[tilespmem:$0x1A440] =	vst v63  }
0x7f: {  	s24 =	sld [smem:$0x7D7]  }
0x80: {  	[spmem:s23] =	stream.linear.scatter [tilespmem:s12], [sflag:$0x1], $0xC40, $0x38;
	[tilespmem:$0x1A440] =	vst v63  }
0x81: {  	_ = 	snop  }
0x82: {  	[spmem:s24] =	stream.linear.scatter [tilespmem:s12], [sflag:$0x1], $0xC40, $0x38;
	[tilespmem:$0x1A440] =	vst v63  }
0x83: {  	s24 =	sld [smem:$0x7D8];
	_ =	sdelay $0x1  }
0x84: {  	s25 =	sld [smem:$0x7D9]  }
0x85: {  	[spmem:s24] =	stream.linear.scatter [tilespmem:s12], [sflag:$0x1], $0xC40, $0x38;
	[tilespmem:$0x1A440] =	vst v63  }
0x86: {  	s23 =	sld [smem:$0x7DB]  }
0x87: {  	[spmem:s25] =	stream.linear.scatter [tilespmem:s12], [sflag:$0x1], $0xC40, $0x38;
	[tilespmem:$0x1A440] =	vst v63  }
0x88: {  	s24 =	sld [smem:$0x7DD]  }
0x89: {  	[spmem:s23] =	stream.linear.scatter [tilespmem:s12], [sflag:$0x1], $0xC40, $0x38;
	[tilespmem:$0x1A440] =	vst v63  }
0x8a: {  	s25 =	sld [smem:$0x7DF]  }
0x8b: {  	[spmem:s24] =	stream.linear.scatter [tilespmem:s12], [sflag:$0x1], $0xC40, $0x38;
	[tilespmem:$0x1A440] =	vst v63  }
0x8c: {  	s23 =	sld [smem:$0x7E1]  }
0x8d: {  	[spmem:s25] =	stream.linear.scatter [tilespmem:s12], [sflag:$0x1], $0xC40, $0x38;
	[tilespmem:$0x1A440] =	vst v63  }
0x8e: {  	s24 =	sld [smem:$0x7E3]  }
0x8f: {  	[spmem:s23] =	stream.linear.scatter [tilespmem:s12], [sflag:$0x1], $0xC40, $0x38;
	[tilespmem:$0x1A440] =	vst v63  }
0x90: {  	s25 =	sld [smem:$0x7E5]  }
0x91: {  	[spmem:s24] =	stream.linear.scatter [tilespmem:s12], [sflag:$0x1], $0xC40, $0x38;
	[tilespmem:$0x1A440] =	vst v63  }
0x92: {  	s23 =	sld [smem:$0x7E7]  }
0x93: {  	[spmem:s25] =	stream.linear.scatter [tilespmem:s12], [sflag:$0x1], $0xC40, $0x38;
	[tilespmem:$0x1A440] =	vst v63  }
0x94: {  	s24 =	sld [smem:$0x7E9]  }
0x95: {  	[spmem:s23] =	stream.linear.scatter [tilespmem:s12], [sflag:$0x1], $0xC40, $0x38;
	[tilespmem:$0x1A440] =	vst v63  }
0x96: {  	s25 =	sld [smem:$0x7EA]  }
0x97: {  	[spmem:s24] =	stream.linear.scatter [tilespmem:s12], [sflag:$0x1], $0xC40, $0x38;
	[tilespmem:$0x1A440] =	vst v63  }
0x98: {  	s23 =	sld [smem:$0x7EC]  }
0x99: {  	[spmem:s25] =	stream.linear.scatter [tilespmem:s12], [sflag:$0x1], $0xC40, $0x38;
	[tilespmem:$0x1A440] =	vst v63  }
0x9a: {  	s24 =	sld [smem:$0x7ED]  }
0x9b: {  	[spmem:s23] =	stream.linear.scatter [tilespmem:s12], [sflag:$0x1], $0xC40, $0x38;
	[tilespmem:$0x1A440] =	vst v63  }
0x9c: {  	s25 =	sld [smem:$0x7EE]  }
0x9d: {  	[spmem:s24] =	stream.linear.scatter [tilespmem:s12], [sflag:$0x1], $0xC40, $0x38;
	[tilespmem:$0x1A440] =	vst v63  }
0x9e: {  	_ = 	snop  }
0x9f: {  	[spmem:s25] =	stream.linear.scatter [tilespmem:s12], [sflag:$0x1], $0xC40, $0x38;
	[tilespmem:$0x1A440] =	vst v63  }
0xa0: {  	_ = 	snop  }
0xa1: {  	[spmem:s9] =	stream.linear.scatter [tilespmem:s12], [sflag:$0x1], $0xC40, $0x38;
	[tilespmem:$0x1A440] =	vst v63  }
0xa2: {  	_ = 	snop  }
0xa3: {  	[spmem:s7] =	stream.linear.scatter [tilespmem:s12], [sflag:$0x1], $0xC40, $0x38;
	[tilespmem:$0x1A440] =	vst v63  }
0xa4: {  	_ = 	snop  }
0xa5: {  	[spmem:s0] =	stream.linear.scatter [tilespmem:s12], [sflag:$0x1], $0xC40, $0x38;
	[tilespmem:$0x1A440] =	vst v63  }
0xa6: {  	_ = 	snop  }
0xa7: {  	[spmem:s26] =	stream.linear.scatter [tilespmem:s12], [sflag:$0x1], $0xC40, $0x38;
	[tilespmem:$0x1A440] =	vst v63  }
0xa8: {  	_ = 	snop  }
0xa9: {  	[spmem:s30] =	stream.linear.scatter [tilespmem:s12], [sflag:$0x1], $0xC40, $0x38;
	[tilespmem:$0x1A440] =	vst v63  }
0xaa: {  	_ = 	snop  }
0xab: {  	[spmem:s22] =	stream.linear.scatter [tilespmem:s12], [sflag:$0x1], $0xC40, $0x38;
	[tilespmem:$0x1A440] =	vst v63  }
0xac: {  	_ = 	snop  }
0xad: {  	[spmem:s4] =	stream.linear.scatter [tilespmem:s12], [sflag:$0x1], $0xC40, $0x38;
	[tilespmem:$0x1A440] =	vst v63  }
0xae: {  	_ = 	snop  }
0xaf: {  	[spmem:s6] =	stream.linear.scatter [tilespmem:s12], [sflag:$0x1], $0xC40, $0x38;
	[tilespmem:$0x1A440] =	vst v63  }
0xb0: {  	_ = 	snop  }
0xb1: {  	[spmem:s28] =	stream.linear.scatter [tilespmem:s12], [sflag:$0x1], $0xC40, $0x38;
	[tilespmem:$0x1A440] =	vst v63  }
0xb2: {  	_ = 	snop  }
0xb3: {  	[spmem:s29] =	stream.linear.scatter [tilespmem:s12], [sflag:$0x1], $0xC40, $0x38;
	[tilespmem:$0x1A440] =	vst v63  }
0xb4: {  	_ = 	snop  }
0xb5: {  	[spmem:s31] =	stream.linear.scatter [tilespmem:s12], [sflag:$0x1], $0xC40, $0x38;
	[tilespmem:$0x1A440] =	vst v63  }
0xb6: {  	_ = 	snop  }
0xb7: {  	[spmem:s3] =	stream.linear.scatter [tilespmem:s12], [sflag:$0x1], $0xC40, $0x38;
	[tilespmem:$0x1A440] =	vst v63  }
0xb8: {  	_ =	swait.ge [sflag:s13], $0xC40  }
0xb9: {  	[sflag:s13] =	ssyncset.done $0x0  }
0xba: {  	[sflag:s13] =	ssyncadd.s32 $0xFFFFF3C0  }
0xbb: {  	_ =	swait.ge [sflag:s13], $0xC40  }
0xbc: {  	[sflag:s13] =	ssyncset.done $0x0  }
0xbd: {  	[sflag:s13] =	ssyncadd.s32 $0xFFFFF3C0  }
0xbe: {  	_ =	swait.ge [sflag:s13], $0xC40  }
0xbf: {  	[sflag:s13] =	ssyncset.done $0x0  }
0xc0: {  	[sflag:s13] =	ssyncadd.s32 $0xFFFFF3C0  }
0xc1: {  	_ =	swait.ge [sflag:s13], $0xC40  }
0xc2: {  	[sflag:s13] =	ssyncset.done $0x0  }
0xc3: {  	[sflag:s13] =	ssyncadd.s32 $0xFFFFF3C0  }
0xc4: {  	_ =	swait.ge [sflag:s13], $0xC40  }
0xc5: {  	[sflag:s13] =	ssyncset.done $0x0  }
0xc6: {  	[sflag:s13] =	ssyncadd.s32 $0xFFFFF3C0  }
0xc7: {  	_ =	swait.ge [sflag:s13], $0xC40  }
0xc8: {  	[sflag:s13] =	ssyncset.done $0x0  }
0xc9: {  	[sflag:s13] =	ssyncadd.s32 $0xFFFFF3C0  }
0xca: {  	_ =	swait.ge [sflag:s13], $0xC40  }
0xcb: {  	[sflag:s13] =	ssyncset.done $0x0  }
0xcc: {  	[sflag:s13] =	ssyncadd.s32 $0xFFFFF3C0  }
0xcd: {  	_ =	swait.ge [sflag:s13], $0xC40  }
0xce: {  	[sflag:s13] =	ssyncset.done $0x0  }
0xcf: {  	[sflag:s13] =	ssyncadd.s32 $0xFFFFF3C0  }
0xd0: {  	_ =	swait.ge [sflag:s13], $0xC40  }
0xd1: {  	[sflag:s13] =	ssyncset.done $0x0  }
0xd2: {  	[sflag:s13] =	ssyncadd.s32 $0xFFFFF3C0  }
0xd3: {  	_ =	swait.ge [sflag:s13], $0xC40  }
0xd4: {  	[sflag:s13] =	ssyncset.done $0x0  }
0xd5: {  	[sflag:s13] =	ssyncadd.s32 $0xFFFFF3C0  }
0xd6: {  	_ =	swait.ge [sflag:s13], $0xC40  }
0xd7: {  	[sflag:s13] =	ssyncset.done $0x0  }
0xd8: {  	[sflag:s13] =	ssyncadd.s32 $0xFFFFF3C0  }
0xd9: {  	_ =	swait.ge [sflag:s13], $0xC40  }
0xda: {  	[sflag:s13] =	ssyncset.done $0x0  }
0xdb: {  	[sflag:s13] =	ssyncadd.s32 $0xFFFFF3C0  }
0xdc: {  	_ =	swait.ge [sflag:s13], $0xC40  }
0xdd: {  	[sflag:s13] =	ssyncset.done $0x0  }
0xde: {  	[sflag:s13] =	ssyncadd.s32 $0xFFFFF3C0  }
0xdf: {  	_ =	swait.ge [sflag:s13], $0xC40  }
0xe0: {  	[sflag:s13] =	ssyncset.done $0x0  }
0xe1: {  	[sflag:s13] =	ssyncadd.s32 $0xFFFFF3C0  }
0xe2: {  	_ =	swait.ge [sflag:s13], $0xC40  }
0xe3: {  	[sflag:s13] =	ssyncset.done $0x0  }
0xe4: {  	[sflag:s13] =	ssyncadd.s32 $0xFFFFF3C0  }
0xe5: {  	_ =	swait.ge [sflag:s13], $0xC40  }
0xe6: {  	[sflag:s13] =	ssyncset.done $0x0  }
0xe7: {  	[sflag:s13] =	ssyncadd.s32 $0xFFFFF3C0  }
0xe8: {  	_ =	swait.ge [sflag:s13], $0xC40  }
0xe9: {  	[sflag:s13] =	ssyncset.done $0x0  }
0xea: {  	[sflag:s13] =	ssyncadd.s32 $0xFFFFF3C0  }
0xeb: {  	_ =	swait.ge [sflag:s13], $0xC40  }
0xec: {  	[sflag:s13] =	ssyncset.done $0x0  }
0xed: {  	[sflag:s13] =	ssyncadd.s32 $0xFFFFF3C0  }
0xee: {  	_ =	swait.ge [sflag:s13], $0xC40  }
0xef: {  	[sflag:s13] =	ssyncset.done $0x0  }
0xf0: {  	[sflag:s13] =	ssyncadd.s32 $0xFFFFF3C0  }
0xf1: {  	_ =	swait.ge [sflag:s13], $0xC40  }
0xf2: {  	[sflag:s13] =	ssyncset.done $0x0  }
0xf3: {  	[sflag:s13] =	ssyncadd.s32 $0xFFFFF3C0  }
0xf4: {  	_ =	swait.ge [sflag:s13], $0xC40  }
0xf5: {  	[sflag:s13] =	ssyncset.done $0x0  }
0xf6: {  	[sflag:s13] =	ssyncadd.s32 $0xFFFFF3C0  }
0xf7: {  	_ =	swait.ge [sflag:s13], $0xC40  }
0xf8: {  	[sflag:s13] =	ssyncset.done $0x0  }
0xf9: {  	[sflag:s13] =	ssyncadd.s32 $0xFFFFF3C0  }
0xfa: {  	_ =	swait.ge [sflag:s13], $0xC40  }
0xfb: {  	[sflag:s13] =	ssyncset.done $0x0  }
0xfc: {  	[sflag:s13] =	ssyncadd.s32 $0xFFFFF3C0  }
0xfd: {  	_ =	swait.ge [sflag:s13], $0xC40  }
0xfe: {  	[sflag:s13] =	ssyncset.done $0x0  }
0xff: {  	[sflag:s13] =	ssyncadd.s32 $0xFFFFF3C0  }
0x100: {  	_ =	swait.ge [sflag:s13], $0xC40  }
0x101: {  	[sflag:s13] =	ssyncset.done $0x0  }
0x102: {  	[sflag:s13] =	ssyncadd.s32 $0xFFFFF3C0  }
0x103: {  	_ =	swait.ge [sflag:s13], $0xC40  }
0x104: {  	[sflag:s13] =	ssyncset.done $0x0  }
0x105: {  	[sflag:s13] =	ssyncadd.s32 $0xFFFFF3C0  }
0x106: {  	_ =	swait.ge [sflag:s13], $0xC40  }
0x107: {  	[sflag:s13] =	ssyncset.done $0x0  }
0x108: {  	[sflag:s13] =	ssyncadd.s32 $0xFFFFF3C0  }
0x109: {  	_ =	swait.ge [sflag:s13], $0xC40  }
0x10a: {  	[sflag:s13] =	ssyncset.done $0x0  }
0x10b: {  	[sflag:s13] =	ssyncadd.s32 $0xFFFFF3C0  }
0x10c: {  	_ =	swait.ge [sflag:s13], $0xC40  }
0x10d: {  	[sflag:s13] =	ssyncset.done $0x0  }
0x10e: {  	[sflag:s13] =	ssyncadd.s32 $0xFFFFF3C0  }
0x10f: {  	_ =	swait.ge [sflag:s13], $0xC40  }
0x110: {  	[sflag:s13] =	ssyncset.done $0x0  }
0x111: {  	[sflag:s13] =	ssyncadd.s32 $0xFFFFF3C0  }
0x112: {  	_ =	swait.ge [sflag:s13], $0xC40  }
0x113: {  	[sflag:s13] =	ssyncset.done $0x0  }
0x114: {  	[sflag:s13] =	ssyncadd.s32 $0xFFFFF3C0  }
0x115: {  	_ =	swait.ge [sflag:s13], $0xC40  }
0x116: {  	[sflag:s13] =	ssyncset.done $0x0  }
0x117: {  	[sflag:s13] =	ssyncadd.s32 $0xFFFFF3C0  }
0x118: {  	s31 =	sadd.s32 $0x0, s5;
	[bflag:$0x0] =	sbarrier.arrive $0xFFFF  }
0x119: {  	[tilespmem:s1], [sflag:$0x2] =	stream.linear.gather [hbm4b:s31+s1], $0x800, $0x38;
	[tilespmem:$0x1A440] =	vst v63  }
0x11a: {  	_ =	swait.ge [sflag:s11], $0x800  }
0x11b: {  	[sflag:s11] =	ssyncset.done $0x0  }
0x11c: {  	[sflag:s11] =	ssyncadd.s32 $0xFFFFF800  }
0x11d: {  	[spmem:s2] =	stream.indirect.scatter.add.f32 [tilespmem:s10], [sflag:$0x1], $0x10, s14, s14, $0xb8;
	[tilespmem:$0x1A440] =	vst v63  }
0x11e: {  	_ = 	snop  }
0x11f: {  	[spmem:s2] =	stream.indirect.scatter.add.f32 [tilespmem:s10], [sflag:$0x1], $0x10, s15, s14, $0xb8;
	[tilespmem:$0x1A440] =	vst v63  }
0x120: {  	_ = 	snop  }
0x121: {  	[spmem:s2] =	stream.indirect.scatter.add.f32 [tilespmem:s10], [sflag:$0x1], $0x10, s16, s14, $0xb8;
	[tilespmem:$0x1A440] =	vst v63  }
0x122: {  	_ = 	snop  }
0x123: {  	[spmem:s2] =	stream.indirect.scatter.add.f32 [tilespmem:s10], [sflag:$0x1], $0x10, s17, s14, $0xb8;
	[tilespmem:$0x1A440] =	vst v63  }
0x124: {  	_ = 	snop  }
0x125: {  	[spmem:s2] =	stream.indirect.scatter.add.f32 [tilespmem:s10], [sflag:$0x1], $0x10, s18, s14, $0xb8;
	[tilespmem:$0x1A440] =	vst v63  }
0x126: {  	_ = 	snop  }
0x127: {  	[spmem:s2] =	stream.indirect.scatter.add.f32 [tilespmem:s10], [sflag:$0x1], $0x10, s19, s14, $0xb8;
	[tilespmem:$0x1A440] =	vst v63  }
0x128: {  	_ = 	snop  }
0x129: {  	[spmem:s2] =	stream.indirect.scatter.add.f32 [tilespmem:s10], [sflag:$0x1], $0x10, s20, s14, $0xb8;
	[tilespmem:$0x1A440] =	vst v63  }
0x12a: {  	_ = 	snop  }
0x12b: {  	[spmem:s2] =	stream.indirect.scatter.add.f32 [tilespmem:s10], [sflag:$0x1], $0x10, s21, s14, $0xb8;
	[tilespmem:$0x1A440] =	vst v63  }
0x12c: {  	_ =	swait.ge [sflag:s13], $0x800  }
0x12d: {  	[sflag:s13] =	ssyncset.done $0x0  }
0x12e: {  	[sflag:s13] =	ssyncadd.s32 $0xFFFFF800  }
0x12f: {  	_ =	swait.ge [sflag:s13], $0x800  }
0x130: {  	[sflag:s13] =	ssyncset.done $0x0  }
0x131: {  	[sflag:s13] =	ssyncadd.s32 $0xFFFFF800  }
0x132: {  	_ =	swait.ge [sflag:s13], $0x800  }
0x133: {  	[sflag:s13] =	ssyncset.done $0x0  }
0x134: {  	[sflag:s13] =	ssyncadd.s32 $0xFFFFF800  }
0x135: {  	_ =	swait.ge [sflag:s13], $0x800  }
0x136: {  	[sflag:s13] =	ssyncset.done $0x0  }
0x137: {  	[sflag:s13] =	ssyncadd.s32 $0xFFFFF800  }
0x138: {  	_ =	swait.ge [sflag:s13], $0x800  }
0x139: {  	[sflag:s13] =	ssyncset.done $0x0  }
0x13a: {  	[sflag:s13] =	ssyncadd.s32 $0xFFFFF800  }
0x13b: {  	_ =	swait.ge [sflag:s13], $0x800  }
0x13c: {  	[sflag:s13] =	ssyncset.done $0x0  }
0x13d: {  	[sflag:s13] =	ssyncadd.s32 $0xFFFFF800  }
0x13e: {  	_ =	swait.ge [sflag:s13], $0x800  }
0x13f: {  	[sflag:s13] =	ssyncset.done $0x0  }
0x140: {  	[sflag:s13] =	ssyncadd.s32 $0xFFFFF800  }
0x141: {  	_ =	swait.ge [sflag:s13], $0x800  }
0x142: {  	s23 =	simm.s32 $0x100;
	s24 =	simm.s32 $0x200;
	[sflag:s13] =	ssyncset.done $0x0  }
.LBB2_2:
0x143: {  	s26 =	sadd.s32 s23, s5  }
0x144: {  	[sflag:s13] =	ssyncadd.s32 $0xFFFFF800;
	s23 =	smov.u32 s24;
	s25 =	sadd.s32 $0x100, s24  }
0x145: {  	[tilespmem:s1], [sflag:$0x2] =	stream.linear.gather [hbm4b:s26+s1], $0x800, $0x38;
	[tilespmem:$0x1A440] =	vst v63  }
0x146: {  	p0 =	sne.s32 s24, $0x3000;
	_ =	swait.ge [sflag:s11], $0x800  }
0x147: {  	[sflag:s11] =	ssyncset.done $0x0  }
0x148: {  	[sflag:s11] =	ssyncadd.s32 $0xFFFFF800  }
0x149: {  	[spmem:s2] =	stream.indirect.scatter.add.f32 [tilespmem:s10], [sflag:$0x1], $0x10, s14, s14, $0xb8;
	[tilespmem:$0x1A440] =	vst v63  }
0x14a: {  	_ = 	snop  }
0x14b: {  	[spmem:s2] =	stream.indirect.scatter.add.f32 [tilespmem:s10], [sflag:$0x1], $0x10, s15, s14, $0xb8;
	[tilespmem:$0x1A440] =	vst v63  }
0x14c: {  	_ = 	snop  }
0x14d: {  	[spmem:s2] =	stream.indirect.scatter.add.f32 [tilespmem:s10], [sflag:$0x1], $0x10, s16, s14, $0xb8;
	[tilespmem:$0x1A440] =	vst v63  }
0x14e: {  	_ = 	snop  }
0x14f: {  	[spmem:s2] =	stream.indirect.scatter.add.f32 [tilespmem:s10], [sflag:$0x1], $0x10, s17, s14, $0xb8;
	[tilespmem:$0x1A440] =	vst v63  }
0x150: {  	_ = 	snop  }
0x151: {  	[spmem:s2] =	stream.indirect.scatter.add.f32 [tilespmem:s10], [sflag:$0x1], $0x10, s18, s14, $0xb8;
	[tilespmem:$0x1A440] =	vst v63  }
0x152: {  	_ = 	snop  }
0x153: {  	[spmem:s2] =	stream.indirect.scatter.add.f32 [tilespmem:s10], [sflag:$0x1], $0x10, s19, s14, $0xb8;
	[tilespmem:$0x1A440] =	vst v63  }
0x154: {  	_ = 	snop  }
0x155: {  	[spmem:s2] =	stream.indirect.scatter.add.f32 [tilespmem:s10], [sflag:$0x1], $0x10, s20, s14, $0xb8;
	[tilespmem:$0x1A440] =	vst v63  }
0x156: {  	_ = 	snop  }
0x157: {  	[spmem:s2] =	stream.indirect.scatter.add.f32 [tilespmem:s10], [sflag:$0x1], $0x10, s21, s14, $0xb8;
	[tilespmem:$0x1A440] =	vst v63  }
0x158: {  	_ =	swait.ge [sflag:s13], $0x800  }
0x159: {  	[sflag:s13] =	ssyncset.done $0x0  }
0x15a: {  	[sflag:s13] =	ssyncadd.s32 $0xFFFFF800  }
0x15b: {  	_ =	swait.ge [sflag:s13], $0x800  }
0x15c: {  	[sflag:s13] =	ssyncset.done $0x0  }
0x15d: {  	[sflag:s13] =	ssyncadd.s32 $0xFFFFF800  }
0x15e: {  	_ =	swait.ge [sflag:s13], $0x800  }
0x15f: {  	[sflag:s13] =	ssyncset.done $0x0  }
0x160: {  	[sflag:s13] =	ssyncadd.s32 $0xFFFFF800  }
0x161: {  	_ =	swait.ge [sflag:s13], $0x800  }
0x162: {  	[sflag:s13] =	ssyncset.done $0x0  }
0x163: {  	[sflag:s13] =	ssyncadd.s32 $0xFFFFF800  }
0x164: {  	_ =	swait.ge [sflag:s13], $0x800  }
0x165: {  	[sflag:s13] =	ssyncset.done $0x0  }
0x166: {  	[sflag:s13] =	ssyncadd.s32 $0xFFFFF800  }
0x167: {  	_ =	swait.ge [sflag:s13], $0x800  }
0x168: {  	[sflag:s13] =	ssyncset.done $0x0  }
0x169: {  	[sflag:s13] =	ssyncadd.s32 $0xFFFFF800  }
.Ltmp0:
0x16a: {  	_ =	swait.ge [sflag:s13], $0x800;
	(pc) =	sbr.rel @p0 .LBB2_2-.Ltmp0, $4  }
0x16b: {  	[sflag:s13] =	ssyncset.done $0x0  }
0x16c: {  	[sflag:s13] =	ssyncadd.s32 $0xFFFFF800  }
0x16d: {  	_ =	swait.ge [sflag:s13], $0x800  }
0x16e: {  	s24 =	smov.u32 s25;
	[sflag:s13] =	ssyncset.done $0x0  }
0x16f: {  	s23 =	sadd.s32 s23, s5;
	[sflag:s13] =	ssyncadd.s32 $0xFFFFF800  }
0x170: {  	[tilespmem:s1], [sflag:$0x2] =	stream.linear.gather [hbm4b:s23+s1], $0x800, $0x38;
	[tilespmem:$0x1A440] =	vst v63  }
0x171: {  	_ =	swait.ge [sflag:s11], $0x800  }
0x172: {  	[sflag:s11] =	ssyncset.done $0x0  }
0x173: {  	[sflag:s11] =	ssyncadd.s32 $0xFFFFF800  }
0x174: {  	[spmem:s2] =	stream.indirect.scatter.add.f32 [tilespmem:s10], [sflag:$0x1], $0x10, s14, s14, $0xb8;
	[tilespmem:$0x1A440] =	vst v63  }
0x175: {  	_ = 	snop  }
0x176: {  	[spmem:s2] =	stream.indirect.scatter.add.f32 [tilespmem:s10], [sflag:$0x1], $0x10, s15, s14, $0xb8;
	[tilespmem:$0x1A440] =	vst v63  }
0x177: {  	_ = 	snop  }
0x178: {  	[spmem:s2] =	stream.indirect.scatter.add.f32 [tilespmem:s10], [sflag:$0x1], $0x10, s16, s14, $0xb8;
	[tilespmem:$0x1A440] =	vst v63  }
0x179: {  	_ = 	snop  }
0x17a: {  	[spmem:s2] =	stream.indirect.scatter.add.f32 [tilespmem:s10], [sflag:$0x1], $0x10, s17, s14, $0xb8;
	[tilespmem:$0x1A440] =	vst v63  }
0x17b: {  	_ = 	snop  }
0x17c: {  	[spmem:s2] =	stream.indirect.scatter.add.f32 [tilespmem:s10], [sflag:$0x1], $0x10, s18, s14, $0xb8;
	[tilespmem:$0x1A440] =	vst v63  }
0x17d: {  	_ = 	snop  }
0x17e: {  	[spmem:s2] =	stream.indirect.scatter.add.f32 [tilespmem:s10], [sflag:$0x1], $0x10, s19, s14, $0xb8;
	[tilespmem:$0x1A440] =	vst v63  }
0x17f: {  	_ = 	snop  }
0x180: {  	[spmem:s2] =	stream.indirect.scatter.add.f32 [tilespmem:s10], [sflag:$0x1], $0x10, s20, s14, $0xb8;
	[tilespmem:$0x1A440] =	vst v63  }
0x181: {  	_ = 	snop  }
0x182: {  	[spmem:s2] =	stream.indirect.scatter.add.f32 [tilespmem:s10], [sflag:$0x1], $0x10, s21, s14, $0xb8;
	[tilespmem:$0x1A440] =	vst v63  }
0x183: {  	_ =	swait.ge [sflag:s13], $0x800  }
0x184: {  	[sflag:s13] =	ssyncset.done $0x0  }
0x185: {  	[sflag:s13] =	ssyncadd.s32 $0xFFFFF800  }
0x186: {  	_ =	swait.ge [sflag:s13], $0x800  }
0x187: {  	[sflag:s13] =	ssyncset.done $0x0  }
0x188: {  	[sflag:s13] =	ssyncadd.s32 $0xFFFFF800  }
0x189: {  	_ =	swait.ge [sflag:s13], $0x800  }
0x18a: {  	[sflag:s13] =	ssyncset.done $0x0  }
0x18b: {  	[sflag:s13] =	ssyncadd.s32 $0xFFFFF800  }
0x18c: {  	_ =	swait.ge [sflag:s13], $0x800  }
0x18d: {  	[sflag:s13] =	ssyncset.done $0x0  }
0x18e: {  	[sflag:s13] =	ssyncadd.s32 $0xFFFFF800  }
0x18f: {  	_ =	swait.ge [sflag:s13], $0x800  }
0x190: {  	[sflag:s13] =	ssyncset.done $0x0  }
0x191: {  	[sflag:s13] =	ssyncadd.s32 $0xFFFFF800  }
0x192: {  	_ =	swait.ge [sflag:s13], $0x800  }
0x193: {  	[sflag:s13] =	ssyncset.done $0x0  }
0x194: {  	[sflag:s13] =	ssyncadd.s32 $0xFFFFF800  }
0x195: {  	_ =	swait.ge [sflag:s13], $0x800  }
0x196: {  	[sflag:s13] =	ssyncset.done $0x0  }
0x197: {  	[sflag:s13] =	ssyncadd.s32 $0xFFFFF800  }
0x198: {  	_ =	swait.ge [sflag:s13], $0x800  }
0x199: {  	[sflag:s13] =	ssyncset.done $0x0  }
0x19a: {  	[sflag:s13] =	ssyncadd.s32 $0xFFFFF800  }
0x19b: {  	[bflag:$0x0] =	sbarrier.arrive $0xFFFF  }
0x19c: {  	s0 =	sld [smem:$0x7D3]  }
0x19d: {  	s6 =	stileid.u32;
	s25 =	sld [smem:$0x7D2]  }
0x19e: {  	s23 =	sshll.u32 s6, $0x6  }
0x19f: {  	s23 =	sor.u32 $0x1C01, s23;
	s24 =	sshrl.u32 s0, $0x3  }
0x1a0: {  	[hbm:s25], [sflag:s23] =	dma.local [spmem:s24], $0x188  }
0x1a1: {  	s7 =	sld [smem:$0x7D4];
	_ =	sdelay $0x2  }
0x1a2: {  	s25 =	rddreg [dreg:$0x6];
	s8 =	sshrl.u32 s7, $0x3  }
0x1a3: {  	[hbm:s25], [sflag:s23] =	dma.local [spmem:s8], $0x188  }
0x1a4: {  	s9 =	sld [smem:$0x7D5];
	_ =	sdelay $0x2  }
0x1a5: {  	s25 =	rddreg [dreg:$0x7];
	s22 =	sshrl.u32 s9, $0x3  }
0x1a6: {  	[hbm:s25], [sflag:s23] =	dma.local [spmem:s22], $0x188  }
0x1a7: {  	s26 =	sld [smem:$0x7D6];
	_ =	sdelay $0x2  }
0x1a8: {  	s25 =	rddreg [dreg:$0x8];
	s3 =	sshrl.u32 s26, $0x3  }
0x1a9: {  	[hbm:s25], [sflag:s23] =	dma.local [spmem:s3], $0x188  }
0x1aa: {  	s8 =	sld [smem:$0x7F1];
	_ =	sdelay $0x2  }
0x1ab: {  	s25 =	rddreg [dreg:$0x9];
	s4 =	sshrl.u32 s8, $0x3  }
0x1ac: {  	[hbm:s25], [sflag:s23] =	dma.local [spmem:s4], $0x188  }
0x1ad: {  	s6 =	sld [smem:$0x7D7];
	_ =	sdelay $0x2  }
0x1ae: {  	s25 =	rddreg [dreg:$0xa];
	s7 =	sshrl.u32 s6, $0x3  }
0x1af: {  	[hbm:s25], [sflag:s23] =	dma.local [spmem:s7], $0x188  }
0x1b0: {  	s9 =	sld [smem:$0x7D8];
	_ =	sdelay $0x2  }
0x1b1: {  	s25 =	rddreg [dreg:$0xb];
	s22 =	sshrl.u32 s9, $0x3  }
0x1b2: {  	[hbm:s25], [sflag:s23] =	dma.local [spmem:s22], $0x188  }
0x1b3: {  	s26 =	sld [smem:$0x7D9];
	_ =	sdelay $0x2  }
0x1b4: {  	s25 =	rddreg [dreg:$0xc];
	s0 =	sshrl.u32 s26, $0x3  }
0x1b5: {  	[hbm:s25], [sflag:s23] =	dma.local [spmem:s0], $0x188  }
0x1b6: {  	s3 =	sld [smem:$0x7DB];
	_ =	sdelay $0x2  }
0x1b7: {  	s25 =	rddreg [dreg:$0xd];
	s4 =	sshrl.u32 s3, $0x3  }
0x1b8: {  	[hbm:s25], [sflag:s23] =	dma.local [spmem:s4], $0x188  }
0x1b9: {  	s6 =	sld [smem:$0x7DD];
	_ =	sdelay $0x2  }
0x1ba: {  	s25 =	rddreg [dreg:$0xe];
	s7 =	sshrl.u32 s6, $0x3  }
0x1bb: {  	[hbm:s25], [sflag:s23] =	dma.local [spmem:s7], $0x188  }
0x1bc: {  	s9 =	sld [smem:$0x7DF];
	_ =	sdelay $0x2  }
0x1bd: {  	s25 =	rddreg [dreg:$0xf];
	s22 =	sshrl.u32 s9, $0x3  }
0x1be: {  	[hbm:s25], [sflag:s23] =	dma.local [spmem:s22], $0x188  }
0x1bf: {  	s26 =	sld [smem:$0x7E1];
	_ =	sdelay $0x2  }
0x1c0: {  	s25 =	rddreg [dreg:$0x10];
	s0 =	sshrl.u32 s26, $0x3  }
0x1c1: {  	[hbm:s25], [sflag:s23] =	dma.local [spmem:s0], $0x188  }
0x1c2: {  	s3 =	sld [smem:$0x7E3];
	_ =	sdelay $0x2  }
0x1c3: {  	s25 =	rddreg [dreg:$0x11];
	s4 =	sshrl.u32 s3, $0x3  }
0x1c4: {  	[hbm:s25], [sflag:s23] =	dma.local [spmem:s4], $0x188  }
0x1c5: {  	s6 =	sld [smem:$0x7E5];
	_ =	sdelay $0x2  }
0x1c6: {  	s25 =	rddreg [dreg:$0x12];
	s7 =	sshrl.u32 s6, $0x3  }
0x1c7: {  	[hbm:s25], [sflag:s23] =	dma.local [spmem:s7], $0x188  }
0x1c8: {  	s9 =	sld [smem:$0x7E7];
	_ =	sdelay $0x2  }
0x1c9: {  	s25 =	rddreg [dreg:$0x13];
	s22 =	sshrl.u32 s9, $0x3  }
0x1ca: {  	[hbm:s25], [sflag:s23] =	dma.local [spmem:s22], $0x188  }
0x1cb: {  	s26 =	sld [smem:$0x7E9];
	_ =	sdelay $0x2  }
0x1cc: {  	s25 =	rddreg [dreg:$0x14];
	s0 =	sshrl.u32 s26, $0x3  }
0x1cd: {  	[hbm:s25], [sflag:s23] =	dma.local [spmem:s0], $0x188  }
0x1ce: {  	s3 =	sld [smem:$0x7EA];
	_ =	sdelay $0x2  }
0x1cf: {  	s25 =	rddreg [dreg:$0x15];
	s4 =	sshrl.u32 s3, $0x3  }
0x1d0: {  	[hbm:s25], [sflag:s23] =	dma.local [spmem:s4], $0x188  }
0x1d1: {  	s6 =	sld [smem:$0x7EC];
	_ =	sdelay $0x2  }
0x1d2: {  	s25 =	rddreg [dreg:$0x16];
	s7 =	sshrl.u32 s6, $0x3  }
0x1d3: {  	[hbm:s25], [sflag:s23] =	dma.local [spmem:s7], $0x188  }
0x1d4: {  	s9 =	sld [smem:$0x7ED];
	_ =	sdelay $0x2  }
0x1d5: {  	s25 =	rddreg [dreg:$0x17];
	s22 =	sshrl.u32 s9, $0x3  }
0x1d6: {  	[hbm:s25], [sflag:s23] =	dma.local [spmem:s22], $0x188  }
0x1d7: {  	s26 =	sld [smem:$0x7EE];
	_ =	sdelay $0x2  }
0x1d8: {  	s25 =	rddreg [dreg:$0x18];
	s0 =	sshrl.u32 s26, $0x3  }
0x1d9: {  	[hbm:s25], [sflag:s23] =	dma.local [spmem:s0], $0x188  }
0x1da: {  	s9 =	sld [smem:$0x7F2];
	_ =	sdelay $0x2  }
0x1db: {  	s25 =	rddreg [dreg:$0x19];
	s3 =	sshrl.u32 s9, $0x3  }
0x1dc: {  	[hbm:s25], [sflag:s23] =	dma.local [spmem:s3], $0x188  }
0x1dd: {  	s7 =	sld [smem:$0x7F3];
	_ =	sdelay $0x2  }
0x1de: {  	s25 =	rddreg [dreg:$0x1a];
	s4 =	sshrl.u32 s7, $0x3  }
0x1df: {  	[hbm:s25], [sflag:s23] =	dma.local [spmem:s4], $0x188  }
0x1e0: {  	s0 =	sld [smem:$0x7F4];
	_ =	sdelay $0x2  }
0x1e1: {  	s25 =	rddreg [dreg:$0x1b];
	s6 =	sshrl.u32 s0, $0x3  }
0x1e2: {  	[hbm:s25], [sflag:s23] =	dma.local [spmem:s6], $0x188  }
0x1e3: {  	s26 =	sld [smem:$0x7F5];
	_ =	sdelay $0x2  }
0x1e4: {  	s25 =	rddreg [dreg:$0x1c];
	s22 =	sshrl.u32 s26, $0x3  }
0x1e5: {  	[hbm:s25], [sflag:s23] =	dma.local [spmem:s22], $0x188  }
0x1e6: {  	s30 =	sld [smem:$0x7F6];
	_ =	sdelay $0x2  }
0x1e7: {  	s25 =	rddreg [dreg:$0x1d];
	s3 =	sshrl.u32 s30, $0x3  }
0x1e8: {  	[hbm:s25], [sflag:s23] =	dma.local [spmem:s3], $0x188  }
0x1e9: {  	s22 =	sld [smem:$0x7F7];
	_ =	sdelay $0x2  }
0x1ea: {  	s25 =	rddreg [dreg:$0x1e];
	s4 =	sshrl.u32 s22, $0x3  }
0x1eb: {  	[hbm:s25], [sflag:s23] =	dma.local [spmem:s4], $0x188  }
0x1ec: {  	s4 =	sld [smem:$0x7F8];
	_ =	sdelay $0x2  }
0x1ed: {  	s25 =	rddreg [dreg:$0x1f];
	s6 =	sshrl.u32 s4, $0x3  }
0x1ee: {  	[hbm:s25], [sflag:s23] =	dma.local [spmem:s6], $0x188  }
0x1ef: {  	s6 =	sld [smem:$0x7F9]  }
0x1f0: {  	s25 =	sld [smem:$0x7CD];
	_ =	sdelay $0x1  }
0x1f1: {  	s3 =	sshrl.u32 s6, $0x3  }
0x1f2: {  	[hbm:s25], [sflag:s23] =	dma.local [spmem:s3], $0x188  }
0x1f3: {  	s28 =	sld [smem:$0x7FA]  }
0x1f4: {  	s25 =	sld [smem:$0x7CE];
	_ =	sdelay $0x1  }
0x1f5: {  	s3 =	sshrl.u32 s28, $0x3  }
0x1f6: {  	[hbm:s25], [sflag:s23] =	dma.local [spmem:s3], $0x188  }
0x1f7: {  	s29 =	sld [smem:$0x7FB]  }
0x1f8: {  	s25 =	sld [smem:$0x7CF];
	_ =	sdelay $0x1  }
0x1f9: {  	s3 =	sshrl.u32 s29, $0x3  }
0x1fa: {  	[hbm:s25], [sflag:s23] =	dma.local [spmem:s3], $0x188  }
0x1fb: {  	s31 =	sld [smem:$0x7FC]  }
0x1fc: {  	s25 =	sld [smem:$0x7D0];
	_ =	sdelay $0x1  }
0x1fd: {  	s3 =	sshrl.u32 s31, $0x3  }
0x1fe: {  	[hbm:s25], [sflag:s23] =	dma.local [spmem:s3], $0x188  }
0x1ff: {  	s3 =	sld [smem:$0x7FD]  }
0x200: {  	s25 =	sld [smem:$0x7D1];
	_ =	sdelay $0x1  }
0x201: {  	s24 =	sshrl.u32 s3, $0x3  }
0x202: {  	[hbm:s25], [sflag:s23] =	dma.local [spmem:s24], $0x188  }
0x203: {  	_ =	swait.ge [sflag:s13], $0x188  }
0x204: {  	[sflag:s13] =	ssyncset.done $0x0  }
0x205: {  	[sflag:s13] =	ssyncadd.s32 $0xFFFFFE78  }
0x206: {  	_ =	swait.ge [sflag:s13], $0x188  }
0x207: {  	[sflag:s13] =	ssyncset.done $0x0  }
0x208: {  	[sflag:s13] =	ssyncadd.s32 $0xFFFFFE78  }
0x209: {  	_ =	swait.ge [sflag:s13], $0x188  }
0x20a: {  	[sflag:s13] =	ssyncset.done $0x0  }
0x20b: {  	[sflag:s13] =	ssyncadd.s32 $0xFFFFFE78  }
0x20c: {  	_ =	swait.ge [sflag:s13], $0x188  }
0x20d: {  	[sflag:s13] =	ssyncset.done $0x0  }
0x20e: {  	[sflag:s13] =	ssyncadd.s32 $0xFFFFFE78  }
0x20f: {  	_ =	swait.ge [sflag:s13], $0x188  }
0x210: {  	[sflag:s13] =	ssyncset.done $0x0  }
0x211: {  	[sflag:s13] =	ssyncadd.s32 $0xFFFFFE78  }
0x212: {  	_ =	swait.ge [sflag:s13], $0x188  }
0x213: {  	[sflag:s13] =	ssyncset.done $0x0  }
0x214: {  	[sflag:s13] =	ssyncadd.s32 $0xFFFFFE78  }
0x215: {  	_ =	swait.ge [sflag:s13], $0x188  }
0x216: {  	[sflag:s13] =	ssyncset.done $0x0  }
0x217: {  	[sflag:s13] =	ssyncadd.s32 $0xFFFFFE78  }
0x218: {  	_ =	swait.ge [sflag:s13], $0x188  }
0x219: {  	[sflag:s13] =	ssyncset.done $0x0  }
0x21a: {  	[sflag:s13] =	ssyncadd.s32 $0xFFFFFE78  }
0x21b: {  	_ =	swait.ge [sflag:s13], $0x188  }
0x21c: {  	[sflag:s13] =	ssyncset.done $0x0  }
0x21d: {  	[sflag:s13] =	ssyncadd.s32 $0xFFFFFE78  }
0x21e: {  	_ =	swait.ge [sflag:s13], $0x188  }
0x21f: {  	[sflag:s13] =	ssyncset.done $0x0  }
0x220: {  	[sflag:s13] =	ssyncadd.s32 $0xFFFFFE78  }
0x221: {  	_ =	swait.ge [sflag:s13], $0x188  }
0x222: {  	[sflag:s13] =	ssyncset.done $0x0  }
0x223: {  	[sflag:s13] =	ssyncadd.s32 $0xFFFFFE78  }
0x224: {  	_ =	swait.ge [sflag:s13], $0x188  }
0x225: {  	[sflag:s13] =	ssyncset.done $0x0  }
0x226: {  	[sflag:s13] =	ssyncadd.s32 $0xFFFFFE78  }
0x227: {  	_ =	swait.ge [sflag:s13], $0x188  }
0x228: {  	[sflag:s13] =	ssyncset.done $0x0  }
0x229: {  	[sflag:s13] =	ssyncadd.s32 $0xFFFFFE78  }
0x22a: {  	_ =	swait.ge [sflag:s13], $0x188  }
0x22b: {  	[sflag:s13] =	ssyncset.done $0x0  }
0x22c: {  	[sflag:s13] =	ssyncadd.s32 $0xFFFFFE78  }
0x22d: {  	_ =	swait.ge [sflag:s13], $0x188  }
0x22e: {  	[sflag:s13] =	ssyncset.done $0x0  }
0x22f: {  	[sflag:s13] =	ssyncadd.s32 $0xFFFFFE78  }
0x230: {  	_ =	swait.ge [sflag:s13], $0x188  }
0x231: {  	[sflag:s13] =	ssyncset.done $0x0  }
0x232: {  	[sflag:s13] =	ssyncadd.s32 $0xFFFFFE78  }
0x233: {  	_ =	swait.ge [sflag:s13], $0x188  }
0x234: {  	[sflag:s13] =	ssyncset.done $0x0  }
0x235: {  	[sflag:s13] =	ssyncadd.s32 $0xFFFFFE78  }
0x236: {  	_ =	swait.ge [sflag:s13], $0x188  }
0x237: {  	[sflag:s13] =	ssyncset.done $0x0  }
0x238: {  	[sflag:s13] =	ssyncadd.s32 $0xFFFFFE78  }
0x239: {  	_ =	swait.ge [sflag:s13], $0x188  }
0x23a: {  	[sflag:s13] =	ssyncset.done $0x0  }
0x23b: {  	[sflag:s13] =	ssyncadd.s32 $0xFFFFFE78  }
0x23c: {  	_ =	swait.ge [sflag:s13], $0x188  }
0x23d: {  	[sflag:s13] =	ssyncset.done $0x0  }
0x23e: {  	[sflag:s13] =	ssyncadd.s32 $0xFFFFFE78  }
0x23f: {  	_ =	swait.ge [sflag:s13], $0x188  }
0x240: {  	[sflag:s13] =	ssyncset.done $0x0  }
0x241: {  	[sflag:s13] =	ssyncadd.s32 $0xFFFFFE78  }
0x242: {  	_ =	swait.ge [sflag:s13], $0x188  }
0x243: {  	[sflag:s13] =	ssyncset.done $0x0  }
0x244: {  	[sflag:s13] =	ssyncadd.s32 $0xFFFFFE78  }
0x245: {  	_ =	swait.ge [sflag:s13], $0x188  }
0x246: {  	[sflag:s13] =	ssyncset.done $0x0  }
0x247: {  	[sflag:s13] =	ssyncadd.s32 $0xFFFFFE78  }
0x248: {  	_ =	swait.ge [sflag:s13], $0x188  }
0x249: {  	[sflag:s13] =	ssyncset.done $0x0  }
0x24a: {  	[sflag:s13] =	ssyncadd.s32 $0xFFFFFE78  }
0x24b: {  	_ =	swait.ge [sflag:s13], $0x188  }
0x24c: {  	[sflag:s13] =	ssyncset.done $0x0  }
0x24d: {  	[sflag:s13] =	ssyncadd.s32 $0xFFFFFE78  }
0x24e: {  	_ =	swait.ge [sflag:s13], $0x188  }
0x24f: {  	[sflag:s13] =	ssyncset.done $0x0  }
0x250: {  	[sflag:s13] =	ssyncadd.s32 $0xFFFFFE78  }
0x251: {  	_ =	swait.ge [sflag:s13], $0x188  }
0x252: {  	[sflag:s13] =	ssyncset.done $0x0  }
0x253: {  	[sflag:s13] =	ssyncadd.s32 $0xFFFFFE78  }
0x254: {  	_ =	swait.ge [sflag:s13], $0x188  }
0x255: {  	[sflag:s13] =	ssyncset.done $0x0  }
0x256: {  	[sflag:s13] =	ssyncadd.s32 $0xFFFFFE78  }
0x257: {  	_ =	swait.ge [sflag:s13], $0x188  }
0x258: {  	[sflag:s13] =	ssyncset.done $0x0  }
0x259: {  	[sflag:s13] =	ssyncadd.s32 $0xFFFFFE78  }
0x25a: {  	_ =	swait.ge [sflag:s13], $0x188  }
0x25b: {  	[sflag:s13] =	ssyncset.done $0x0  }
0x25c: {  	[sflag:s13] =	ssyncadd.s32 $0xFFFFFE78  }
0x25d: {  	_ =	swait.ge [sflag:s13], $0x188  }
0x25e: {  	[sflag:s13] =	ssyncset.done $0x0  }
0x25f: {  	[sflag:s13] =	ssyncadd.s32 $0xFFFFFE78  }
0x260: {  	_ =	swait.ge [sflag:s13], $0x188  }
0x261: {  	s23 =	sld [smem:$0x7CC]  }
0x262: {  	s25 =	sld [smem:$0x7F0];
	_ =	sdelay $0x1  }
0x263: {  	s24 =	sadd.s32 $0x1, s23  }
0x264: {  	p0 =	sne.s32 s24, s25  }
.Ltmp1:
0x265: {  	_ = 	snop;
	(pc) =	sbr.rel @p0 .LBB2_1-.Ltmp1, $3  }
0x266: {  	_ =	sdelay $0x1  }
0x267: {  	[sflag:s13] =	ssyncset.done $0x0  }
0x268: {  	[sflag:s13] =	ssyncadd.s32 $0xFFFFFE78  }
0x269: {  	_ =	sfence.sel $0x180000  }
0x26a: {  	[bflag:$0x0] =	sbarrier.arrive $0xFFFF  }
0x26b: {  	_ =	strace $0x90000047  }
0x26c: {  	s0 =	stileid.u32;
	[bflag:$0x2] =	sbarrier.arrive $0xFFFF  }
0x26d: {  	p0 =	sne.s32 s0, $0x0;
	s0 =	rddreg [dreg:$0x5]  }
0x26e: {  	s0 =	sadd.s32 @!p0 $0x100000, s0  }
0x26f: {  	[sflag:s0] =	ssyncadd.tile.s32 @!p0 $0x1;
	_ =	shalt  }
.Lfunc_end2:
_tile_overlayer_lowered:
.L_overlay_start_2:
0x270: {  	(tag) =	ssettag $0x2  }
0x271: {  	s0 =	rddreg [dreg:$0x0];
	s2 =	stileid.u32  }
0x272: {  	s1 =	rddreg [dreg:$0x1];
	p0 =	sne.s32 s2, $0x0  }
0x273: {  	s3 =	rddreg [dreg:$0x2];
	[bflag:$0x3] =	sbarrier.arrive $0xFFFF;
	s2 =	simm.s32 @!p0 $0x1C02  }
0x274: {  	[timem:s3], [sflag:s2] =	dma.local @!p0 [hbm:s0], s1  }
0x275: {  	s0 =	simm.s32 @!p0 $0x2  }
0x276: {  	_ =	swait.ge @!p0 [sflag:s0], s1  }
0x277: {  	s1 =	ssub.s32 @!p0 $0x0, s1;
	[sflag:s0] =	ssyncset.done @!p0 $0x0  }
0x278: {  	[sflag:s0] =	ssyncadd.s32 @!p0 s1  }
0x279: {  	[bflag:$0x3] =	sbarrier.arrive $0xFFFF  }
0x27a: {  	_ =	shalt  }

</sc_bundles>
